<compile_context>
chip_gen: v7x
topology: tpu7x:2x2x1
jax: 0.10.2.dev20260603
libtpu: 0.0.44.dev20260713+nightly
codegen_flags: <defaults>
</compile_context>

<pallas_src>
import functools

import jax
import jax.numpy as jnp
from jax import lax
from jax.experimental import pallas as pl
from jax.experimental.pallas import tpu as pltpu
from jax.experimental.pallas import tpu_sc as plsc

KL = 8
CB = 8192


def _table_rowmajor(token_table):
    V, D = token_table.shape
    tokT = token_table.T
    nfull = V // CB
    tail = V - nfull * CB
    tail_rows = tail * D // 128
    tokT_tail = lax.slice(tokT, (0, nfull * CB), (D, V))
    rows_out = (nfull + 1) * (CB * D // 128)

    def merge(xb):
        n = xb.shape[1]
        t = jnp.transpose(xb, (1, 0))
        t3 = t.reshape(n // 4, 4, D)
        parts = [
            lax.squeeze(lax.slice(t3, (0, k, 0), (n // 4, k + 1, D)), [1])
            for k in range(4)
        ]
        return jnp.concatenate(parts, axis=1)

    def body(x_ref, tail_ref, o_ref):
        g = pl.program_id(0)

        @pl.when(g < nfull)
        def _():
            o_ref[...] = merge(x_ref[...])

        @pl.when(g == nfull)
        def _():
            o_ref[pl.ds(0, tail_rows), :] = merge(tail_ref[...])

    return pl.pallas_call(
        body,
        grid=(nfull + 1,),
        in_specs=[
            pl.BlockSpec((D, CB), lambda g: (0, jnp.minimum(g, nfull - 1))),
            pl.BlockSpec((D, tail), lambda g: (0, 0)),
        ],
        out_specs=pl.BlockSpec((CB * D // 128, 128), lambda g: (g, 0)),
        out_shape=jax.ShapeDtypeStruct((rows_out, 128), jnp.float32),
    )(tokT, tokT_tail)


def kernel(x, token_table, pos_table):
    B, L = x.shape
    V, D = token_table.shape
    info = plsc.get_sparse_core_info()
    NC, NS = info.num_cores, info.num_subcores
    NW = NC * NS
    BW = B // NW
    n_it = L // KL
    xT = x.T.astype(jnp.int32)

    tok128 = _table_rowmajor(token_table)
    Vp = tok128.shape[0] * 128 // D
    tok_rm = tok128.reshape(Vp, D)

    mesh = plsc.VectorSubcoreMesh(core_axis_name="c", subcore_axis_name="s")

    @functools.partial(
        pl.kernel,
        out_type=jax.ShapeDtypeStruct((L, B, D), jnp.float32),
        mesh=mesh,
        compiler_params=pltpu.CompilerParams(use_tc_tiling_on_sc=False),
        scratch_types=[
            pltpu.VMEM((KL, BW), jnp.int32),
            pltpu.VMEM((KL, BW, D), jnp.float32),
            pltpu.VMEM((L, D), jnp.float32),
            pltpu.SemaphoreType.DMA,
        ],
    )
    def sc_kernel(xT_hbm, tok_hbm, pos_hbm, out_hbm, idx_v, rows_v, pos_v, sem):
        wid = lax.axis_index("s") * NC + lax.axis_index("c")
        col0 = pl.multiple_of(wid * BW, BW)
        pltpu.sync_copy(pos_hbm, pos_v)

        @pl.loop(0, n_it)
        def _chunk(it):
            l0 = pl.multiple_of(it * KL, KL)
            pltpu.sync_copy(xT_hbm.at[pl.ds(l0, KL), pl.ds(col0, BW)], idx_v)
            copies = [
                pltpu.async_copy(tok_hbm.at[idx_v.at[j]], rows_v.at[j], sem)
                for j in range(KL)
            ]
            for c in copies:
                c.wait()

            for j in range(KL):
                p0 = pos_v[l0 + j, pl.ds(0, 16)]
                p1 = pos_v[l0 + j, pl.ds(16, 16)]

                @pl.loop(0, BW // 8)
                def _rows(tb, j=j, p0=p0, p1=p1):
                    for tt in range(8):
                        r = tb * 8 + tt
                        rows_v[j, r, pl.ds(0, 16)] = (
                            rows_v[j, r, pl.ds(0, 16)] + p0
                        )
                        rows_v[j, r, pl.ds(16, 16)] = (
                            rows_v[j, r, pl.ds(16, 16)] + p1
                        )

            pltpu.sync_copy(
                rows_v, out_hbm.at[pl.ds(l0, KL), pl.ds(col0, BW)]
            )

    out = sc_kernel(xT, tok_rm, pos_table)
    return out.transpose(1, 0, 2)

# --- scband reference (transcript-rebuilt; emitter-appended) ---
"""Pipeline reference for scband-token-and-position-embedding-38362647888437 (READ-ONLY COPY).

The authoritative reference and input builder live on the scoring server;
editing this copy changes nothing except your own understanding.
"""

import jax, jax.numpy as jnp
import numpy as np

VOCAB_SIZE = 1000000
MAXLEN = 200
EMBED_DIM = 32
BATCH = 4096

def setup_inputs(seed: int = 0) -> dict:
    key = jax.random.key(seed)
    k1, k2, k3 = jax.random.split(key, 3)
    x = jax.random.randint(k1, (BATCH, MAXLEN), 0, VOCAB_SIZE, dtype=jnp.int64 if jax.config.jax_enable_x64 else jnp.int32)
    token_table = jax.random.normal(k2, (VOCAB_SIZE, EMBED_DIM), dtype=jnp.float32) * 0.02
    pos_table = jax.random.normal(k3, (MAXLEN, EMBED_DIM), dtype=jnp.float32) * 0.02
    return {"x": x, "token_table": token_table, "pos_table": pos_table}

def reference(x, token_table, pos_table):
    # maxlen = tf.shape(x)[-1]; positions = range(0, maxlen)
    seq_len = x.shape[-1]
    positions = jnp.arange(seq_len)
    pos_emb = jnp.take(pos_table, positions, axis=0)          # [L, D]
    tok_emb = jnp.take(token_table, x, axis=0)                # [B, L, D]
    return tok_emb + pos_emb[None, :, :]

if __name__ == "__main__":
    import jax
    _d = setup_inputs()
    print(jax.jit(kernel)(*tuple(_d.values())))

</pallas_src>

<mosaic_0001>
#map = affine_map<(d0, d1) -> (0, 0)>
#map1 = affine_map<(d0, d1) -> (0, 0, 0)>
module attributes {stable_mosaic.version = 14 : i64} {
  func.func @sc_kernel(%arg0: i32, %arg1: i32, %arg2: memref<200x4096xi32, #tpu.memory_space<hbm>>, %arg3: memref<1007616x32xf32, #tpu.memory_space<hbm>>, %arg4: memref<200x32xf32, #tpu.memory_space<hbm>>, %arg5: memref<200x4096x32xf32, #tpu.memory_space<hbm>>, %arg6: memref<8x128xi32, #tpu.memory_space<vmem>>, %arg7: memref<8x128x32xf32, #tpu.memory_space<vmem>>, %arg8: memref<200x32xf32, #tpu.memory_space<vmem>>, %arg9: memref<!tpu.dma_semaphore, #tpu.memory_space<semaphore_mem>>) attributes {dimension_semantics = [#tpu.dimension_semantics<core_parallel>, #tpu.dimension_semantics<subcore_parallel>], iteration_bounds = array<i64: 2, 16>, scalar_prefetch = 0 : i64, scratch_operands = 4 : i64, tpu.core_type = #tpu.core_type<sc_vector_subcore>, window_params = [{transform_indices = #map}, {transform_indices = #map}, {transform_indices = #map}, {transform_indices = #map1}]} {
    %mul3A = arith.constant 2 : i32
    %mul3A_0 = arith.muli %arg1, %mul3A : i32
    %add3A = arith.addi %mul3A_0, %arg0 : i32
    %mul3A_1 = arith.constant 128 : i32
    %mul3A_2 = arith.muli %add3A, %mul3A_1 : i32
    %multiple_of3A = tpu.assume_multiple %mul3A_2, 128 : i32
    "tpu.region"() ({
      %run_scoped3A = tpu.sem_alloc : memref<!tpu.dma_semaphore, #tpu.memory_space<semaphore_mem>>
      tpu.enqueue_dma source(%arg4 : memref<200x32xf32, #tpu.memory_space<hbm>>) target(%arg8 : memref<200x32xf32, #tpu.memory_space<vmem>>) target_semaphore(%run_scoped3A : memref<!tpu.dma_semaphore, #tpu.memory_space<semaphore_mem>>)
      tpu.wait_dma2 semaphore(%run_scoped3A : memref<!tpu.dma_semaphore, #tpu.memory_space<semaphore_mem>>) src(%arg4 : memref<200x32xf32, #tpu.memory_space<hbm>>) dst(%arg8 : memref<200x32xf32, #tpu.memory_space<vmem>>)
      tpu.yield
    }) : () -> ()
    %scan3A = arith.constant 0 : i32
    %scan3A_3 = arith.constant 25 : i32
    %scan3A_4 = arith.addi %scan3A, %scan3A_3 : i32
    %scan3A_5 = arith.constant 1 : i32
    scf.for %scan3A_7 = %scan3A to %scan3A_4 step %scan3A_5  : i32 {
      %mul3A_8 = arith.constant 1 : i32
      %mul3A_9 = arith.muli %scan3A_7, %mul3A_8 : i32
      %add3A_10 = arith.constant 0 : i32
      %add3A_11 = arith.addi %add3A_10, %mul3A_9 : i32
      %mul3A_12 = arith.constant 8 : i32
      %mul3A_13 = arith.muli %add3A_11, %mul3A_12 : i32
      %multiple_of3A_14 = tpu.assume_multiple %mul3A_13, 8 : i32
      "tpu.region"() ({
        %run_scoped3A = tpu.sem_alloc : memref<!tpu.dma_semaphore, #tpu.memory_space<semaphore_mem>>
        %dma_start3A_340 = tpu.memref_slice %arg2[%multiple_of3A_14, %multiple_of3A] : memref<200x4096xi32, #tpu.memory_space<hbm>> -> memref<8x128xi32, #tpu.memory_space<hbm>>
        %dma_start3A_341 = tpu.memref_slice %arg2[%multiple_of3A_14, %multiple_of3A] : memref<200x4096xi32, #tpu.memory_space<hbm>> -> memref<8x128xi32, #tpu.memory_space<hbm>>
        tpu.enqueue_dma source(%dma_start3A_341 : memref<8x128xi32, #tpu.memory_space<hbm>>) target(%arg6 : memref<8x128xi32, #tpu.memory_space<vmem>>) target_semaphore(%run_scoped3A : memref<!tpu.dma_semaphore, #tpu.memory_space<semaphore_mem>>)
        %dma_wait3A_342 = tpu.memref_slice %arg2[%multiple_of3A_14, %multiple_of3A] : memref<200x4096xi32, #tpu.memory_space<hbm>> -> memref<8x128xi32, #tpu.memory_space<hbm>>
        %dma_wait3A_343 = tpu.memref_slice %arg2[%multiple_of3A_14, %multiple_of3A] : memref<200x4096xi32, #tpu.memory_space<hbm>> -> memref<8x128xi32, #tpu.memory_space<hbm>>
        tpu.wait_dma2 semaphore(%run_scoped3A : memref<!tpu.dma_semaphore, #tpu.memory_space<semaphore_mem>>) src(%dma_wait3A_343 : memref<8x128xi32, #tpu.memory_space<hbm>>) dst(%arg6 : memref<8x128xi32, #tpu.memory_space<vmem>>)
        tpu.yield
      }) : () -> ()
      %dma_start3A = arith.constant 0 : i32
      %dma_start3A_15 = arith.constant 0 : i32
      %dma_start3A_16 = arith.constant 0 : i32
      %dma_start3A_17 = arith.constant 0 : i32
      %dma_start3A_18 = tpu.memref_slice %arg7[%dma_start3A_15, %dma_start3A_16, %dma_start3A_17] : memref<8x128x32xf32, #tpu.memory_space<vmem>> -> memref<1x128x32xf32, #tpu.memory_space<vmem>>
      %dma_start3A_19 = tpu.memref_squeeze %dma_start3A_18 : memref<1x128x32xf32, #tpu.memory_space<vmem>> -> memref<128x32xf32, #tpu.memory_space<vmem>>
      %dma_start3A_20 = arith.constant 0 : i32
      %dma_start3A_21 = tpu.memref_slice %arg6[%dma_start3A, %dma_start3A_20] : memref<8x128xi32, #tpu.memory_space<vmem>> -> memref<1x128xi32, #tpu.memory_space<vmem>>
      %dma_start3A_22 = tpu.memref_squeeze %dma_start3A_21 : memref<1x128xi32, #tpu.memory_space<vmem>> -> memref<128xi32, #tpu.memory_space<vmem>>
      %dma_start3A_23 = arith.constant 0 : i32
      %dma_start3A_24 = arith.constant 0 : i32
      %dma_start3A_25 = tpu.memref_slice %arg3[%dma_start3A_23, %dma_start3A_24] : memref<1007616x32xf32, #tpu.memory_space<hbm>> -> memref<1007616x32xf32, #tpu.memory_space<hbm>>
      tpu.enqueue_indirect_dma source(%dma_start3A_25 : memref<1007616x32xf32, #tpu.memory_space<hbm>>) target(%dma_start3A_19 : memref<128x32xf32, #tpu.memory_space<vmem>>) offsets(%dma_start3A_22 : memref<128xi32, #tpu.memory_space<vmem>>) semaphore(%arg9 : memref<!tpu.dma_semaphore, #tpu.memory_space<semaphore_mem>>)
      %dma_start3A_26 = arith.constant 1 : i32
      %dma_start3A_27 = arith.constant 1 : i32
      %dma_start3A_28 = arith.constant 0 : i32
      %dma_start3A_29 = arith.constant 0 : i32
      %dma_start3A_30 = tpu.memref_slice %arg7[%dma_start3A_27, %dma_start3A_28, %dma_start3A_29] : memref<8x128x32xf32, #tpu.memory_space<vmem>> -> memref<1x128x32xf32, #tpu.memory_space<vmem>>
      %dma_start3A_31 = tpu.memref_squeeze %dma_start3A_30 : memref<1x128x32xf32, #tpu.memory_space<vmem>> -> memref<128x32xf32, #tpu.memory_space<vmem>>
      %dma_start3A_32 = arith.constant 0 : i32
      %dma_start3A_33 = tpu.memref_slice %arg6[%dma_start3A_26, %dma_start3A_32] : memref<8x128xi32, #tpu.memory_space<vmem>> -> memref<1x128xi32, #tpu.memory_space<vmem>>
      %dma_start3A_34 = tpu.memref_squeeze %dma_start3A_33 : memref<1x128xi32, #tpu.memory_space<vmem>> -> memref<128xi32, #tpu.memory_space<vmem>>
      %dma_start3A_35 = arith.constant 0 : i32
      %dma_start3A_36 = arith.constant 0 : i32
      %dma_start3A_37 = tpu.memref_slice %arg3[%dma_start3A_35, %dma_start3A_36] : memref<1007616x32xf32, #tpu.memory_space<hbm>> -> memref<1007616x32xf32, #tpu.memory_space<hbm>>
      tpu.enqueue_indirect_dma source(%dma_start3A_37 : memref<1007616x32xf32, #tpu.memory_space<hbm>>) target(%dma_start3A_31 : memref<128x32xf32, #tpu.memory_space<vmem>>) offsets(%dma_start3A_34 : memref<128xi32, #tpu.memory_space<vmem>>) semaphore(%arg9 : memref<!tpu.dma_semaphore, #tpu.memory_space<semaphore_mem>>)
      %dma_start3A_38 = arith.constant 2 : i32
      %dma_start3A_39 = arith.constant 2 : i32
      %dma_start3A_40 = arith.constant 0 : i32
      %dma_start3A_41 = arith.constant 0 : i32
      %dma_start3A_42 = tpu.memref_slice %arg7[%dma_start3A_39, %dma_start3A_40, %dma_start3A_41] : memref<8x128x32xf32, #tpu.memory_space<vmem>> -> memref<1x128x32xf32, #tpu.memory_space<vmem>>
      %dma_start3A_43 = tpu.memref_squeeze %dma_start3A_42 : memref<1x128x32xf32, #tpu.memory_space<vmem>> -> memref<128x32xf32, #tpu.memory_space<vmem>>
      %dma_start3A_44 = arith.constant 0 : i32
      %dma_start3A_45 = tpu.memref_slice %arg6[%dma_start3A_38, %dma_start3A_44] : memref<8x128xi32, #tpu.memory_space<vmem>> -> memref<1x128xi32, #tpu.memory_space<vmem>>
      %dma_start3A_46 = tpu.memref_squeeze %dma_start3A_45 : memref<1x128xi32, #tpu.memory_space<vmem>> -> memref<128xi32, #tpu.memory_space<vmem>>
      %dma_start3A_47 = arith.constant 0 : i32
      %dma_start3A_48 = arith.constant 0 : i32
      %dma_start3A_49 = tpu.memref_slice %arg3[%dma_start3A_47, %dma_start3A_48] : memref<1007616x32xf32, #tpu.memory_space<hbm>> -> memref<1007616x32xf32, #tpu.memory_space<hbm>>
      tpu.enqueue_indirect_dma source(%dma_start3A_49 : memref<1007616x32xf32, #tpu.memory_space<hbm>>) target(%dma_start3A_43 : memref<128x32xf32, #tpu.memory_space<vmem>>) offsets(%dma_start3A_46 : memref<128xi32, #tpu.memory_space<vmem>>) semaphore(%arg9 : memref<!tpu.dma_semaphore, #tpu.memory_space<semaphore_mem>>)
      %dma_start3A_50 = arith.constant 3 : i32
      %dma_start3A_51 = arith.constant 3 : i32
      %dma_start3A_52 = arith.constant 0 : i32
      %dma_start3A_53 = arith.constant 0 : i32
      %dma_start3A_54 = tpu.memref_slice %arg7[%dma_start3A_51, %dma_start3A_52, %dma_start3A_53] : memref<8x128x32xf32, #tpu.memory_space<vmem>> -> memref<1x128x32xf32, #tpu.memory_space<vmem>>
      %dma_start3A_55 = tpu.memref_squeeze %dma_start3A_54 : memref<1x128x32xf32, #tpu.memory_space<vmem>> -> memref<128x32xf32, #tpu.memory_space<vmem>>
      %dma_start3A_56 = arith.constant 0 : i32
      %dma_start3A_57 = tpu.memref_slice %arg6[%dma_start3A_50, %dma_start3A_56] : memref<8x128xi32, #tpu.memory_space<vmem>> -> memref<1x128xi32, #tpu.memory_space<vmem>>
      %dma_start3A_58 = tpu.memref_squeeze %dma_start3A_57 : memref<1x128xi32, #tpu.memory_space<vmem>> -> memref<128xi32, #tpu.memory_space<vmem>>
      %dma_start3A_59 = arith.constant 0 : i32
      %dma_start3A_60 = arith.constant 0 : i32
      %dma_start3A_61 = tpu.memref_slice %arg3[%dma_start3A_59, %dma_start3A_60] : memref<1007616x32xf32, #tpu.memory_space<hbm>> -> memref<1007616x32xf32, #tpu.memory_space<hbm>>
      tpu.enqueue_indirect_dma source(%dma_start3A_61 : memref<1007616x32xf32, #tpu.memory_space<hbm>>) target(%dma_start3A_55 : memref<128x32xf32, #tpu.memory_space<vmem>>) offsets(%dma_start3A_58 : memref<128xi32, #tpu.memory_space<vmem>>) semaphore(%arg9 : memref<!tpu.dma_semaphore, #tpu.memory_space<semaphore_mem>>)
      %dma_start3A_62 = arith.constant 4 : i32
      %dma_start3A_63 = arith.constant 4 : i32
      %dma_start3A_64 = arith.constant 0 : i32
      %dma_start3A_65 = arith.constant 0 : i32
      %dma_start3A_66 = tpu.memref_slice %arg7[%dma_start3A_63, %dma_start3A_64, %dma_start3A_65] : memref<8x128x32xf32, #tpu.memory_space<vmem>> -> memref<1x128x32xf32, #tpu.memory_space<vmem>>
      %dma_start3A_67 = tpu.memref_squeeze %dma_start3A_66 : memref<1x128x32xf32, #tpu.memory_space<vmem>> -> memref<128x32xf32, #tpu.memory_space<vmem>>
      %dma_start3A_68 = arith.constant 0 : i32
      %dma_start3A_69 = tpu.memref_slice %arg6[%dma_start3A_62, %dma_start3A_68] : memref<8x128xi32, #tpu.memory_space<vmem>> -> memref<1x128xi32, #tpu.memory_space<vmem>>
      %dma_start3A_70 = tpu.memref_squeeze %dma_start3A_69 : memref<1x128xi32, #tpu.memory_space<vmem>> -> memref<128xi32, #tpu.memory_space<vmem>>
      %dma_start3A_71 = arith.constant 0 : i32
      %dma_start3A_72 = arith.constant 0 : i32
      %dma_start3A_73 = tpu.memref_slice %arg3[%dma_start3A_71, %dma_start3A_72] : memref<1007616x32xf32, #tpu.memory_space<hbm>> -> memref<1007616x32xf32, #tpu.memory_space<hbm>>
      tpu.enqueue_indirect_dma source(%dma_start3A_73 : memref<1007616x32xf32, #tpu.memory_space<hbm>>) target(%dma_start3A_67 : memref<128x32xf32, #tpu.memory_space<vmem>>) offsets(%dma_start3A_70 : memref<128xi32, #tpu.memory_space<vmem>>) semaphore(%arg9 : memref<!tpu.dma_semaphore, #tpu.memory_space<semaphore_mem>>)
      %dma_start3A_74 = arith.constant 5 : i32
      %dma_start3A_75 = arith.constant 5 : i32
      %dma_start3A_76 = arith.constant 0 : i32
      %dma_start3A_77 = arith.constant 0 : i32
      %dma_start3A_78 = tpu.memref_slice %arg7[%dma_start3A_75, %dma_start3A_76, %dma_start3A_77] : memref<8x128x32xf32, #tpu.memory_space<vmem>> -> memref<1x128x32xf32, #tpu.memory_space<vmem>>
      %dma_start3A_79 = tpu.memref_squeeze %dma_start3A_78 : memref<1x128x32xf32, #tpu.memory_space<vmem>> -> memref<128x32xf32, #tpu.memory_space<vmem>>
      %dma_start3A_80 = arith.constant 0 : i32
      %dma_start3A_81 = tpu.memref_slice %arg6[%dma_start3A_74, %dma_start3A_80] : memref<8x128xi32, #tpu.memory_space<vmem>> -> memref<1x128xi32, #tpu.memory_space<vmem>>
      %dma_start3A_82 = tpu.memref_squeeze %dma_start3A_81 : memref<1x128xi32, #tpu.memory_space<vmem>> -> memref<128xi32, #tpu.memory_space<vmem>>
      %dma_start3A_83 = arith.constant 0 : i32
      %dma_start3A_84 = arith.constant 0 : i32
      %dma_start3A_85 = tpu.memref_slice %arg3[%dma_start3A_83, %dma_start3A_84] : memref<1007616x32xf32, #tpu.memory_space<hbm>> -> memref<1007616x32xf32, #tpu.memory_space<hbm>>
      tpu.enqueue_indirect_dma source(%dma_start3A_85 : memref<1007616x32xf32, #tpu.memory_space<hbm>>) target(%dma_start3A_79 : memref<128x32xf32, #tpu.memory_space<vmem>>) offsets(%dma_start3A_82 : memref<128xi32, #tpu.memory_space<vmem>>) semaphore(%arg9 : memref<!tpu.dma_semaphore, #tpu.memory_space<semaphore_mem>>)
      %dma_start3A_86 = arith.constant 6 : i32
      %dma_start3A_87 = arith.constant 6 : i32
      %dma_start3A_88 = arith.constant 0 : i32
      %dma_start3A_89 = arith.constant 0 : i32
      %dma_start3A_90 = tpu.memref_slice %arg7[%dma_start3A_87, %dma_start3A_88, %dma_start3A_89] : memref<8x128x32xf32, #tpu.memory_space<vmem>> -> memref<1x128x32xf32, #tpu.memory_space<vmem>>
      %dma_start3A_91 = tpu.memref_squeeze %dma_start3A_90 : memref<1x128x32xf32, #tpu.memory_space<vmem>> -> memref<128x32xf32, #tpu.memory_space<vmem>>
      %dma_start3A_92 = arith.constant 0 : i32
      %dma_start3A_93 = tpu.memref_slice %arg6[%dma_start3A_86, %dma_start3A_92] : memref<8x128xi32, #tpu.memory_space<vmem>> -> memref<1x128xi32, #tpu.memory_space<vmem>>
      %dma_start3A_94 = tpu.memref_squeeze %dma_start3A_93 : memref<1x128xi32, #tpu.memory_space<vmem>> -> memref<128xi32, #tpu.memory_space<vmem>>
      %dma_start3A_95 = arith.constant 0 : i32
      %dma_start3A_96 = arith.constant 0 : i32
      %dma_start3A_97 = tpu.memref_slice %arg3[%dma_start3A_95, %dma_start3A_96] : memref<1007616x32xf32, #tpu.memory_space<hbm>> -> memref<1007616x32xf32, #tpu.memory_space<hbm>>
      tpu.enqueue_indirect_dma source(%dma_start3A_97 : memref<1007616x32xf32, #tpu.memory_space<hbm>>) target(%dma_start3A_91 : memref<128x32xf32, #tpu.memory_space<vmem>>) offsets(%dma_start3A_94 : memref<128xi32, #tpu.memory_space<vmem>>) semaphore(%arg9 : memref<!tpu.dma_semaphore, #tpu.memory_space<semaphore_mem>>)
      %dma_start3A_98 = arith.constant 7 : i32
      %dma_start3A_99 = arith.constant 7 : i32
      %dma_start3A_100 = arith.constant 0 : i32
      %dma_start3A_101 = arith.constant 0 : i32
      %dma_start3A_102 = tpu.memref_slice %arg7[%dma_start3A_99, %dma_start3A_100, %dma_start3A_101] : memref<8x128x32xf32, #tpu.memory_space<vmem>> -> memref<1x128x32xf32, #tpu.memory_space<vmem>>
      %dma_start3A_103 = tpu.memref_squeeze %dma_start3A_102 : memref<1x128x32xf32, #tpu.memory_space<vmem>> -> memref<128x32xf32, #tpu.memory_space<vmem>>
      %dma_start3A_104 = arith.constant 0 : i32
      %dma_start3A_105 = tpu.memref_slice %arg6[%dma_start3A_98, %dma_start3A_104] : memref<8x128xi32, #tpu.memory_space<vmem>> -> memref<1x128xi32, #tpu.memory_space<vmem>>
      %dma_start3A_106 = tpu.memref_squeeze %dma_start3A_105 : memref<1x128xi32, #tpu.memory_space<vmem>> -> memref<128xi32, #tpu.memory_space<vmem>>
      %dma_start3A_107 = arith.constant 0 : i32
      %dma_start3A_108 = arith.constant 0 : i32
      %dma_start3A_109 = tpu.memref_slice %arg3[%dma_start3A_107, %dma_start3A_108] : memref<1007616x32xf32, #tpu.memory_space<hbm>> -> memref<1007616x32xf32, #tpu.memory_space<hbm>>
      tpu.enqueue_indirect_dma source(%dma_start3A_109 : memref<1007616x32xf32, #tpu.memory_space<hbm>>) target(%dma_start3A_103 : memref<128x32xf32, #tpu.memory_space<vmem>>) offsets(%dma_start3A_106 : memref<128xi32, #tpu.memory_space<vmem>>) semaphore(%arg9 : memref<!tpu.dma_semaphore, #tpu.memory_space<semaphore_mem>>)
      %dma_wait3A = arith.constant 0 : i32
      %dma_wait3A_110 = arith.constant 0 : i32
      %dma_wait3A_111 = arith.constant 0 : i32
      %dma_wait3A_112 = arith.constant 0 : i32
      %dma_wait3A_113 = tpu.memref_slice %arg7[%dma_wait3A_110, %dma_wait3A_111, %dma_wait3A_112] : memref<8x128x32xf32, #tpu.memory_space<vmem>> -> memref<1x128x32xf32, #tpu.memory_space<vmem>>
      %dma_wait3A_114 = tpu.memref_squeeze %dma_wait3A_113 : memref<1x128x32xf32, #tpu.memory_space<vmem>> -> memref<128x32xf32, #tpu.memory_space<vmem>>
      %dma_wait3A_115 = arith.constant 0 : i32
      %dma_wait3A_116 = tpu.memref_slice %arg6[%dma_wait3A, %dma_wait3A_115] : memref<8x128xi32, #tpu.memory_space<vmem>> -> memref<1x128xi32, #tpu.memory_space<vmem>>
      %dma_wait3A_117 = tpu.memref_squeeze %dma_wait3A_116 : memref<1x128xi32, #tpu.memory_space<vmem>> -> memref<128xi32, #tpu.memory_space<vmem>>
      %dma_wait3A_118 = arith.constant 0 : i32
      %dma_wait3A_119 = arith.constant 0 : i32
      %dma_wait3A_120 = tpu.memref_slice %arg3[%dma_wait3A_118, %dma_wait3A_119] : memref<1007616x32xf32, #tpu.memory_space<hbm>> -> memref<1007616x32xf32, #tpu.memory_space<hbm>>
      tpu.wait_indirect_dma semaphore(%arg9 : memref<!tpu.dma_semaphore, #tpu.memory_space<semaphore_mem>>) src(%dma_wait3A_120 : memref<1007616x32xf32, #tpu.memory_space<hbm>>) dst(%dma_wait3A_114 : memref<128x32xf32, #tpu.memory_space<vmem>>)
      %dma_wait3A_121 = arith.constant 1 : i32
      %dma_wait3A_122 = arith.constant 1 : i32
      %dma_wait3A_123 = arith.constant 0 : i32
      %dma_wait3A_124 = arith.constant 0 : i32
      %dma_wait3A_125 = tpu.memref_slice %arg7[%dma_wait3A_122, %dma_wait3A_123, %dma_wait3A_124] : memref<8x128x32xf32, #tpu.memory_space<vmem>> -> memref<1x128x32xf32, #tpu.memory_space<vmem>>
      %dma_wait3A_126 = tpu.memref_squeeze %dma_wait3A_125 : memref<1x128x32xf32, #tpu.memory_space<vmem>> -> memref<128x32xf32, #tpu.memory_space<vmem>>
      %dma_wait3A_127 = arith.constant 0 : i32
      %dma_wait3A_128 = tpu.memref_slice %arg6[%dma_wait3A_121, %dma_wait3A_127] : memref<8x128xi32, #tpu.memory_space<vmem>> -> memref<1x128xi32, #tpu.memory_space<vmem>>
      %dma_wait3A_129 = tpu.memref_squeeze %dma_wait3A_128 : memref<1x128xi32, #tpu.memory_space<vmem>> -> memref<128xi32, #tpu.memory_space<vmem>>
      %dma_wait3A_130 = arith.constant 0 : i32
      %dma_wait3A_131 = arith.constant 0 : i32
      %dma_wait3A_132 = tpu.memref_slice %arg3[%dma_wait3A_130, %dma_wait3A_131] : memref<1007616x32xf32, #tpu.memory_space<hbm>> -> memref<1007616x32xf32, #tpu.memory_space<hbm>>
      tpu.wait_indirect_dma semaphore(%arg9 : memref<!tpu.dma_semaphore, #tpu.memory_space<semaphore_mem>>) src(%dma_wait3A_132 : memref<1007616x32xf32, #tpu.memory_space<hbm>>) dst(%dma_wait3A_126 : memref<128x32xf32, #tpu.memory_space<vmem>>)
      %dma_wait3A_133 = arith.constant 2 : i32
      %dma_wait3A_134 = arith.constant 2 : i32
      %dma_wait3A_135 = arith.constant 0 : i32
      %dma_wait3A_136 = arith.constant 0 : i32
      %dma_wait3A_137 = tpu.memref_slice %arg7[%dma_wait3A_134, %dma_wait3A_135, %dma_wait3A_136] : memref<8x128x32xf32, #tpu.memory_space<vmem>> -> memref<1x128x32xf32, #tpu.memory_space<vmem>>
      %dma_wait3A_138 = tpu.memref_squeeze %dma_wait3A_137 : memref<1x128x32xf32, #tpu.memory_space<vmem>> -> memref<128x32xf32, #tpu.memory_space<vmem>>
      %dma_wait3A_139 = arith.constant 0 : i32
      %dma_wait3A_140 = tpu.memref_slice %arg6[%dma_wait3A_133, %dma_wait3A_139] : memref<8x128xi32, #tpu.memory_space<vmem>> -> memref<1x128xi32, #tpu.memory_space<vmem>>
      %dma_wait3A_141 = tpu.memref_squeeze %dma_wait3A_140 : memref<1x128xi32, #tpu.memory_space<vmem>> -> memref<128xi32, #tpu.memory_space<vmem>>
      %dma_wait3A_142 = arith.constant 0 : i32
      %dma_wait3A_143 = arith.constant 0 : i32
      %dma_wait3A_144 = tpu.memref_slice %arg3[%dma_wait3A_142, %dma_wait3A_143] : memref<1007616x32xf32, #tpu.memory_space<hbm>> -> memref<1007616x32xf32, #tpu.memory_space<hbm>>
      tpu.wait_indirect_dma semaphore(%arg9 : memref<!tpu.dma_semaphore, #tpu.memory_space<semaphore_mem>>) src(%dma_wait3A_144 : memref<1007616x32xf32, #tpu.memory_space<hbm>>) dst(%dma_wait3A_138 : memref<128x32xf32, #tpu.memory_space<vmem>>)
      %dma_wait3A_145 = arith.constant 3 : i32
      %dma_wait3A_146 = arith.constant 3 : i32
      %dma_wait3A_147 = arith.constant 0 : i32
      %dma_wait3A_148 = arith.constant 0 : i32
      %dma_wait3A_149 = tpu.memref_slice %arg7[%dma_wait3A_146, %dma_wait3A_147, %dma_wait3A_148] : memref<8x128x32xf32, #tpu.memory_space<vmem>> -> memref<1x128x32xf32, #tpu.memory_space<vmem>>
      %dma_wait3A_150 = tpu.memref_squeeze %dma_wait3A_149 : memref<1x128x32xf32, #tpu.memory_space<vmem>> -> memref<128x32xf32, #tpu.memory_space<vmem>>
      %dma_wait3A_151 = arith.constant 0 : i32
      %dma_wait3A_152 = tpu.memref_slice %arg6[%dma_wait3A_145, %dma_wait3A_151] : memref<8x128xi32, #tpu.memory_space<vmem>> -> memref<1x128xi32, #tpu.memory_space<vmem>>
      %dma_wait3A_153 = tpu.memref_squeeze %dma_wait3A_152 : memref<1x128xi32, #tpu.memory_space<vmem>> -> memref<128xi32, #tpu.memory_space<vmem>>
      %dma_wait3A_154 = arith.constant 0 : i32
      %dma_wait3A_155 = arith.constant 0 : i32
      %dma_wait3A_156 = tpu.memref_slice %arg3[%dma_wait3A_154, %dma_wait3A_155] : memref<1007616x32xf32, #tpu.memory_space<hbm>> -> memref<1007616x32xf32, #tpu.memory_space<hbm>>
      tpu.wait_indirect_dma semaphore(%arg9 : memref<!tpu.dma_semaphore, #tpu.memory_space<semaphore_mem>>) src(%dma_wait3A_156 : memref<1007616x32xf32, #tpu.memory_space<hbm>>) dst(%dma_wait3A_150 : memref<128x32xf32, #tpu.memory_space<vmem>>)
      %dma_wait3A_157 = arith.constant 4 : i32
      %dma_wait3A_158 = arith.constant 4 : i32
      %dma_wait3A_159 = arith.constant 0 : i32
      %dma_wait3A_160 = arith.constant 0 : i32
      %dma_wait3A_161 = tpu.memref_slice %arg7[%dma_wait3A_158, %dma_wait3A_159, %dma_wait3A_160] : memref<8x128x32xf32, #tpu.memory_space<vmem>> -> memref<1x128x32xf32, #tpu.memory_space<vmem>>
      %dma_wait3A_162 = tpu.memref_squeeze %dma_wait3A_161 : memref<1x128x32xf32, #tpu.memory_space<vmem>> -> memref<128x32xf32, #tpu.memory_space<vmem>>
      %dma_wait3A_163 = arith.constant 0 : i32
      %dma_wait3A_164 = tpu.memref_slice %arg6[%dma_wait3A_157, %dma_wait3A_163] : memref<8x128xi32, #tpu.memory_space<vmem>> -> memref<1x128xi32, #tpu.memory_space<vmem>>
      %dma_wait3A_165 = tpu.memref_squeeze %dma_wait3A_164 : memref<1x128xi32, #tpu.memory_space<vmem>> -> memref<128xi32, #tpu.memory_space<vmem>>
      %dma_wait3A_166 = arith.constant 0 : i32
      %dma_wait3A_167 = arith.constant 0 : i32
      %dma_wait3A_168 = tpu.memref_slice %arg3[%dma_wait3A_166, %dma_wait3A_167] : memref<1007616x32xf32, #tpu.memory_space<hbm>> -> memref<1007616x32xf32, #tpu.memory_space<hbm>>
      tpu.wait_indirect_dma semaphore(%arg9 : memref<!tpu.dma_semaphore, #tpu.memory_space<semaphore_mem>>) src(%dma_wait3A_168 : memref<1007616x32xf32, #tpu.memory_space<hbm>>) dst(%dma_wait3A_162 : memref<128x32xf32, #tpu.memory_space<vmem>>)
      %dma_wait3A_169 = arith.constant 5 : i32
      %dma_wait3A_170 = arith.constant 5 : i32
      %dma_wait3A_171 = arith.constant 0 : i32
      %dma_wait3A_172 = arith.constant 0 : i32
      %dma_wait3A_173 = tpu.memref_slice %arg7[%dma_wait3A_170, %dma_wait3A_171, %dma_wait3A_172] : memref<8x128x32xf32, #tpu.memory_space<vmem>> -> memref<1x128x32xf32, #tpu.memory_space<vmem>>
      %dma_wait3A_174 = tpu.memref_squeeze %dma_wait3A_173 : memref<1x128x32xf32, #tpu.memory_space<vmem>> -> memref<128x32xf32, #tpu.memory_space<vmem>>
      %dma_wait3A_175 = arith.constant 0 : i32
      %dma_wait3A_176 = tpu.memref_slice %arg6[%dma_wait3A_169, %dma_wait3A_175] : memref<8x128xi32, #tpu.memory_space<vmem>> -> memref<1x128xi32, #tpu.memory_space<vmem>>
      %dma_wait3A_177 = tpu.memref_squeeze %dma_wait3A_176 : memref<1x128xi32, #tpu.memory_space<vmem>> -> memref<128xi32, #tpu.memory_space<vmem>>
      %dma_wait3A_178 = arith.constant 0 : i32
      %dma_wait3A_179 = arith.constant 0 : i32
      %dma_wait3A_180 = tpu.memref_slice %arg3[%dma_wait3A_178, %dma_wait3A_179] : memref<1007616x32xf32, #tpu.memory_space<hbm>> -> memref<1007616x32xf32, #tpu.memory_space<hbm>>
      tpu.wait_indirect_dma semaphore(%arg9 : memref<!tpu.dma_semaphore, #tpu.memory_space<semaphore_mem>>) src(%dma_wait3A_180 : memref<1007616x32xf32, #tpu.memory_space<hbm>>) dst(%dma_wait3A_174 : memref<128x32xf32, #tpu.memory_space<vmem>>)
      %dma_wait3A_181 = arith.constant 6 : i32
      %dma_wait3A_182 = arith.constant 6 : i32
      %dma_wait3A_183 = arith.constant 0 : i32
      %dma_wait3A_184 = arith.constant 0 : i32
      %dma_wait3A_185 = tpu.memref_slice %arg7[%dma_wait3A_182, %dma_wait3A_183, %dma_wait3A_184] : memref<8x128x32xf32, #tpu.memory_space<vmem>> -> memref<1x128x32xf32, #tpu.memory_space<vmem>>
      %dma_wait3A_186 = tpu.memref_squeeze %dma_wait3A_185 : memref<1x128x32xf32, #tpu.memory_space<vmem>> -> memref<128x32xf32, #tpu.memory_space<vmem>>
      %dma_wait3A_187 = arith.constant 0 : i32
      %dma_wait3A_188 = tpu.memref_slice %arg6[%dma_wait3A_181, %dma_wait3A_187] : memref<8x128xi32, #tpu.memory_space<vmem>> -> memref<1x128xi32, #tpu.memory_space<vmem>>
      %dma_wait3A_189 = tpu.memref_squeeze %dma_wait3A_188 : memref<1x128xi32, #tpu.memory_space<vmem>> -> memref<128xi32, #tpu.memory_space<vmem>>
      %dma_wait3A_190 = arith.constant 0 : i32
      %dma_wait3A_191 = arith.constant 0 : i32
      %dma_wait3A_192 = tpu.memref_slice %arg3[%dma_wait3A_190, %dma_wait3A_191] : memref<1007616x32xf32, #tpu.memory_space<hbm>> -> memref<1007616x32xf32, #tpu.memory_space<hbm>>
      tpu.wait_indirect_dma semaphore(%arg9 : memref<!tpu.dma_semaphore, #tpu.memory_space<semaphore_mem>>) src(%dma_wait3A_192 : memref<1007616x32xf32, #tpu.memory_space<hbm>>) dst(%dma_wait3A_186 : memref<128x32xf32, #tpu.memory_space<vmem>>)
      %dma_wait3A_193 = arith.constant 7 : i32
      %dma_wait3A_194 = arith.constant 7 : i32
      %dma_wait3A_195 = arith.constant 0 : i32
      %dma_wait3A_196 = arith.constant 0 : i32
      %dma_wait3A_197 = tpu.memref_slice %arg7[%dma_wait3A_194, %dma_wait3A_195, %dma_wait3A_196] : memref<8x128x32xf32, #tpu.memory_space<vmem>> -> memref<1x128x32xf32, #tpu.memory_space<vmem>>
      %dma_wait3A_198 = tpu.memref_squeeze %dma_wait3A_197 : memref<1x128x32xf32, #tpu.memory_space<vmem>> -> memref<128x32xf32, #tpu.memory_space<vmem>>
      %dma_wait3A_199 = arith.constant 0 : i32
      %dma_wait3A_200 = tpu.memref_slice %arg6[%dma_wait3A_193, %dma_wait3A_199] : memref<8x128xi32, #tpu.memory_space<vmem>> -> memref<1x128xi32, #tpu.memory_space<vmem>>
      %dma_wait3A_201 = tpu.memref_squeeze %dma_wait3A_200 : memref<1x128xi32, #tpu.memory_space<vmem>> -> memref<128xi32, #tpu.memory_space<vmem>>
      %dma_wait3A_202 = arith.constant 0 : i32
      %dma_wait3A_203 = arith.constant 0 : i32
      %dma_wait3A_204 = tpu.memref_slice %arg3[%dma_wait3A_202, %dma_wait3A_203] : memref<1007616x32xf32, #tpu.memory_space<hbm>> -> memref<1007616x32xf32, #tpu.memory_space<hbm>>
      tpu.wait_indirect_dma semaphore(%arg9 : memref<!tpu.dma_semaphore, #tpu.memory_space<semaphore_mem>>) src(%dma_wait3A_204 : memref<1007616x32xf32, #tpu.memory_space<hbm>>) dst(%dma_wait3A_198 : memref<128x32xf32, #tpu.memory_space<vmem>>)
      %add3A_205 = arith.constant 0 : i32
      %add3A_206 = arith.addi %multiple_of3A_14, %add3A_205 : i32
      %get3A = arith.index_cast %add3A_206 : i32 to index
      %get3A_207 = arith.constant 0 : index
      %get3A_208 = tpu.vector_load %arg8[%get3A, %get3A_207] {strides = array<i32>} : memref<200x32xf32, #tpu.memory_space<vmem>>, vector<1x16xf32>,
      %get3A_209 = vector.shape_cast %get3A_208 : vector<1x16xf32> to vector<16xf32>
      %add3A_210 = arith.constant 0 : i32
      %add3A_211 = arith.addi %multiple_of3A_14, %add3A_210 : i32
      %get3A_212 = arith.index_cast %add3A_211 : i32 to index
      %get3A_213 = arith.constant 16 : index
      %get3A_214 = tpu.vector_load %arg8[%get3A_212, %get3A_213] {strides = array<i32>} : memref<200x32xf32, #tpu.memory_space<vmem>>, vector<1x16xf32>,
      %get3A_215 = vector.shape_cast %get3A_214 : vector<1x16xf32> to vector<16xf32>
      %scan3A_216 = arith.constant 0 : i32
      %scan3A_217 = arith.constant 16 : i32
      %scan3A_218 = arith.addi %scan3A_216, %scan3A_217 : i32
      %scan3A_219 = arith.constant 1 : i32
      scf.for %scan3A_340 = %scan3A_216 to %scan3A_218 step %scan3A_219  : i32 {
        %mul3A_341 = arith.constant 1 : i32
        %mul3A_342 = arith.muli %scan3A_340, %mul3A_341 : i32
        %add3A_343 = arith.constant 0 : i32
        %add3A_344 = arith.addi %add3A_343, %mul3A_342 : i32
        %mul3A_345 = arith.constant 8 : i32
        %mul3A_346 = arith.muli %add3A_344, %mul3A_345 : i32
        %add3A_347 = arith.constant 0 : i32
        %add3A_348 = arith.addi %mul3A_346, %add3A_347 : i32
        %get3A_349 = arith.constant 0 : i32
        %get3A_350 = arith.index_cast %get3A_349 : i32 to index
        %get3A_351 = arith.index_cast %add3A_348 : i32 to index
        %get3A_352 = arith.constant 0 : index
        %get3A_353 = tpu.vector_load %arg7[%get3A_350, %get3A_351, %get3A_352] {strides = array<i32>} : memref<8x128x32xf32, #tpu.memory_space<vmem>>, vector<1x1x16xf32>,
        %get3A_354 = vector.shape_cast %get3A_353 : vector<1x1x16xf32> to vector<16xf32>
        %add3A_355 = arith.addf %get3A_354, %get3A_209 : vector<16xf32>
        %swap3A = arith.constant 0 : i32
        %swap3A_356 = arith.index_cast %swap3A : i32 to index
        %swap3A_357 = arith.index_cast %add3A_348 : i32 to index
        %swap3A_358 = arith.constant 0 : index
        %swap3A_359 = tpu.vector_load %arg7[%swap3A_356, %swap3A_357, %swap3A_358] {strides = array<i32>} : memref<8x128x32xf32, #tpu.memory_space<vmem>>, vector<1x1x16xf32>,
        %swap3A_360 = vector.shape_cast %swap3A_359 : vector<1x1x16xf32> to vector<16xf32>
        %swap3A_361 = vector.shape_cast %add3A_355 : vector<16xf32> to vector<1x1x16xf32>
        tpu.vector_store %arg7[%swap3A_356, %swap3A_357, %swap3A_358], %swap3A_361 {strides = array<i32>} : memref<8x128x32xf32, #tpu.memory_space<vmem>>, vector<1x1x16xf32>,
        %get3A_362 = arith.constant 0 : i32
        %get3A_363 = arith.index_cast %get3A_362 : i32 to index
        %get3A_364 = arith.index_cast %add3A_348 : i32 to index
        %get3A_365 = arith.constant 16 : index
        %get3A_366 = tpu.vector_load %arg7[%get3A_363, %get3A_364, %get3A_365] {strides = array<i32>} : memref<8x128x32xf32, #tpu.memory_space<vmem>>, vector<1x1x16xf32>,
        %get3A_367 = vector.shape_cast %get3A_366 : vector<1x1x16xf32> to vector<16xf32>
        %add3A_368 = arith.addf %get3A_367, %get3A_215 : vector<16xf32>
        %swap3A_369 = arith.constant 0 : i32
        %swap3A_370 = arith.index_cast %swap3A_369 : i32 to index
        %swap3A_371 = arith.index_cast %add3A_348 : i32 to index
        %swap3A_372 = arith.constant 16 : index
        %swap3A_373 = tpu.vector_load %arg7[%swap3A_370, %swap3A_371, %swap3A_372] {strides = array<i32>} : memref<8x128x32xf32, #tpu.memory_space<vmem>>, vector<1x1x16xf32>,
        %swap3A_374 = vector.shape_cast %swap3A_373 : vector<1x1x16xf32> to vector<16xf32>
        %swap3A_375 = vector.shape_cast %add3A_368 : vector<16xf32> to vector<1x1x16xf32>
        tpu.vector_store %arg7[%swap3A_370, %swap3A_371, %swap3A_372], %swap3A_375 {strides = array<i32>} : memref<8x128x32xf32, #tpu.memory_space<vmem>>, vector<1x1x16xf32>,
        %mul3A_376 = arith.constant 8 : i32
        %mul3A_377 = arith.muli %add3A_344, %mul3A_376 : i32
        %add3A_378 = arith.constant 1 : i32
        %add3A_379 = arith.addi %mul3A_377, %add3A_378 : i32
        %get3A_380 = arith.constant 0 : i32
        %get3A_381 = arith.index_cast %get3A_380 : i32 to index
        %get3A_382 = arith.index_cast %add3A_379 : i32 to index
        %get3A_383 = arith.constant 0 : index
        %get3A_384 = tpu.vector_load %arg7[%get3A_381, %get3A_382, %get3A_383] {strides = array<i32>} : memref<8x128x32xf32, #tpu.memory_space<vmem>>, vector<1x1x16xf32>,
        %get3A_385 = vector.shape_cast %get3A_384 : vector<1x1x16xf32> to vector<16xf32>
        %add3A_386 = arith.addf %get3A_385, %get3A_209 : vector<16xf32>
        %swap3A_387 = arith.constant 0 : i32
        %swap3A_388 = arith.index_cast %swap3A_387 : i32 to index
        %swap3A_389 = arith.index_cast %add3A_379 : i32 to index
        %swap3A_390 = arith.constant 0 : index
        %swap3A_391 = tpu.vector_load %arg7[%swap3A_388, %swap3A_389, %swap3A_390] {strides = array<i32>} : memref<8x128x32xf32, #tpu.memory_space<vmem>>, vector<1x1x16xf32>,
        %swap3A_392 = vector.shape_cast %swap3A_391 : vector<1x1x16xf32> to vector<16xf32>
        %swap3A_393 = vector.shape_cast %add3A_386 : vector<16xf32> to vector<1x1x16xf32>
        tpu.vector_store %arg7[%swap3A_388, %swap3A_389, %swap3A_390], %swap3A_393 {strides = array<i32>} : memref<8x128x32xf32, #tpu.memory_space<vmem>>, vector<1x1x16xf32>,
        %get3A_394 = arith.constant 0 : i32
        %get3A_395 = arith.index_cast %get3A_394 : i32 to index
        %get3A_396 = arith.index_cast %add3A_379 : i32 to index
        %get3A_397 = arith.constant 16 : index
        %get3A_398 = tpu.vector_load %arg7[%get3A_395, %get3A_396, %get3A_397] {strides = array<i32>} : memref<8x128x32xf32, #tpu.memory_space<vmem>>, vector<1x1x16xf32>,
        %get3A_399 = vector.shape_cast %get3A_398 : vector<1x1x16xf32> to vector<16xf32>
        %add3A_400 = arith.addf %get3A_399, %get3A_215 : vector<16xf32>
        %swap3A_401 = arith.constant 0 : i32
        %swap3A_402 = arith.index_cast %swap3A_401 : i32 to index
        %swap3A_403 = arith.index_cast %add3A_379 : i32 to index
        %swap3A_404 = arith.constant 16 : index
        %swap3A_405 = tpu.vector_load %arg7[%swap3A_402, %swap3A_403, %swap3A_404] {strides = array<i32>} : memref<8x128x32xf32, #tpu.memory_space<vmem>>, vector<1x1x16xf32>,
        %swap3A_406 = vector.shape_cast %swap3A_405 : vector<1x1x16xf32> to vector<16xf32>
        %swap3A_407 = vector.shape_cast %add3A_400 : vector<16xf32> to vector<1x1x16xf32>
        tpu.vector_store %arg7[%swap3A_402, %swap3A_403, %swap3A_404], %swap3A_407 {strides = array<i32>} : memref<8x128x32xf32, #tpu.memory_space<vmem>>, vector<1x1x16xf32>,
        %mul3A_408 = arith.constant 8 : i32
        %mul3A_409 = arith.muli %add3A_344, %mul3A_408 : i32
        %add3A_410 = arith.constant 2 : i32
        %add3A_411 = arith.addi %mul3A_409, %add3A_410 : i32
        %get3A_412 = arith.constant 0 : i32
        %get3A_413 = arith.index_cast %get3A_412 : i32 to index
        %get3A_414 = arith.index_cast %add3A_411 : i32 to index
        %get3A_415 = arith.constant 0 : index
        %get3A_416 = tpu.vector_load %arg7[%get3A_413, %get3A_414, %get3A_415] {strides = array<i32>} : memref<8x128x32xf32, #tpu.memory_space<vmem>>, vector<1x1x16xf32>,
        %get3A_417 = vector.shape_cast %get3A_416 : vector<1x1x16xf32> to vector<16xf32>
        %add3A_418 = arith.addf %get3A_417, %get3A_209 : vector<16xf32>
        %swap3A_419 = arith.constant 0 : i32
        %swap3A_420 = arith.index_cast %swap3A_419 : i32 to index
        %swap3A_421 = arith.index_cast %add3A_411 : i32 to index
        %swap3A_422 = arith.constant 0 : index
        %swap3A_423 = tpu.vector_load %arg7[%swap3A_420, %swap3A_421, %swap3A_422] {strides = array<i32>} : memref<8x128x32xf32, #tpu.memory_space<vmem>>, vector<1x1x16xf32>,
        %swap3A_424 = vector.shape_cast %swap3A_423 : vector<1x1x16xf32> to vector<16xf32>
        %swap3A_425 = vector.shape_cast %add3A_418 : vector<16xf32> to vector<1x1x16xf32>
        tpu.vector_store %arg7[%swap3A_420, %swap3A_421, %swap3A_422], %swap3A_425 {strides = array<i32>} : memref<8x128x32xf32, #tpu.memory_space<vmem>>, vector<1x1x16xf32>,
        %get3A_426 = arith.constant 0 : i32
        %get3A_427 = arith.index_cast %get3A_426 : i32 to index
        %get3A_428 = arith.index_cast %add3A_411 : i32 to index
        %get3A_429 = arith.constant 16 : index
        %get3A_430 = tpu.vector_load %arg7[%get3A_427, %get3A_428, %get3A_429] {strides = array<i32>} : memref<8x128x32xf32, #tpu.memory_space<vmem>>, vector<1x1x16xf32>,
        %get3A_431 = vector.shape_cast %get3A_430 : vector<1x1x16xf32> to vector<16xf32>
        %add3A_432 = arith.addf %get3A_431, %get3A_215 : vector<16xf32>
        %swap3A_433 = arith.constant 0 : i32
        %swap3A_434 = arith.index_cast %swap3A_433 : i32 to index
        %swap3A_435 = arith.index_cast %add3A_411 : i32 to index
        %swap3A_436 = arith.constant 16 : index
        %swap3A_437 = tpu.vector_load %arg7[%swap3A_434, %swap3A_435, %swap3A_436] {strides = array<i32>} : memref<8x128x32xf32, #tpu.memory_space<vmem>>, vector<1x1x16xf32>,
        %swap3A_438 = vector.shape_cast %swap3A_437 : vector<1x1x16xf32> to vector<16xf32>
        %swap3A_439 = vector.shape_cast %add3A_432 : vector<16xf32> to vector<1x1x16xf32>
        tpu.vector_store %arg7[%swap3A_434, %swap3A_435, %swap3A_436], %swap3A_439 {strides = array<i32>} : memref<8x128x32xf32, #tpu.memory_space<vmem>>, vector<1x1x16xf32>,
        %mul3A_440 = arith.constant 8 : i32
        %mul3A_441 = arith.muli %add3A_344, %mul3A_440 : i32
        %add3A_442 = arith.constant 3 : i32
        %add3A_443 = arith.addi %mul3A_441, %add3A_442 : i32
        %get3A_444 = arith.constant 0 : i32
        %get3A_445 = arith.index_cast %get3A_444 : i32 to index
        %get3A_446 = arith.index_cast %add3A_443 : i32 to index
        %get3A_447 = arith.constant 0 : index
        %get3A_448 = tpu.vector_load %arg7[%get3A_445, %get3A_446, %get3A_447] {strides = array<i32>} : memref<8x128x32xf32, #tpu.memory_space<vmem>>, vector<1x1x16xf32>,
        %get3A_449 = vector.shape_cast %get3A_448 : vector<1x1x16xf32> to vector<16xf32>
        %add3A_450 = arith.addf %get3A_449, %get3A_209 : vector<16xf32>
        %swap3A_451 = arith.constant 0 : i32
        %swap3A_452 = arith.index_cast %swap3A_451 : i32 to index
        %swap3A_453 = arith.index_cast %add3A_443 : i32 to index
        %swap3A_454 = arith.constant 0 : index
        %swap3A_455 = tpu.vector_load %arg7[%swap3A_452, %swap3A_453, %swap3A_454] {strides = array<i32>} : memref<8x128x32xf32, #tpu.memory_space<vmem>>, vector<1x1x16xf32>,
        %swap3A_456 = vector.shape_cast %swap3A_455 : vector<1x1x16xf32> to vector<16xf32>
        %swap3A_457 = vector.shape_cast %add3A_450 : vector<16xf32> to vector<1x1x16xf32>
        tpu.vector_store %arg7[%swap3A_452, %swap3A_453, %swap3A_454], %swap3A_457 {strides = array<i32>} : memref<8x128x32xf32, #tpu.memory_space<vmem>>, vector<1x1x16xf32>,
        %get3A_458 = arith.constant 0 : i32
        %get3A_459 = arith.index_cast %get3A_458 : i32 to index
        %get3A_460 = arith.index_cast %add3A_443 : i32 to index
        %get3A_461 = arith.constant 16 : index
        %get3A_462 = tpu.vector_load %arg7[%get3A_459, %get3A_460, %get3A_461] {strides = array<i32>} : memref<8x128x32xf32, #tpu.memory_space<vmem>>, vector<1x1x16xf32>,
        %get3A_463 = vector.shape_cast %get3A_462 : vector<1x1x16xf32> to vector<16xf32>
        %add3A_464 = arith.addf %get3A_463, %get3A_215 : vector<16xf32>
        %swap3A_465 = arith.constant 0 : i32
        %swap3A_466 = arith.index_cast %swap3A_465 : i32 to index
        %swap3A_467 = arith.index_cast %add3A_443 : i32 to index
        %swap3A_468 = arith.constant 16 : index
        %swap3A_469 = tpu.vector_load %arg7[%swap3A_466, %swap3A_467, %swap3A_468] {strides = array<i32>} : memref<8x128x32xf32, #tpu.memory_space<vmem>>, vector<1x1x16xf32>,
        %swap3A_470 = vector.shape_cast %swap3A_469 : vector<1x1x16xf32> to vector<16xf32>
        %swap3A_471 = vector.shape_cast %add3A_464 : vector<16xf32> to vector<1x1x16xf32>
        tpu.vector_store %arg7[%swap3A_466, %swap3A_467, %swap3A_468], %swap3A_471 {strides = array<i32>} : memref<8x128x32xf32, #tpu.memory_space<vmem>>, vector<1x1x16xf32>,
        %mul3A_472 = arith.constant 8 : i32
        %mul3A_473 = arith.muli %add3A_344, %mul3A_472 : i32
        %add3A_474 = arith.constant 4 : i32
        %add3A_475 = arith.addi %mul3A_473, %add3A_474 : i32
        %get3A_476 = arith.constant 0 : i32
        %get3A_477 = arith.index_cast %get3A_476 : i32 to index
        %get3A_478 = arith.index_cast %add3A_475 : i32 to index
        %get3A_479 = arith.constant 0 : index
        %get3A_480 = tpu.vector_load %arg7[%get3A_477, %get3A_478, %get3A_479] {strides = array<i32>} : memref<8x128x32xf32, #tpu.memory_space<vmem>>, vector<1x1x16xf32>,
        %get3A_481 = vector.shape_cast %get3A_480 : vector<1x1x16xf32> to vector<16xf32>
        %add3A_482 = arith.addf %get3A_481, %get3A_209 : vector<16xf32>
        %swap3A_483 = arith.constant 0 : i32
        %swap3A_484 = arith.index_cast %swap3A_483 : i32 to index
        %swap3A_485 = arith.index_cast %add3A_475 : i32 to index
        %swap3A_486 = arith.constant 0 : index
        %swap3A_487 = tpu.vector_load %arg7[%swap3A_484, %swap3A_485, %swap3A_486] {strides = array<i32>} : memref<8x128x32xf32, #tpu.memory_space<vmem>>, vector<1x1x16xf32>,
        %swap3A_488 = vector.shape_cast %swap3A_487 : vector<1x1x16xf32> to vector<16xf32>
        %swap3A_489 = vector.shape_cast %add3A_482 : vector<16xf32> to vector<1x1x16xf32>
        tpu.vector_store %arg7[%swap3A_484, %swap3A_485, %swap3A_486], %swap3A_489 {strides = array<i32>} : memref<8x128x32xf32, #tpu.memory_space<vmem>>, vector<1x1x16xf32>,
        %get3A_490 = arith.constant 0 : i32
        %get3A_491 = arith.index_cast %get3A_490 : i32 to index
        %get3A_492 = arith.index_cast %add3A_475 : i32 to index
        %get3A_493 = arith.constant 16 : index
        %get3A_494 = tpu.vector_load %arg7[%get3A_491, %get3A_492, %get3A_493] {strides = array<i32>} : memref<8x128x32xf32, #tpu.memory_space<vmem>>, vector<1x1x16xf32>,
        %get3A_495 = vector.shape_cast %get3A_494 : vector<1x1x16xf32> to vector<16xf32>
        %add3A_496 = arith.addf %get3A_495, %get3A_215 : vector<16xf32>
        %swap3A_497 = arith.constant 0 : i32
        %swap3A_498 = arith.index_cast %swap3A_497 : i32 to index
        %swap3A_499 = arith.index_cast %add3A_475 : i32 to index
        %swap3A_500 = arith.constant 16 : index
        %swap3A_501 = tpu.vector_load %arg7[%swap3A_498, %swap3A_499, %swap3A_500] {strides = array<i32>} : memref<8x128x32xf32, #tpu.memory_space<vmem>>, vector<1x1x16xf32>,
        %swap3A_502 = vector.shape_cast %swap3A_501 : vector<1x1x16xf32> to vector<16xf32>
        %swap3A_503 = vector.shape_cast %add3A_496 : vector<16xf32> to vector<1x1x16xf32>
        tpu.vector_store %arg7[%swap3A_498, %swap3A_499, %swap3A_500], %swap3A_503 {strides = array<i32>} : memref<8x128x32xf32, #tpu.memory_space<vmem>>, vector<1x1x16xf32>,
        %mul3A_504 = arith.constant 8 : i32
        %mul3A_505 = arith.muli %add3A_344, %mul3A_504 : i32
        %add3A_506 = arith.constant 5 : i32
        %add3A_507 = arith.addi %mul3A_505, %add3A_506 : i32
        %get3A_508 = arith.constant 0 : i32
        %get3A_509 = arith.index_cast %get3A_508 : i32 to index
        %get3A_510 = arith.index_cast %add3A_507 : i32 to index
        %get3A_511 = arith.constant 0 : index
        %get3A_512 = tpu.vector_load %arg7[%get3A_509, %get3A_510, %get3A_511] {strides = array<i32>} : memref<8x128x32xf32, #tpu.memory_space<vmem>>, vector<1x1x16xf32>,
        %get3A_513 = vector.shape_cast %get3A_512 : vector<1x1x16xf32> to vector<16xf32>
        %add3A_514 = arith.addf %get3A_513, %get3A_209 : vector<16xf32>
        %swap3A_515 = arith.constant 0 : i32
        %swap3A_516 = arith.index_cast %swap3A_515 : i32 to index
        %swap3A_517 = arith.index_cast %add3A_507 : i32 to index
        %swap3A_518 = arith.constant 0 : index
        %swap3A_519 = tpu.vector_load %arg7[%swap3A_516, %swap3A_517, %swap3A_518] {strides = array<i32>} : memref<8x128x32xf32, #tpu.memory_space<vmem>>, vector<1x1x16xf32>,
        %swap3A_520 = vector.shape_cast %swap3A_519 : vector<1x1x16xf32> to vector<16xf32>
        %swap3A_521 = vector.shape_cast %add3A_514 : vector<16xf32> to vector<1x1x16xf32>
        tpu.vector_store %arg7[%swap3A_516, %swap3A_517, %swap3A_518], %swap3A_521 {strides = array<i32>} : memref<8x128x32xf32, #tpu.memory_space<vmem>>, vector<1x1x16xf32>,
        %get3A_522 = arith.constant 0 : i32
        %get3A_523 = arith.index_cast %get3A_522 : i32 to index
        %get3A_524 = arith.index_cast %add3A_507 : i32 to index
        %get3A_525 = arith.constant 16 : index
        %get3A_526 = tpu.vector_load %arg7[%get3A_523, %get3A_524, %get3A_525] {strides = array<i32>} : memref<8x128x32xf32, #tpu.memory_space<vmem>>, vector<1x1x16xf32>,
        %get3A_527 = vector.shape_cast %get3A_526 : vector<1x1x16xf32> to vector<16xf32>
        %add3A_528 = arith.addf %get3A_527, %get3A_215 : vector<16xf32>
        %swap3A_529 = arith.constant 0 : i32
        %swap3A_530 = arith.index_cast %swap3A_529 : i32 to index
        %swap3A_531 = arith.index_cast %add3A_507 : i32 to index
        %swap3A_532 = arith.constant 16 : index
        %swap3A_533 = tpu.vector_load %arg7[%swap3A_530, %swap3A_531, %swap3A_532] {strides = array<i32>} : memref<8x128x32xf32, #tpu.memory_space<vmem>>, vector<1x1x16xf32>,
        %swap3A_534 = vector.shape_cast %swap3A_533 : vector<1x1x16xf32> to vector<16xf32>
        %swap3A_535 = vector.shape_cast %add3A_528 : vector<16xf32> to vector<1x1x16xf32>
        tpu.vector_store %arg7[%swap3A_530, %swap3A_531, %swap3A_532], %swap3A_535 {strides = array<i32>} : memref<8x128x32xf32, #tpu.memory_space<vmem>>, vector<1x1x16xf32>,
        %mul3A_536 = arith.constant 8 : i32
        %mul3A_537 = arith.muli %add3A_344, %mul3A_536 : i32
        %add3A_538 = arith.constant 6 : i32
        %add3A_539 = arith.addi %mul3A_537, %add3A_538 : i32
        %get3A_540 = arith.constant 0 : i32
        %get3A_541 = arith.index_cast %get3A_540 : i32 to index
        %get3A_542 = arith.index_cast %add3A_539 : i32 to index
        %get3A_543 = arith.constant 0 : index
        %get3A_544 = tpu.vector_load %arg7[%get3A_541, %get3A_542, %get3A_543] {strides = array<i32>} : memref<8x128x32xf32, #tpu.memory_space<vmem>>, vector<1x1x16xf32>,
        %get3A_545 = vector.shape_cast %get3A_544 : vector<1x1x16xf32> to vector<16xf32>
        %add3A_546 = arith.addf %get3A_545, %get3A_209 : vector<16xf32>
        %swap3A_547 = arith.constant 0 : i32
        %swap3A_548 = arith.index_cast %swap3A_547 : i32 to index
        %swap3A_549 = arith.index_cast %add3A_539 : i32 to index
        %swap3A_550 = arith.constant 0 : index
        %swap3A_551 = tpu.vector_load %arg7[%swap3A_548, %swap3A_549, %swap3A_550] {strides = array<i32>} : memref<8x128x32xf32, #tpu.memory_space<vmem>>, vector<1x1x16xf32>,
        %swap3A_552 = vector.shape_cast %swap3A_551 : vector<1x1x16xf32> to vector<16xf32>
        %swap3A_553 = vector.shape_cast %add3A_546 : vector<16xf32> to vector<1x1x16xf32>
        tpu.vector_store %arg7[%swap3A_548, %swap3A_549, %swap3A_550], %swap3A_553 {strides = array<i32>} : memref<8x128x32xf32, #tpu.memory_space<vmem>>, vector<1x1x16xf32>,
        %get3A_554 = arith.constant 0 : i32
        %get3A_555 = arith.index_cast %get3A_554 : i32 to index
        %get3A_556 = arith.index_cast %add3A_539 : i32 to index
        %get3A_557 = arith.constant 16 : index
        %get3A_558 = tpu.vector_load %arg7[%get3A_555, %get3A_556, %get3A_557] {strides = array<i32>} : memref<8x128x32xf32, #tpu.memory_space<vmem>>, vector<1x1x16xf32>,
        %get3A_559 = vector.shape_cast %get3A_558 : vector<1x1x16xf32> to vector<16xf32>
        %add3A_560 = arith.addf %get3A_559, %get3A_215 : vector<16xf32>
        %swap3A_561 = arith.constant 0 : i32
        %swap3A_562 = arith.index_cast %swap3A_561 : i32 to index
        %swap3A_563 = arith.index_cast %add3A_539 : i32 to index
        %swap3A_564 = arith.constant 16 : index
        %swap3A_565 = tpu.vector_load %arg7[%swap3A_562, %swap3A_563, %swap3A_564] {strides = array<i32>} : memref<8x128x32xf32, #tpu.memory_space<vmem>>, vector<1x1x16xf32>,
        %swap3A_566 = vector.shape_cast %swap3A_565 : vector<1x1x16xf32> to vector<16xf32>
        %swap3A_567 = vector.shape_cast %add3A_560 : vector<16xf32> to vector<1x1x16xf32>
        tpu.vector_store %arg7[%swap3A_562, %swap3A_563, %swap3A_564], %swap3A_567 {strides = array<i32>} : memref<8x128x32xf32, #tpu.memory_space<vmem>>, vector<1x1x16xf32>,
        %mul3A_568 = arith.constant 8 : i32
        %mul3A_569 = arith.muli %add3A_344, %mul3A_568 : i32
        %add3A_570 = arith.constant 7 : i32
        %add3A_571 = arith.addi %mul3A_569, %add3A_570 : i32
        %get3A_572 = arith.constant 0 : i32
        %get3A_573 = arith.index_cast %get3A_572 : i32 to index
        %get3A_574 = arith.index_cast %add3A_571 : i32 to index
        %get3A_575 = arith.constant 0 : index
        %get3A_576 = tpu.vector_load %arg7[%get3A_573, %get3A_574, %get3A_575] {strides = array<i32>} : memref<8x128x32xf32, #tpu.memory_space<vmem>>, vector<1x1x16xf32>,
        %get3A_577 = vector.shape_cast %get3A_576 : vector<1x1x16xf32> to vector<16xf32>
        %add3A_578 = arith.addf %get3A_577, %get3A_209 : vector<16xf32>
        %swap3A_579 = arith.constant 0 : i32
        %swap3A_580 = arith.index_cast %swap3A_579 : i32 to index
        %swap3A_581 = arith.index_cast %add3A_571 : i32 to index
        %swap3A_582 = arith.constant 0 : index
        %swap3A_583 = tpu.vector_load %arg7[%swap3A_580, %swap3A_581, %swap3A_582] {strides = array<i32>} : memref<8x128x32xf32, #tpu.memory_space<vmem>>, vector<1x1x16xf32>,
        %swap3A_584 = vector.shape_cast %swap3A_583 : vector<1x1x16xf32> to vector<16xf32>
        %swap3A_585 = vector.shape_cast %add3A_578 : vector<16xf32> to vector<1x1x16xf32>
        tpu.vector_store %arg7[%swap3A_580, %swap3A_581, %swap3A_582], %swap3A_585 {strides = array<i32>} : memref<8x128x32xf32, #tpu.memory_space<vmem>>, vector<1x1x16xf32>,
        %get3A_586 = arith.constant 0 : i32
        %get3A_587 = arith.index_cast %get3A_586 : i32 to index
        %get3A_588 = arith.index_cast %add3A_571 : i32 to index
        %get3A_589 = arith.constant 16 : index
        %get3A_590 = tpu.vector_load %arg7[%get3A_587, %get3A_588, %get3A_589] {strides = array<i32>} : memref<8x128x32xf32, #tpu.memory_space<vmem>>, vector<1x1x16xf32>,
        %get3A_591 = vector.shape_cast %get3A_590 : vector<1x1x16xf32> to vector<16xf32>
        %add3A_592 = arith.addf %get3A_591, %get3A_215 : vector<16xf32>
        %swap3A_593 = arith.constant 0 : i32
        %swap3A_594 = arith.index_cast %swap3A_593 : i32 to index
        %swap3A_595 = arith.index_cast %add3A_571 : i32 to index
        %swap3A_596 = arith.constant 16 : index
        %swap3A_597 = tpu.vector_load %arg7[%swap3A_594, %swap3A_595, %swap3A_596] {strides = array<i32>} : memref<8x128x32xf32, #tpu.memory_space<vmem>>, vector<1x1x16xf32>,
        %swap3A_598 = vector.shape_cast %swap3A_597 : vector<1x1x16xf32> to vector<16xf32>
        %swap3A_599 = vector.shape_cast %add3A_592 : vector<16xf32> to vector<1x1x16xf32>
        tpu.vector_store %arg7[%swap3A_594, %swap3A_595, %swap3A_596], %swap3A_599 {strides = array<i32>} : memref<8x128x32xf32, #tpu.memory_space<vmem>>, vector<1x1x16xf32>,
      }
      %scan3A_220 = arith.constant 16 : i32
      %add3A_221 = arith.constant 1 : i32
      %add3A_222 = arith.addi %multiple_of3A_14, %add3A_221 : i32
      %get3A_223 = arith.index_cast %add3A_222 : i32 to index
      %get3A_224 = arith.constant 0 : index
      %get3A_225 = tpu.vector_load %arg8[%get3A_223, %get3A_224] {strides = array<i32>} : memref<200x32xf32, #tpu.memory_space<vmem>>, vector<1x16xf32>,
      %get3A_226 = vector.shape_cast %get3A_225 : vector<1x16xf32> to vector<16xf32>
      %add3A_227 = arith.constant 1 : i32
      %add3A_228 = arith.addi %multiple_of3A_14, %add3A_227 : i32
      %get3A_229 = arith.index_cast %add3A_228 : i32 to index
      %get3A_230 = arith.constant 16 : index
      %get3A_231 = tpu.vector_load %arg8[%get3A_229, %get3A_230] {strides = array<i32>} : memref<200x32xf32, #tpu.memory_space<vmem>>, vector<1x16xf32>,
      %get3A_232 = vector.shape_cast %get3A_231 : vector<1x16xf32> to vector<16xf32>
      %scan3A_233 = arith.constant 0 : i32
      %scan3A_234 = arith.constant 16 : i32
      %scan3A_235 = arith.addi %scan3A_233, %scan3A_234 : i32
      %scan3A_236 = arith.constant 1 : i32
      scf.for %scan3A_340 = %scan3A_233 to %scan3A_235 step %scan3A_236  : i32 {
        %mul3A_341 = arith.constant 1 : i32
        %mul3A_342 = arith.muli %scan3A_340, %mul3A_341 : i32
        %add3A_343 = arith.constant 0 : i32
        %add3A_344 = arith.addi %add3A_343, %mul3A_342 : i32
        %mul3A_345 = arith.constant 8 : i32
        %mul3A_346 = arith.muli %add3A_344, %mul3A_345 : i32
        %add3A_347 = arith.constant 0 : i32
        %add3A_348 = arith.addi %mul3A_346, %add3A_347 : i32
        %get3A_349 = arith.constant 1 : i32
        %get3A_350 = arith.index_cast %get3A_349 : i32 to index
        %get3A_351 = arith.index_cast %add3A_348 : i32 to index
        %get3A_352 = arith.constant 0 : index
        %get3A_353 = tpu.vector_load %arg7[%get3A_350, %get3A_351, %get3A_352] {strides = array<i32>} : memref<8x128x32xf32, #tpu.memory_space<vmem>>, vector<1x1x16xf32>,
        %get3A_354 = vector.shape_cast %get3A_353 : vector<1x1x16xf32> to vector<16xf32>
        %add3A_355 = arith.addf %get3A_354, %get3A_226 : vector<16xf32>
        %swap3A = arith.constant 1 : i32
        %swap3A_356 = arith.index_cast %swap3A : i32 to index
        %swap3A_357 = arith.index_cast %add3A_348 : i32 to index
        %swap3A_358 = arith.constant 0 : index
        %swap3A_359 = tpu.vector_load %arg7[%swap3A_356, %swap3A_357, %swap3A_358] {strides = array<i32>} : memref<8x128x32xf32, #tpu.memory_space<vmem>>, vector<1x1x16xf32>,
        %swap3A_360 = vector.shape_cast %swap3A_359 : vector<1x1x16xf32> to vector<16xf32>
        %swap3A_361 = vector.shape_cast %add3A_355 : vector<16xf32> to vector<1x1x16xf32>
        tpu.vector_store %arg7[%swap3A_356, %swap3A_357, %swap3A_358], %swap3A_361 {strides = array<i32>} : memref<8x128x32xf32, #tpu.memory_space<vmem>>, vector<1x1x16xf32>,
        %get3A_362 = arith.constant 1 : i32
        %get3A_363 = arith.index_cast %get3A_362 : i32 to index
        %get3A_364 = arith.index_cast %add3A_348 : i32 to index
        %get3A_365 = arith.constant 16 : index
        %get3A_366 = tpu.vector_load %arg7[%get3A_363, %get3A_364, %get3A_365] {strides = array<i32>} : memref<8x128x32xf32, #tpu.memory_space<vmem>>, vector<1x1x16xf32>,
        %get3A_367 = vector.shape_cast %get3A_366 : vector<1x1x16xf32> to vector<16xf32>
        %add3A_368 = arith.addf %get3A_367, %get3A_232 : vector<16xf32>
        %swap3A_369 = arith.constant 1 : i32
        %swap3A_370 = arith.index_cast %swap3A_369 : i32 to index
        %swap3A_371 = arith.index_cast %add3A_348 : i32 to index
        %swap3A_372 = arith.constant 16 : index
        %swap3A_373 = tpu.vector_load %arg7[%swap3A_370, %swap3A_371, %swap3A_372] {strides = array<i32>} : memref<8x128x32xf32, #tpu.memory_space<vmem>>, vector<1x1x16xf32>,
        %swap3A_374 = vector.shape_cast %swap3A_373 : vector<1x1x16xf32> to vector<16xf32>
        %swap3A_375 = vector.shape_cast %add3A_368 : vector<16xf32> to vector<1x1x16xf32>
        tpu.vector_store %arg7[%swap3A_370, %swap3A_371, %swap3A_372], %swap3A_375 {strides = array<i32>} : memref<8x128x32xf32, #tpu.memory_space<vmem>>, vector<1x1x16xf32>,
        %mul3A_376 = arith.constant 8 : i32
        %mul3A_377 = arith.muli %add3A_344, %mul3A_376 : i32
        %add3A_378 = arith.constant 1 : i32
        %add3A_379 = arith.addi %mul3A_377, %add3A_378 : i32
        %get3A_380 = arith.constant 1 : i32
        %get3A_381 = arith.index_cast %get3A_380 : i32 to index
        %get3A_382 = arith.index_cast %add3A_379 : i32 to index
        %get3A_383 = arith.constant 0 : index
        %get3A_384 = tpu.vector_load %arg7[%get3A_381, %get3A_382, %get3A_383] {strides = array<i32>} : memref<8x128x32xf32, #tpu.memory_space<vmem>>, vector<1x1x16xf32>,
        %get3A_385 = vector.shape_cast %get3A_384 : vector<1x1x16xf32> to vector<16xf32>
        %add3A_386 = arith.addf %get3A_385, %get3A_226 : vector<16xf32>
        %swap3A_387 = arith.constant 1 : i32
        %swap3A_388 = arith.index_cast %swap3A_387 : i32 to index
        %swap3A_389 = arith.index_cast %add3A_379 : i32 to index
        %swap3A_390 = arith.constant 0 : index
        %swap3A_391 = tpu.vector_load %arg7[%swap3A_388, %swap3A_389, %swap3A_390] {strides = array<i32>} : memref<8x128x32xf32, #tpu.memory_space<vmem>>, vector<1x1x16xf32>,
        %swap3A_392 = vector.shape_cast %swap3A_391 : vector<1x1x16xf32> to vector<16xf32>
        %swap3A_393 = vector.shape_cast %add3A_386 : vector<16xf32> to vector<1x1x16xf32>
        tpu.vector_store %arg7[%swap3A_388, %swap3A_389, %swap3A_390], %swap3A_393 {strides = array<i32>} : memref<8x128x32xf32, #tpu.memory_space<vmem>>, vector<1x1x16xf32>,
        %get3A_394 = arith.constant 1 : i32
        %get3A_395 = arith.index_cast %get3A_394 : i32 to index
        %get3A_396 = arith.index_cast %add3A_379 : i32 to index
        %get3A_397 = arith.constant 16 : index
        %get3A_398 = tpu.vector_load %arg7[%get3A_395, %get3A_396, %get3A_397] {strides = array<i32>} : memref<8x128x32xf32, #tpu.memory_space<vmem>>, vector<1x1x16xf32>,
        %get3A_399 = vector.shape_cast %get3A_398 : vector<1x1x16xf32> to vector<16xf32>
        %add3A_400 = arith.addf %get3A_399, %get3A_232 : vector<16xf32>
        %swap3A_401 = arith.constant 1 : i32
        %swap3A_402 = arith.index_cast %swap3A_401 : i32 to index
        %swap3A_403 = arith.index_cast %add3A_379 : i32 to index
        %swap3A_404 = arith.constant 16 : index
        %swap3A_405 = tpu.vector_load %arg7[%swap3A_402, %swap3A_403, %swap3A_404] {strides = array<i32>} : memref<8x128x32xf32, #tpu.memory_space<vmem>>, vector<1x1x16xf32>,
        %swap3A_406 = vector.shape_cast %swap3A_405 : vector<1x1x16xf32> to vector<16xf32>
        %swap3A_407 = vector.shape_cast %add3A_400 : vector<16xf32> to vector<1x1x16xf32>
        tpu.vector_store %arg7[%swap3A_402, %swap3A_403, %swap3A_404], %swap3A_407 {strides = array<i32>} : memref<8x128x32xf32, #tpu.memory_space<vmem>>, vector<1x1x16xf32>,
        %mul3A_408 = arith.constant 8 : i32
        %mul3A_409 = arith.muli %add3A_344, %mul3A_408 : i32
        %add3A_410 = arith.constant 2 : i32
        %add3A_411 = arith.addi %mul3A_409, %add3A_410 : i32
        %get3A_412 = arith.constant 1 : i32
        %get3A_413 = arith.index_cast %get3A_412 : i32 to index
        %get3A_414 = arith.index_cast %add3A_411 : i32 to index
        %get3A_415 = arith.constant 0 : index
        %get3A_416 = tpu.vector_load %arg7[%get3A_413, %get3A_414, %get3A_415] {strides = array<i32>} : memref<8x128x32xf32, #tpu.memory_space<vmem>>, vector<1x1x16xf32>,
        %get3A_417 = vector.shape_cast %get3A_416 : vector<1x1x16xf32> to vector<16xf32>
        %add3A_418 = arith.addf %get3A_417, %get3A_226 : vector<16xf32>
        %swap3A_419 = arith.constant 1 : i32
        %swap3A_420 = arith.index_cast %swap3A_419 : i32 to index
        %swap3A_421 = arith.index_cast %add3A_411 : i32 to index
        %swap3A_422 = arith.constant 0 : index
        %swap3A_423 = tpu.vector_load %arg7[%swap3A_420, %swap3A_421, %swap3A_422] {strides = array<i32>} : memref<8x128x32xf32, #tpu.memory_space<vmem>>, vector<1x1x16xf32>,
        %swap3A_424 = vector.shape_cast %swap3A_423 : vector<1x1x16xf32> to vector<16xf32>
        %swap3A_425 = vector.shape_cast %add3A_418 : vector<16xf32> to vector<1x1x16xf32>
        tpu.vector_store %arg7[%swap3A_420, %swap3A_421, %swap3A_422], %swap3A_425 {strides = array<i32>} : memref<8x128x32xf32, #tpu.memory_space<vmem>>, vector<1x1x16xf32>,
        %get3A_426 = arith.constant 1 : i32
        %get3A_427 = arith.index_cast %get3A_426 : i32 to index
        %get3A_428 = arith.index_cast %add3A_411 : i32 to index
        %get3A_429 = arith.constant 16 : index
        %get3A_430 = tpu.vector_load %arg7[%get3A_427, %get3A_428, %get3A_429] {strides = array<i32>} : memref<8x128x32xf32, #tpu.memory_space<vmem>>, vector<1x1x16xf32>,
        %get3A_431 = vector.shape_cast %get3A_430 : vector<1x1x16xf32> to vector<16xf32>
        %add3A_432 = arith.addf %get3A_431, %get3A_232 : vector<16xf32>
        %swap3A_433 = arith.constant 1 : i32
        %swap3A_434 = arith.index_cast %swap3A_433 : i32 to index
        %swap3A_435 = arith.index_cast %add3A_411 : i32 to index
        %swap3A_436 = arith.constant 16 : index
        %swap3A_437 = tpu.vector_load %arg7[%swap3A_434, %swap3A_435, %swap3A_436] {strides = array<i32>} : memref<8x128x32xf32, #tpu.memory_space<vmem>>, vector<1x1x16xf32>,
        %swap3A_438 = vector.shape_cast %swap3A_437 : vector<1x1x16xf32> to vector<16xf32>
        %swap3A_439 = vector.shape_cast %add3A_432 : vector<16xf32> to vector<1x1x16xf32>
        tpu.vector_store %arg7[%swap3A_434, %swap3A_435, %swap3A_436], %swap3A_439 {strides = array<i32>} : memref<8x128x32xf32, #tpu.memory_space<vmem>>, vector<1x1x16xf32>,
        %mul3A_440 = arith.constant 8 : i32
        %mul3A_441 = arith.muli %add3A_344, %mul3A_440 : i32
        %add3A_442 = arith.constant 3 : i32
        %add3A_443 = arith.addi %mul3A_441, %add3A_442 : i32
        %get3A_444 = arith.constant 1 : i32
        %get3A_445 = arith.index_cast %get3A_444 : i32 to index
        %get3A_446 = arith.index_cast %add3A_443 : i32 to index
        %get3A_447 = arith.constant 0 : index
        %get3A_448 = tpu.vector_load %arg7[%get3A_445, %get3A_446, %get3A_447] {strides = array<i32>} : memref<8x128x32xf32, #tpu.memory_space<vmem>>, vector<1x1x16xf32>,
        %get3A_449 = vector.shape_cast %get3A_448 : vector<1x1x16xf32> to vector<16xf32>
        %add3A_450 = arith.addf %get3A_449, %get3A_226 : vector<16xf32>
        %swap3A_451 = arith.constant 1 : i32
        %swap3A_452 = arith.index_cast %swap3A_451 : i32 to index
        %swap3A_453 = arith.index_cast %add3A_443 : i32 to index
        %swap3A_454 = arith.constant 0 : index
        %swap3A_455 = tpu.vector_load %arg7[%swap3A_452, %swap3A_453, %swap3A_454] {strides = array<i32>} : memref<8x128x32xf32, #tpu.memory_space<vmem>>, vector<1x1x16xf32>,
        %swap3A_456 = vector.shape_cast %swap3A_455 : vector<1x1x16xf32> to vector<16xf32>
        %swap3A_457 = vector.shape_cast %add3A_450 : vector<16xf32> to vector<1x1x16xf32>
        tpu.vector_store %arg7[%swap3A_452, %swap3A_453, %swap3A_454], %swap3A_457 {strides = array<i32>} : memref<8x128x32xf32, #tpu.memory_space<vmem>>, vector<1x1x16xf32>,
        %get3A_458 = arith.constant 1 : i32
        %get3A_459 = arith.index_cast %get3A_458 : i32 to index
        %get3A_460 = arith.index_cast %add3A_443 : i32 to index
        %get3A_461 = arith.constant 16 : index
        %get3A_462 = tpu.vector_load %arg7[%get3A_459, %get3A_460, %get3A_461] {strides = array<i32>} : memref<8x128x32xf32, #tpu.memory_space<vmem>>, vector<1x1x16xf32>,
        %get3A_463 = vector.shape_cast %get3A_462 : vector<1x1x16xf32> to vector<16xf32>
        %add3A_464 = arith.addf %get3A_463, %get3A_232 : vector<16xf32>
        %swap3A_465 = arith.constant 1 : i32
        %swap3A_466 = arith.index_cast %swap3A_465 : i32 to index
        %swap3A_467 = arith.index_cast %add3A_443 : i32 to index
        %swap3A_468 = arith.constant 16 : index
        %swap3A_469 = tpu.vector_load %arg7[%swap3A_466, %swap3A_467, %swap3A_468] {strides = array<i32>} : memref<8x128x32xf32, #tpu.memory_space<vmem>>, vector<1x1x16xf32>,
        %swap3A_470 = vector.shape_cast %swap3A_469 : vector<1x1x16xf32> to vector<16xf32>
        %swap3A_471 = vector.shape_cast %add3A_464 : vector<16xf32> to vector<1x1x16xf32>
        tpu.vector_store %arg7[%swap3A_466, %swap3A_467, %swap3A_468], %swap3A_471 {strides = array<i32>} : memref<8x128x32xf32, #tpu.memory_space<vmem>>, vector<1x1x16xf32>,
        %mul3A_472 = arith.constant 8 : i32
        %mul3A_473 = arith.muli %add3A_344, %mul3A_472 : i32
        %add3A_474 = arith.constant 4 : i32
        %add3A_475 = arith.addi %mul3A_473, %add3A_474 : i32
        %get3A_476 = arith.constant 1 : i32
        %get3A_477 = arith.index_cast %get3A_476 : i32 to index
        %get3A_478 = arith.index_cast %add3A_475 : i32 to index
        %get3A_479 = arith.constant 0 : index
        %get3A_480 = tpu.vector_load %arg7[%get3A_477, %get3A_478, %get3A_479] {strides = array<i32>} : memref<8x128x32xf32, #tpu.memory_space<vmem>>, vector<1x1x16xf32>,
        %get3A_481 = vector.shape_cast %get3A_480 : vector<1x1x16xf32> to vector<16xf32>
        %add3A_482 = arith.addf %get3A_481, %get3A_226 : vector<16xf32>
        %swap3A_483 = arith.constant 1 : i32
        %swap3A_484 = arith.index_cast %swap3A_483 : i32 to index
        %swap3A_485 = arith.index_cast %add3A_475 : i32 to index
        %swap3A_486 = arith.constant 0 : index
        %swap3A_487 = tpu.vector_load %arg7[%swap3A_484, %swap3A_485, %swap3A_486] {strides = array<i32>} : memref<8x128x32xf32, #tpu.memory_space<vmem>>, vector<1x1x16xf32>,
        %swap3A_488 = vector.shape_cast %swap3A_487 : vector<1x1x16xf32> to vector<16xf32>
        %swap3A_489 = vector.shape_cast %add3A_482 : vector<16xf32> to vector<1x1x16xf32>
        tpu.vector_store %arg7[%swap3A_484, %swap3A_485, %swap3A_486], %swap3A_489 {strides = array<i32>} : memref<8x128x32xf32, #tpu.memory_space<vmem>>, vector<1x1x16xf32>,
        %get3A_490 = arith.constant 1 : i32
        %get3A_491 = arith.index_cast %get3A_490 : i32 to index
        %get3A_492 = arith.index_cast %add3A_475 : i32 to index
        %get3A_493 = arith.constant 16 : index
        %get3A_494 = tpu.vector_load %arg7[%get3A_491, %get3A_492, %get3A_493] {strides = array<i32>} : memref<8x128x32xf32, #tpu.memory_space<vmem>>, vector<1x1x16xf32>,
        %get3A_495 = vector.shape_cast %get3A_494 : vector<1x1x16xf32> to vector<16xf32>
        %add3A_496 = arith.addf %get3A_495, %get3A_232 : vector<16xf32>
        %swap3A_497 = arith.constant 1 : i32
        %swap3A_498 = arith.index_cast %swap3A_497 : i32 to index
        %swap3A_499 = arith.index_cast %add3A_475 : i32 to index
        %swap3A_500 = arith.constant 16 : index
        %swap3A_501 = tpu.vector_load %arg7[%swap3A_498, %swap3A_499, %swap3A_500] {strides = array<i32>} : memref<8x128x32xf32, #tpu.memory_space<vmem>>, vector<1x1x16xf32>,
        %swap3A_502 = vector.shape_cast %swap3A_501 : vector<1x1x16xf32> to vector<16xf32>
        %swap3A_503 = vector.shape_cast %add3A_496 : vector<16xf32> to vector<1x1x16xf32>
        tpu.vector_store %arg7[%swap3A_498, %swap3A_499, %swap3A_500], %swap3A_503 {strides = array<i32>} : memref<8x128x32xf32, #tpu.memory_space<vmem>>, vector<1x1x16xf32>,
        %mul3A_504 = arith.constant 8 : i32
        %mul3A_505 = arith.muli %add3A_344, %mul3A_504 : i32
        %add3A_506 = arith.constant 5 : i32
        %add3A_507 = arith.addi %mul3A_505, %add3A_506 : i32
        %get3A_508 = arith.constant 1 : i32
        %get3A_509 = arith.index_cast %get3A_508 : i32 to index
        %get3A_510 = arith.index_cast %add3A_507 : i32 to index
        %get3A_511 = arith.constant 0 : index
        %get3A_512 = tpu.vector_load %arg7[%get3A_509, %get3A_510, %get3A_511] {strides = array<i32>} : memref<8x128x32xf32, #tpu.memory_space<vmem>>, vector<1x1x16xf32>,
        %get3A_513 = vector.shape_cast %get3A_512 : vector<1x1x16xf32> to vector<16xf32>
        %add3A_514 = arith.addf %get3A_513, %get3A_226 : vector<16xf32>
        %swap3A_515 = arith.constant 1 : i32
        %swap3A_516 = arith.index_cast %swap3A_515 : i32 to index
        %swap3A_517 = arith.index_cast %add3A_507 : i32 to index
        %swap3A_518 = arith.constant 0 : index
        %swap3A_519 = tpu.vector_load %arg7[%swap3A_516, %swap3A_517, %swap3A_518] {strides = array<i32>} : memref<8x128x32xf32, #tpu.memory_space<vmem>>, vector<1x1x16xf32>,
        %swap3A_520 = vector.shape_cast %swap3A_519 : vector<1x1x16xf32> to vector<16xf32>
        %swap3A_521 = vector.shape_cast %add3A_514 : vector<16xf32> to vector<1x1x16xf32>
        tpu.vector_store %arg7[%swap3A_516, %swap3A_517, %swap3A_518], %swap3A_521 {strides = array<i32>} : memref<8x128x32xf32, #tpu.memory_space<vmem>>, vector<1x1x16xf32>,
        %get3A_522 = arith.constant 1 : i32
        %get3A_523 = arith.index_cast %get3A_522 : i32 to index
        %get3A_524 = arith.index_cast %add3A_507 : i32 to index
        %get3A_525 = arith.constant 16 : index
        %get3A_526 = tpu.vector_load %arg7[%get3A_523, %get3A_524, %get3A_525] {strides = array<i32>} : memref<8x128x32xf32, #tpu.memory_space<vmem>>, vector<1x1x16xf32>,
        %get3A_527 = vector.shape_cast %get3A_526 : vector<1x1x16xf32> to vector<16xf32>
        %add3A_528 = arith.addf %get3A_527, %get3A_232 : vector<16xf32>
        %swap3A_529 = arith.constant 1 : i32
        %swap3A_530 = arith.index_cast %swap3A_529 : i32 to index
        %swap3A_531 = arith.index_cast %add3A_507 : i32 to index
        %swap3A_532 = arith.constant 16 : index
        %swap3A_533 = tpu.vector_load %arg7[%swap3A_530, %swap3A_531, %swap3A_532] {strides = array<i32>} : memref<8x128x32xf32, #tpu.memory_space<vmem>>, vector<1x1x16xf32>,
        %swap3A_534 = vector.shape_cast %swap3A_533 : vector<1x1x16xf32> to vector<16xf32>
        %swap3A_535 = vector.shape_cast %add3A_528 : vector<16xf32> to vector<1x1x16xf32>
        tpu.vector_store %arg7[%swap3A_530, %swap3A_531, %swap3A_532], %swap3A_535 {strides = array<i32>} : memref<8x128x32xf32, #tpu.memory_space<vmem>>, vector<1x1x16xf32>,
        %mul3A_536 = arith.constant 8 : i32
        %mul3A_537 = arith.muli %add3A_344, %mul3A_536 : i32
        %add3A_538 = arith.constant 6 : i32
        %add3A_539 = arith.addi %mul3A_537, %add3A_538 : i32
        %get3A_540 = arith.constant 1 : i32
        %get3A_541 = arith.index_cast %get3A_540 : i32 to index
        %get3A_542 = arith.index_cast %add3A_539 : i32 to index
        %get3A_543 = arith.constant 0 : index
        %get3A_544 = tpu.vector_load %arg7[%get3A_541, %get3A_542, %get3A_543] {strides = array<i32>} : memref<8x128x32xf32, #tpu.memory_space<vmem>>, vector<1x1x16xf32>,
        %get3A_545 = vector.shape_cast %get3A_544 : vector<1x1x16xf32> to vector<16xf32>
        %add3A_546 = arith.addf %get3A_545, %get3A_226 : vector<16xf32>
        %swap3A_547 = arith.constant 1 : i32
        %swap3A_548 = arith.index_cast %swap3A_547 : i32 to index
        %swap3A_549 = arith.index_cast %add3A_539 : i32 to index
        %swap3A_550 = arith.constant 0 : index
        %swap3A_551 = tpu.vector_load %arg7[%swap3A_548, %swap3A_549, %swap3A_550] {strides = array<i32>} : memref<8x128x32xf32, #tpu.memory_space<vmem>>, vector<1x1x16xf32>,
        %swap3A_552 = vector.shape_cast %swap3A_551 : vector<1x1x16xf32> to vector<16xf32>
        %swap3A_553 = vector.shape_cast %add3A_546 : vector<16xf32> to vector<1x1x16xf32>
        tpu.vector_store %arg7[%swap3A_548, %swap3A_549, %swap3A_550], %swap3A_553 {strides = array<i32>} : memref<8x128x32xf32, #tpu.memory_space<vmem>>, vector<1x1x16xf32>,
        %get3A_554 = arith.constant 1 : i32
        %get3A_555 = arith.index_cast %get3A_554 : i32 to index
        %get3A_556 = arith.index_cast %add3A_539 : i32 to index
        %get3A_557 = arith.constant 16 : index
        %get3A_558 = tpu.vector_load %arg7[%get3A_555, %get3A_556, %get3A_557] {strides = array<i32>} : memref<8x128x32xf32, #tpu.memory_space<vmem>>, vector<1x1x16xf32>,
        %get3A_559 = vector.shape_cast %get3A_558 : vector<1x1x16xf32> to vector<16xf32>
        %add3A_560 = arith.addf %get3A_559, %get3A_232 : vector<16xf32>
        %swap3A_561 = arith.constant 1 : i32
        %swap3A_562 = arith.index_cast %swap3A_561 : i32 to index
        %swap3A_563 = arith.index_cast %add3A_539 : i32 to index
        %swap3A_564 = arith.constant 16 : index
        %swap3A_565 = tpu.vector_load %arg7[%swap3A_562, %swap3A_563, %swap3A_564] {strides = array<i32>} : memref<8x128x32xf32, #tpu.memory_space<vmem>>, vector<1x1x16xf32>,
        %swap3A_566 = vector.shape_cast %swap3A_565 : vector<1x1x16xf32> to vector<16xf32>
        %swap3A_567 = vector.shape_cast %add3A_560 : vector<16xf32> to vector<1x1x16xf32>
        tpu.vector_store %arg7[%swap3A_562, %swap3A_563, %swap3A_564], %swap3A_567 {strides = array<i32>} : memref<8x128x32xf32, #tpu.memory_space<vmem>>, vector<1x1x16xf32>,
        %mul3A_568 = arith.constant 8 : i32
        %mul3A_569 = arith.muli %add3A_344, %mul3A_568 : i32
        %add3A_570 = arith.constant 7 : i32
        %add3A_571 = arith.addi %mul3A_569, %add3A_570 : i32
        %get3A_572 = arith.constant 1 : i32
        %get3A_573 = arith.index_cast %get3A_572 : i32 to index
        %get3A_574 = arith.index_cast %add3A_571 : i32 to index
        %get3A_575 = arith.constant 0 : index
        %get3A_576 = tpu.vector_load %arg7[%get3A_573, %get3A_574, %get3A_575] {strides = array<i32>} : memref<8x128x32xf32, #tpu.memory_space<vmem>>, vector<1x1x16xf32>,
        %get3A_577 = vector.shape_cast %get3A_576 : vector<1x1x16xf32> to vector<16xf32>
        %add3A_578 = arith.addf %get3A_577, %get3A_226 : vector<16xf32>
        %swap3A_579 = arith.constant 1 : i32
        %swap3A_580 = arith.index_cast %swap3A_579 : i32 to index
        %swap3A_581 = arith.index_cast %add3A_571 : i32 to index
        %swap3A_582 = arith.constant 0 : index
        %swap3A_583 = tpu.vector_load %arg7[%swap3A_580, %swap3A_581, %swap3A_582] {strides = array<i32>} : memref<8x128x32xf32, #tpu.memory_space<vmem>>, vector<1x1x16xf32>,
        %swap3A_584 = vector.shape_cast %swap3A_583 : vector<1x1x16xf32> to vector<16xf32>
        %swap3A_585 = vector.shape_cast %add3A_578 : vector<16xf32> to vector<1x1x16xf32>
        tpu.vector_store %arg7[%swap3A_580, %swap3A_581, %swap3A_582], %swap3A_585 {strides = array<i32>} : memref<8x128x32xf32, #tpu.memory_space<vmem>>, vector<1x1x16xf32>,
        %get3A_586 = arith.constant 1 : i32
        %get3A_587 = arith.index_cast %get3A_586 : i32 to index
        %get3A_588 = arith.index_cast %add3A_571 : i32 to index
        %get3A_589 = arith.constant 16 : index
        %get3A_590 = tpu.vector_load %arg7[%get3A_587, %get3A_588, %get3A_589] {strides = array<i32>} : memref<8x128x32xf32, #tpu.memory_space<vmem>>, vector<1x1x16xf32>,
        %get3A_591 = vector.shape_cast %get3A_590 : vector<1x1x16xf32> to vector<16xf32>
        %add3A_592 = arith.addf %get3A_591, %get3A_232 : vector<16xf32>
        %swap3A_593 = arith.constant 1 : i32
        %swap3A_594 = arith.index_cast %swap3A_593 : i32 to index
        %swap3A_595 = arith.index_cast %add3A_571 : i32 to index
        %swap3A_596 = arith.constant 16 : index
        %swap3A_597 = tpu.vector_load %arg7[%swap3A_594, %swap3A_595, %swap3A_596] {strides = array<i32>} : memref<8x128x32xf32, #tpu.memory_space<vmem>>, vector<1x1x16xf32>,
        %swap3A_598 = vector.shape_cast %swap3A_597 : vector<1x1x16xf32> to vector<16xf32>
        %swap3A_599 = vector.shape_cast %add3A_592 : vector<16xf32> to vector<1x1x16xf32>
        tpu.vector_store %arg7[%swap3A_594, %swap3A_595, %swap3A_596], %swap3A_599 {strides = array<i32>} : memref<8x128x32xf32, #tpu.memory_space<vmem>>, vector<1x1x16xf32>,
      }
      %scan3A_237 = arith.constant 16 : i32
      %add3A_238 = arith.constant 2 : i32
      %add3A_239 = arith.addi %multiple_of3A_14, %add3A_238 : i32
      %get3A_240 = arith.index_cast %add3A_239 : i32 to index
      %get3A_241 = arith.constant 0 : index
      %get3A_242 = tpu.vector_load %arg8[%get3A_240, %get3A_241] {strides = array<i32>} : memref<200x32xf32, #tpu.memory_space<vmem>>, vector<1x16xf32>,
      %get3A_243 = vector.shape_cast %get3A_242 : vector<1x16xf32> to vector<16xf32>
      %add3A_244 = arith.constant 2 : i32
      %add3A_245 = arith.addi %multiple_of3A_14, %add3A_244 : i32
      %get3A_246 = arith.index_cast %add3A_245 : i32 to index
      %get3A_247 = arith.constant 16 : index
      %get3A_248 = tpu.vector_load %arg8[%get3A_246, %get3A_247] {strides = array<i32>} : memref<200x32xf32, #tpu.memory_space<vmem>>, vector<1x16xf32>,
      %get3A_249 = vector.shape_cast %get3A_248 : vector<1x16xf32> to vector<16xf32>
      %scan3A_250 = arith.constant 0 : i32
      %scan3A_251 = arith.constant 16 : i32
      %scan3A_252 = arith.addi %scan3A_250, %scan3A_251 : i32
      %scan3A_253 = arith.constant 1 : i32
      scf.for %scan3A_340 = %scan3A_250 to %scan3A_252 step %scan3A_253  : i32 {
        %mul3A_341 = arith.constant 1 : i32
        %mul3A_342 = arith.muli %scan3A_340, %mul3A_341 : i32
        %add3A_343 = arith.constant 0 : i32
        %add3A_344 = arith.addi %add3A_343, %mul3A_342 : i32
        %mul3A_345 = arith.constant 8 : i32
        %mul3A_346 = arith.muli %add3A_344, %mul3A_345 : i32
        %add3A_347 = arith.constant 0 : i32
        %add3A_348 = arith.addi %mul3A_346, %add3A_347 : i32
        %get3A_349 = arith.constant 2 : i32
        %get3A_350 = arith.index_cast %get3A_349 : i32 to index
        %get3A_351 = arith.index_cast %add3A_348 : i32 to index
        %get3A_352 = arith.constant 0 : index
        %get3A_353 = tpu.vector_load %arg7[%get3A_350, %get3A_351, %get3A_352] {strides = array<i32>} : memref<8x128x32xf32, #tpu.memory_space<vmem>>, vector<1x1x16xf32>,
        %get3A_354 = vector.shape_cast %get3A_353 : vector<1x1x16xf32> to vector<16xf32>
        %add3A_355 = arith.addf %get3A_354, %get3A_243 : vector<16xf32>
        %swap3A = arith.constant 2 : i32
        %swap3A_356 = arith.index_cast %swap3A : i32 to index
        %swap3A_357 = arith.index_cast %add3A_348 : i32 to index
        %swap3A_358 = arith.constant 0 : index
        %swap3A_359 = tpu.vector_load %arg7[%swap3A_356, %swap3A_357, %swap3A_358] {strides = array<i32>} : memref<8x128x32xf32, #tpu.memory_space<vmem>>, vector<1x1x16xf32>,
        %swap3A_360 = vector.shape_cast %swap3A_359 : vector<1x1x16xf32> to vector<16xf32>
        %swap3A_361 = vector.shape_cast %add3A_355 : vector<16xf32> to vector<1x1x16xf32>
        tpu.vector_store %arg7[%swap3A_356, %swap3A_357, %swap3A_358], %swap3A_361 {strides = array<i32>} : memref<8x128x32xf32, #tpu.memory_space<vmem>>, vector<1x1x16xf32>,
        %get3A_362 = arith.constant 2 : i32
        %get3A_363 = arith.index_cast %get3A_362 : i32 to index
        %get3A_364 = arith.index_cast %add3A_348 : i32 to index
        %get3A_365 = arith.constant 16 : index
        %get3A_366 = tpu.vector_load %arg7[%get3A_363, %get3A_364, %get3A_365] {strides = array<i32>} : memref<8x128x32xf32, #tpu.memory_space<vmem>>, vector<1x1x16xf32>,
        %get3A_367 = vector.shape_cast %get3A_366 : vector<1x1x16xf32> to vector<16xf32>
        %add3A_368 = arith.addf %get3A_367, %get3A_249 : vector<16xf32>
        %swap3A_369 = arith.constant 2 : i32
        %swap3A_370 = arith.index_cast %swap3A_369 : i32 to index
        %swap3A_371 = arith.index_cast %add3A_348 : i32 to index
        %swap3A_372 = arith.constant 16 : index
        %swap3A_373 = tpu.vector_load %arg7[%swap3A_370, %swap3A_371, %swap3A_372] {strides = array<i32>} : memref<8x128x32xf32, #tpu.memory_space<vmem>>, vector<1x1x16xf32>,
        %swap3A_374 = vector.shape_cast %swap3A_373 : vector<1x1x16xf32> to vector<16xf32>
        %swap3A_375 = vector.shape_cast %add3A_368 : vector<16xf32> to vector<1x1x16xf32>
        tpu.vector_store %arg7[%swap3A_370, %swap3A_371, %swap3A_372], %swap3A_375 {strides = array<i32>} : memref<8x128x32xf32, #tpu.memory_space<vmem>>, vector<1x1x16xf32>,
        %mul3A_376 = arith.constant 8 : i32
        %mul3A_377 = arith.muli %add3A_344, %mul3A_376 : i32
        %add3A_378 = arith.constant 1 : i32
        %add3A_379 = arith.addi %mul3A_377, %add3A_378 : i32
        %get3A_380 = arith.constant 2 : i32
        %get3A_381 = arith.index_cast %get3A_380 : i32 to index
        %get3A_382 = arith.index_cast %add3A_379 : i32 to index
        %get3A_383 = arith.constant 0 : index
        %get3A_384 = tpu.vector_load %arg7[%get3A_381, %get3A_382, %get3A_383] {strides = array<i32>} : memref<8x128x32xf32, #tpu.memory_space<vmem>>, vector<1x1x16xf32>,
        %get3A_385 = vector.shape_cast %get3A_384 : vector<1x1x16xf32> to vector<16xf32>
        %add3A_386 = arith.addf %get3A_385, %get3A_243 : vector<16xf32>
        %swap3A_387 = arith.constant 2 : i32
        %swap3A_388 = arith.index_cast %swap3A_387 : i32 to index
        %swap3A_389 = arith.index_cast %add3A_379 : i32 to index
        %swap3A_390 = arith.constant 0 : index
        %swap3A_391 = tpu.vector_load %arg7[%swap3A_388, %swap3A_389, %swap3A_390] {strides = array<i32>} : memref<8x128x32xf32, #tpu.memory_space<vmem>>, vector<1x1x16xf32>,
        %swap3A_392 = vector.shape_cast %swap3A_391 : vector<1x1x16xf32> to vector<16xf32>
        %swap3A_393 = vector.shape_cast %add3A_386 : vector<16xf32> to vector<1x1x16xf32>
        tpu.vector_store %arg7[%swap3A_388, %swap3A_389, %swap3A_390], %swap3A_393 {strides = array<i32>} : memref<8x128x32xf32, #tpu.memory_space<vmem>>, vector<1x1x16xf32>,
        %get3A_394 = arith.constant 2 : i32
        %get3A_395 = arith.index_cast %get3A_394 : i32 to index
        %get3A_396 = arith.index_cast %add3A_379 : i32 to index
        %get3A_397 = arith.constant 16 : index
        %get3A_398 = tpu.vector_load %arg7[%get3A_395, %get3A_396, %get3A_397] {strides = array<i32>} : memref<8x128x32xf32, #tpu.memory_space<vmem>>, vector<1x1x16xf32>,
        %get3A_399 = vector.shape_cast %get3A_398 : vector<1x1x16xf32> to vector<16xf32>
        %add3A_400 = arith.addf %get3A_399, %get3A_249 : vector<16xf32>
        %swap3A_401 = arith.constant 2 : i32
        %swap3A_402 = arith.index_cast %swap3A_401 : i32 to index
        %swap3A_403 = arith.index_cast %add3A_379 : i32 to index
        %swap3A_404 = arith.constant 16 : index
        %swap3A_405 = tpu.vector_load %arg7[%swap3A_402, %swap3A_403, %swap3A_404] {strides = array<i32>} : memref<8x128x32xf32, #tpu.memory_space<vmem>>, vector<1x1x16xf32>,
        %swap3A_406 = vector.shape_cast %swap3A_405 : vector<1x1x16xf32> to vector<16xf32>
        %swap3A_407 = vector.shape_cast %add3A_400 : vector<16xf32> to vector<1x1x16xf32>
        tpu.vector_store %arg7[%swap3A_402, %swap3A_403, %swap3A_404], %swap3A_407 {strides = array<i32>} : memref<8x128x32xf32, #tpu.memory_space<vmem>>, vector<1x1x16xf32>,
        %mul3A_408 = arith.constant 8 : i32
        %mul3A_409 = arith.muli %add3A_344, %mul3A_408 : i32
        %add3A_410 = arith.constant 2 : i32
        %add3A_411 = arith.addi %mul3A_409, %add3A_410 : i32
        %get3A_412 = arith.constant 2 : i32
        %get3A_413 = arith.index_cast %get3A_412 : i32 to index
        %get3A_414 = arith.index_cast %add3A_411 : i32 to index
        %get3A_415 = arith.constant 0 : index
        %get3A_416 = tpu.vector_load %arg7[%get3A_413, %get3A_414, %get3A_415] {strides = array<i32>} : memref<8x128x32xf32, #tpu.memory_space<vmem>>, vector<1x1x16xf32>,
        %get3A_417 = vector.shape_cast %get3A_416 : vector<1x1x16xf32> to vector<16xf32>
        %add3A_418 = arith.addf %get3A_417, %get3A_243 : vector<16xf32>
        %swap3A_419 = arith.constant 2 : i32
        %swap3A_420 = arith.index_cast %swap3A_419 : i32 to index
        %swap3A_421 = arith.index_cast %add3A_411 : i32 to index
        %swap3A_422 = arith.constant 0 : index
        %swap3A_423 = tpu.vector_load %arg7[%swap3A_420, %swap3A_421, %swap3A_422] {strides = array<i32>} : memref<8x128x32xf32, #tpu.memory_space<vmem>>, vector<1x1x16xf32>,
        %swap3A_424 = vector.shape_cast %swap3A_423 : vector<1x1x16xf32> to vector<16xf32>
        %swap3A_425 = vector.shape_cast %add3A_418 : vector<16xf32> to vector<1x1x16xf32>
        tpu.vector_store %arg7[%swap3A_420, %swap3A_421, %swap3A_422], %swap3A_425 {strides = array<i32>} : memref<8x128x32xf32, #tpu.memory_space<vmem>>, vector<1x1x16xf32>,
        %get3A_426 = arith.constant 2 : i32
        %get3A_427 = arith.index_cast %get3A_426 : i32 to index
        %get3A_428 = arith.index_cast %add3A_411 : i32 to index
        %get3A_429 = arith.constant 16 : index
        %get3A_430 = tpu.vector_load %arg7[%get3A_427, %get3A_428, %get3A_429] {strides = array<i32>} : memref<8x128x32xf32, #tpu.memory_space<vmem>>, vector<1x1x16xf32>,
        %get3A_431 = vector.shape_cast %get3A_430 : vector<1x1x16xf32> to vector<16xf32>
        %add3A_432 = arith.addf %get3A_431, %get3A_249 : vector<16xf32>
        %swap3A_433 = arith.constant 2 : i32
        %swap3A_434 = arith.index_cast %swap3A_433 : i32 to index
        %swap3A_435 = arith.index_cast %add3A_411 : i32 to index
        %swap3A_436 = arith.constant 16 : index
        %swap3A_437 = tpu.vector_load %arg7[%swap3A_434, %swap3A_435, %swap3A_436] {strides = array<i32>} : memref<8x128x32xf32, #tpu.memory_space<vmem>>, vector<1x1x16xf32>,
        %swap3A_438 = vector.shape_cast %swap3A_437 : vector<1x1x16xf32> to vector<16xf32>
        %swap3A_439 = vector.shape_cast %add3A_432 : vector<16xf32> to vector<1x1x16xf32>
        tpu.vector_store %arg7[%swap3A_434, %swap3A_435, %swap3A_436], %swap3A_439 {strides = array<i32>} : memref<8x128x32xf32, #tpu.memory_space<vmem>>, vector<1x1x16xf32>,
        %mul3A_440 = arith.constant 8 : i32
        %mul3A_441 = arith.muli %add3A_344, %mul3A_440 : i32
        %add3A_442 = arith.constant 3 : i32
        %add3A_443 = arith.addi %mul3A_441, %add3A_442 : i32
        %get3A_444 = arith.constant 2 : i32
        %get3A_445 = arith.index_cast %get3A_444 : i32 to index
        %get3A_446 = arith.index_cast %add3A_443 : i32 to index
        %get3A_447 = arith.constant 0 : index
        %get3A_448 = tpu.vector_load %arg7[%get3A_445, %get3A_446, %get3A_447] {strides = array<i32>} : memref<8x128x32xf32, #tpu.memory_space<vmem>>, vector<1x1x16xf32>,
        %get3A_449 = vector.shape_cast %get3A_448 : vector<1x1x16xf32> to vector<16xf32>
        %add3A_450 = arith.addf %get3A_449, %get3A_243 : vector<16xf32>
        %swap3A_451 = arith.constant 2 : i32
        %swap3A_452 = arith.index_cast %swap3A_451 : i32 to index
        %swap3A_453 = arith.index_cast %add3A_443 : i32 to index
        %swap3A_454 = arith.constant 0 : index
        %swap3A_455 = tpu.vector_load %arg7[%swap3A_452, %swap3A_453, %swap3A_454] {strides = array<i32>} : memref<8x128x32xf32, #tpu.memory_space<vmem>>, vector<1x1x16xf32>,
        %swap3A_456 = vector.shape_cast %swap3A_455 : vector<1x1x16xf32> to vector<16xf32>
        %swap3A_457 = vector.shape_cast %add3A_450 : vector<16xf32> to vector<1x1x16xf32>
        tpu.vector_store %arg7[%swap3A_452, %swap3A_453, %swap3A_454], %swap3A_457 {strides = array<i32>} : memref<8x128x32xf32, #tpu.memory_space<vmem>>, vector<1x1x16xf32>,
        %get3A_458 = arith.constant 2 : i32
        %get3A_459 = arith.index_cast %get3A_458 : i32 to index
        %get3A_460 = arith.index_cast %add3A_443 : i32 to index
        %get3A_461 = arith.constant 16 : index
        %get3A_462 = tpu.vector_load %arg7[%get3A_459, %get3A_460, %get3A_461] {strides = array<i32>} : memref<8x128x32xf32, #tpu.memory_space<vmem>>, vector<1x1x16xf32>,
        %get3A_463 = vector.shape_cast %get3A_462 : vector<1x1x16xf32> to vector<16xf32>
        %add3A_464 = arith.addf %get3A_463, %get3A_249 : vector<16xf32>
        %swap3A_465 = arith.constant 2 : i32
        %swap3A_466 = arith.index_cast %swap3A_465 : i32 to index
        %swap3A_467 = arith.index_cast %add3A_443 : i32 to index
        %swap3A_468 = arith.constant 16 : index
        %swap3A_469 = tpu.vector_load %arg7[%swap3A_466, %swap3A_467, %swap3A_468] {strides = array<i32>} : memref<8x128x32xf32, #tpu.memory_space<vmem>>, vector<1x1x16xf32>,
        %swap3A_470 = vector.shape_cast %swap3A_469 : vector<1x1x16xf32> to vector<16xf32>
        %swap3A_471 = vector.shape_cast %add3A_464 : vector<16xf32> to vector<1x1x16xf32>
        tpu.vector_store %arg7[%swap3A_466, %swap3A_467, %swap3A_468], %swap3A_471 {strides = array<i32>} : memref<8x128x32xf32, #tpu.memory_space<vmem>>, vector<1x1x16xf32>,
        %mul3A_472 = arith.constant 8 : i32
        %mul3A_473 = arith.muli %add3A_344, %mul3A_472 : i32
        %add3A_474 = arith.constant 4 : i32
        %add3A_475 = arith.addi %mul3A_473, %add3A_474 : i32
        %get3A_476 = arith.constant 2 : i32
        %get3A_477 = arith.index_cast %get3A_476 : i32 to index
        %get3A_478 = arith.index_cast %add3A_475 : i32 to index
        %get3A_479 = arith.constant 0 : index
        %get3A_480 = tpu.vector_load %arg7[%get3A_477, %get3A_478, %get3A_479] {strides = array<i32>} : memref<8x128x32xf32, #tpu.memory_space<vmem>>, vector<1x1x16xf32>,
        %get3A_481 = vector.shape_cast %get3A_480 : vector<1x1x16xf32> to vector<16xf32>
        %add3A_482 = arith.addf %get3A_481, %get3A_243 : vector<16xf32>
        %swap3A_483 = arith.constant 2 : i32
        %swap3A_484 = arith.index_cast %swap3A_483 : i32 to index
        %swap3A_485 = arith.index_cast %add3A_475 : i32 to index
        %swap3A_486 = arith.constant 0 : index
        %swap3A_487 = tpu.vector_load %arg7[%swap3A_484, %swap3A_485, %swap3A_486] {strides = array<i32>} : memref<8x128x32xf32, #tpu.memory_space<vmem>>, vector<1x1x16xf32>,
        %swap3A_488 = vector.shape_cast %swap3A_487 : vector<1x1x16xf32> to vector<16xf32>
        %swap3A_489 = vector.shape_cast %add3A_482 : vector<16xf32> to vector<1x1x16xf32>
        tpu.vector_store %arg7[%swap3A_484, %swap3A_485, %swap3A_486], %swap3A_489 {strides = array<i32>} : memref<8x128x32xf32, #tpu.memory_space<vmem>>, vector<1x1x16xf32>,
        %get3A_490 = arith.constant 2 : i32
        %get3A_491 = arith.index_cast %get3A_490 : i32 to index
        %get3A_492 = arith.index_cast %add3A_475 : i32 to index
        %get3A_493 = arith.constant 16 : index
        %get3A_494 = tpu.vector_load %arg7[%get3A_491, %get3A_492, %get3A_493] {strides = array<i32>} : memref<8x128x32xf32, #tpu.memory_space<vmem>>, vector<1x1x16xf32>,
        %get3A_495 = vector.shape_cast %get3A_494 : vector<1x1x16xf32> to vector<16xf32>
        %add3A_496 = arith.addf %get3A_495, %get3A_249 : vector<16xf32>
        %swap3A_497 = arith.constant 2 : i32
        %swap3A_498 = arith.index_cast %swap3A_497 : i32 to index
        %swap3A_499 = arith.index_cast %add3A_475 : i32 to index
        %swap3A_500 = arith.constant 16 : index
        %swap3A_501 = tpu.vector_load %arg7[%swap3A_498, %swap3A_499, %swap3A_500] {strides = array<i32>} : memref<8x128x32xf32, #tpu.memory_space<vmem>>, vector<1x1x16xf32>,
        %swap3A_502 = vector.shape_cast %swap3A_501 : vector<1x1x16xf32> to vector<16xf32>
        %swap3A_503 = vector.shape_cast %add3A_496 : vector<16xf32> to vector<1x1x16xf32>
        tpu.vector_store %arg7[%swap3A_498, %swap3A_499, %swap3A_500], %swap3A_503 {strides = array<i32>} : memref<8x128x32xf32, #tpu.memory_space<vmem>>, vector<1x1x16xf32>,
        %mul3A_504 = arith.constant 8 : i32
        %mul3A_505 = arith.muli %add3A_344, %mul3A_504 : i32
        %add3A_506 = arith.constant 5 : i32
        %add3A_507 = arith.addi %mul3A_505, %add3A_506 : i32
        %get3A_508 = arith.constant 2 : i32
        %get3A_509 = arith.index_cast %get3A_508 : i32 to index
        %get3A_510 = arith.index_cast %add3A_507 : i32 to index
        %get3A_511 = arith.constant 0 : index
        %get3A_512 = tpu.vector_load %arg7[%get3A_509, %get3A_510, %get3A_511] {strides = array<i32>} : memref<8x128x32xf32, #tpu.memory_space<vmem>>, vector<1x1x16xf32>,
        %get3A_513 = vector.shape_cast %get3A_512 : vector<1x1x16xf32> to vector<16xf32>
        %add3A_514 = arith.addf %get3A_513, %get3A_243 : vector<16xf32>
        %swap3A_515 = arith.constant 2 : i32
        %swap3A_516 = arith.index_cast %swap3A_515 : i32 to index
        %swap3A_517 = arith.index_cast %add3A_507 : i32 to index
        %swap3A_518 = arith.constant 0 : index
        %swap3A_519 = tpu.vector_load %arg7[%swap3A_516, %swap3A_517, %swap3A_518] {strides = array<i32>} : memref<8x128x32xf32, #tpu.memory_space<vmem>>, vector<1x1x16xf32>,
        %swap3A_520 = vector.shape_cast %swap3A_519 : vector<1x1x16xf32> to vector<16xf32>
        %swap3A_521 = vector.shape_cast %add3A_514 : vector<16xf32> to vector<1x1x16xf32>
        tpu.vector_store %arg7[%swap3A_516, %swap3A_517, %swap3A_518], %swap3A_521 {strides = array<i32>} : memref<8x128x32xf32, #tpu.memory_space<vmem>>, vector<1x1x16xf32>,
        %get3A_522 = arith.constant 2 : i32
        %get3A_523 = arith.index_cast %get3A_522 : i32 to index
        %get3A_524 = arith.index_cast %add3A_507 : i32 to index
        %get3A_525 = arith.constant 16 : index
        %get3A_526 = tpu.vector_load %arg7[%get3A_523, %get3A_524, %get3A_525] {strides = array<i32>} : memref<8x128x32xf32, #tpu.memory_space<vmem>>, vector<1x1x16xf32>,
        %get3A_527 = vector.shape_cast %get3A_526 : vector<1x1x16xf32> to vector<16xf32>
        %add3A_528 = arith.addf %get3A_527, %get3A_249 : vector<16xf32>
        %swap3A_529 = arith.constant 2 : i32
        %swap3A_530 = arith.index_cast %swap3A_529 : i32 to index
        %swap3A_531 = arith.index_cast %add3A_507 : i32 to index
        %swap3A_532 = arith.constant 16 : index
        %swap3A_533 = tpu.vector_load %arg7[%swap3A_530, %swap3A_531, %swap3A_532] {strides = array<i32>} : memref<8x128x32xf32, #tpu.memory_space<vmem>>, vector<1x1x16xf32>,
        %swap3A_534 = vector.shape_cast %swap3A_533 : vector<1x1x16xf32> to vector<16xf32>
        %swap3A_535 = vector.shape_cast %add3A_528 : vector<16xf32> to vector<1x1x16xf32>
        tpu.vector_store %arg7[%swap3A_530, %swap3A_531, %swap3A_532], %swap3A_535 {strides = array<i32>} : memref<8x128x32xf32, #tpu.memory_space<vmem>>, vector<1x1x16xf32>,
        %mul3A_536 = arith.constant 8 : i32
        %mul3A_537 = arith.muli %add3A_344, %mul3A_536 : i32
        %add3A_538 = arith.constant 6 : i32
        %add3A_539 = arith.addi %mul3A_537, %add3A_538 : i32
        %get3A_540 = arith.constant 2 : i32
        %get3A_541 = arith.index_cast %get3A_540 : i32 to index
        %get3A_542 = arith.index_cast %add3A_539 : i32 to index
        %get3A_543 = arith.constant 0 : index
        %get3A_544 = tpu.vector_load %arg7[%get3A_541, %get3A_542, %get3A_543] {strides = array<i32>} : memref<8x128x32xf32, #tpu.memory_space<vmem>>, vector<1x1x16xf32>,
        %get3A_545 = vector.shape_cast %get3A_544 : vector<1x1x16xf32> to vector<16xf32>
        %add3A_546 = arith.addf %get3A_545, %get3A_243 : vector<16xf32>
        %swap3A_547 = arith.constant 2 : i32
        %swap3A_548 = arith.index_cast %swap3A_547 : i32 to index
        %swap3A_549 = arith.index_cast %add3A_539 : i32 to index
        %swap3A_550 = arith.constant 0 : index
        %swap3A_551 = tpu.vector_load %arg7[%swap3A_548, %swap3A_549, %swap3A_550] {strides = array<i32>} : memref<8x128x32xf32, #tpu.memory_space<vmem>>, vector<1x1x16xf32>,
        %swap3A_552 = vector.shape_cast %swap3A_551 : vector<1x1x16xf32> to vector<16xf32>
        %swap3A_553 = vector.shape_cast %add3A_546 : vector<16xf32> to vector<1x1x16xf32>
        tpu.vector_store %arg7[%swap3A_548, %swap3A_549, %swap3A_550], %swap3A_553 {strides = array<i32>} : memref<8x128x32xf32, #tpu.memory_space<vmem>>, vector<1x1x16xf32>,
        %get3A_554 = arith.constant 2 : i32
        %get3A_555 = arith.index_cast %get3A_554 : i32 to index
        %get3A_556 = arith.index_cast %add3A_539 : i32 to index
        %get3A_557 = arith.constant 16 : index
        %get3A_558 = tpu.vector_load %arg7[%get3A_555, %get3A_556, %get3A_557] {strides = array<i32>} : memref<8x128x32xf32, #tpu.memory_space<vmem>>, vector<1x1x16xf32>,
        %get3A_559 = vector.shape_cast %get3A_558 : vector<1x1x16xf32> to vector<16xf32>
        %add3A_560 = arith.addf %get3A_559, %get3A_249 : vector<16xf32>
        %swap3A_561 = arith.constant 2 : i32
        %swap3A_562 = arith.index_cast %swap3A_561 : i32 to index
        %swap3A_563 = arith.index_cast %add3A_539 : i32 to index
        %swap3A_564 = arith.constant 16 : index
        %swap3A_565 = tpu.vector_load %arg7[%swap3A_562, %swap3A_563, %swap3A_564] {strides = array<i32>} : memref<8x128x32xf32, #tpu.memory_space<vmem>>, vector<1x1x16xf32>,
        %swap3A_566 = vector.shape_cast %swap3A_565 : vector<1x1x16xf32> to vector<16xf32>
        %swap3A_567 = vector.shape_cast %add3A_560 : vector<16xf32> to vector<1x1x16xf32>
        tpu.vector_store %arg7[%swap3A_562, %swap3A_563, %swap3A_564], %swap3A_567 {strides = array<i32>} : memref<8x128x32xf32, #tpu.memory_space<vmem>>, vector<1x1x16xf32>,
        %mul3A_568 = arith.constant 8 : i32
        %mul3A_569 = arith.muli %add3A_344, %mul3A_568 : i32
        %add3A_570 = arith.constant 7 : i32
        %add3A_571 = arith.addi %mul3A_569, %add3A_570 : i32
        %get3A_572 = arith.constant 2 : i32
        %get3A_573 = arith.index_cast %get3A_572 : i32 to index
        %get3A_574 = arith.index_cast %add3A_571 : i32 to index
        %get3A_575 = arith.constant 0 : index
        %get3A_576 = tpu.vector_load %arg7[%get3A_573, %get3A_574, %get3A_575] {strides = array<i32>} : memref<8x128x32xf32, #tpu.memory_space<vmem>>, vector<1x1x16xf32>,
        %get3A_577 = vector.shape_cast %get3A_576 : vector<1x1x16xf32> to vector<16xf32>
        %add3A_578 = arith.addf %get3A_577, %get3A_243 : vector<16xf32>
        %swap3A_579 = arith.constant 2 : i32
        %swap3A_580 = arith.index_cast %swap3A_579 : i32 to index
        %swap3A_581 = arith.index_cast %add3A_571 : i32 to index
        %swap3A_582 = arith.constant 0 : index
        %swap3A_583 = tpu.vector_load %arg7[%swap3A_580, %swap3A_581, %swap3A_582] {strides = array<i32>} : memref<8x128x32xf32, #tpu.memory_space<vmem>>, vector<1x1x16xf32>,
        %swap3A_584 = vector.shape_cast %swap3A_583 : vector<1x1x16xf32> to vector<16xf32>
        %swap3A_585 = vector.shape_cast %add3A_578 : vector<16xf32> to vector<1x1x16xf32>
        tpu.vector_store %arg7[%swap3A_580, %swap3A_581, %swap3A_582], %swap3A_585 {strides = array<i32>} : memref<8x128x32xf32, #tpu.memory_space<vmem>>, vector<1x1x16xf32>,
        %get3A_586 = arith.constant 2 : i32
        %get3A_587 = arith.index_cast %get3A_586 : i32 to index
        %get3A_588 = arith.index_cast %add3A_571 : i32 to index
        %get3A_589 = arith.constant 16 : index
        %get3A_590 = tpu.vector_load %arg7[%get3A_587, %get3A_588, %get3A_589] {strides = array<i32>} : memref<8x128x32xf32, #tpu.memory_space<vmem>>, vector<1x1x16xf32>,
        %get3A_591 = vector.shape_cast %get3A_590 : vector<1x1x16xf32> to vector<16xf32>
        %add3A_592 = arith.addf %get3A_591, %get3A_249 : vector<16xf32>
        %swap3A_593 = arith.constant 2 : i32
        %swap3A_594 = arith.index_cast %swap3A_593 : i32 to index
        %swap3A_595 = arith.index_cast %add3A_571 : i32 to index
        %swap3A_596 = arith.constant 16 : index
        %swap3A_597 = tpu.vector_load %arg7[%swap3A_594, %swap3A_595, %swap3A_596] {strides = array<i32>} : memref<8x128x32xf32, #tpu.memory_space<vmem>>, vector<1x1x16xf32>,
        %swap3A_598 = vector.shape_cast %swap3A_597 : vector<1x1x16xf32> to vector<16xf32>
        %swap3A_599 = vector.shape_cast %add3A_592 : vector<16xf32> to vector<1x1x16xf32>
        tpu.vector_store %arg7[%swap3A_594, %swap3A_595, %swap3A_596], %swap3A_599 {strides = array<i32>} : memref<8x128x32xf32, #tpu.memory_space<vmem>>, vector<1x1x16xf32>,
      }
      %scan3A_254 = arith.constant 16 : i32
      %add3A_255 = arith.constant 3 : i32
      %add3A_256 = arith.addi %multiple_of3A_14, %add3A_255 : i32
      %get3A_257 = arith.index_cast %add3A_256 : i32 to index
      %get3A_258 = arith.constant 0 : index
      %get3A_259 = tpu.vector_load %arg8[%get3A_257, %get3A_258] {strides = array<i32>} : memref<200x32xf32, #tpu.memory_space<vmem>>, vector<1x16xf32>,
      %get3A_260 = vector.shape_cast %get3A_259 : vector<1x16xf32> to vector<16xf32>
      %add3A_261 = arith.constant 3 : i32
      %add3A_262 = arith.addi %multiple_of3A_14, %add3A_261 : i32
      %get3A_263 = arith.index_cast %add3A_262 : i32 to index
      %get3A_264 = arith.constant 16 : index
      %get3A_265 = tpu.vector_load %arg8[%get3A_263, %get3A_264] {strides = array<i32>} : memref<200x32xf32, #tpu.memory_space<vmem>>, vector<1x16xf32>,
      %get3A_266 = vector.shape_cast %get3A_265 : vector<1x16xf32> to vector<16xf32>
      %scan3A_267 = arith.constant 0 : i32
      %scan3A_268 = arith.constant 16 : i32
      %scan3A_269 = arith.addi %scan3A_267, %scan3A_268 : i32
      %scan3A_270 = arith.constant 1 : i32
      scf.for %scan3A_340 = %scan3A_267 to %scan3A_269 step %scan3A_270  : i32 {
        %mul3A_341 = arith.constant 1 : i32
        %mul3A_342 = arith.muli %scan3A_340, %mul3A_341 : i32
        %add3A_343 = arith.constant 0 : i32
        %add3A_344 = arith.addi %add3A_343, %mul3A_342 : i32
        %mul3A_345 = arith.constant 8 : i32
        %mul3A_346 = arith.muli %add3A_344, %mul3A_345 : i32
        %add3A_347 = arith.constant 0 : i32
        %add3A_348 = arith.addi %mul3A_346, %add3A_347 : i32
        %get3A_349 = arith.constant 3 : i32
        %get3A_350 = arith.index_cast %get3A_349 : i32 to index
        %get3A_351 = arith.index_cast %add3A_348 : i32 to index
        %get3A_352 = arith.constant 0 : index
        %get3A_353 = tpu.vector_load %arg7[%get3A_350, %get3A_351, %get3A_352] {strides = array<i32>} : memref<8x128x32xf32, #tpu.memory_space<vmem>>, vector<1x1x16xf32>,
        %get3A_354 = vector.shape_cast %get3A_353 : vector<1x1x16xf32> to vector<16xf32>
        %add3A_355 = arith.addf %get3A_354, %get3A_260 : vector<16xf32>
        %swap3A = arith.constant 3 : i32
        %swap3A_356 = arith.index_cast %swap3A : i32 to index
        %swap3A_357 = arith.index_cast %add3A_348 : i32 to index
        %swap3A_358 = arith.constant 0 : index
        %swap3A_359 = tpu.vector_load %arg7[%swap3A_356, %swap3A_357, %swap3A_358] {strides = array<i32>} : memref<8x128x32xf32, #tpu.memory_space<vmem>>, vector<1x1x16xf32>,
        %swap3A_360 = vector.shape_cast %swap3A_359 : vector<1x1x16xf32> to vector<16xf32>
        %swap3A_361 = vector.shape_cast %add3A_355 : vector<16xf32> to vector<1x1x16xf32>
        tpu.vector_store %arg7[%swap3A_356, %swap3A_357, %swap3A_358], %swap3A_361 {strides = array<i32>} : memref<8x128x32xf32, #tpu.memory_space<vmem>>, vector<1x1x16xf32>,
        %get3A_362 = arith.constant 3 : i32
        %get3A_363 = arith.index_cast %get3A_362 : i32 to index
        %get3A_364 = arith.index_cast %add3A_348 : i32 to index
        %get3A_365 = arith.constant 16 : index
        %get3A_366 = tpu.vector_load %arg7[%get3A_363, %get3A_364, %get3A_365] {strides = array<i32>} : memref<8x128x32xf32, #tpu.memory_space<vmem>>, vector<1x1x16xf32>,
        %get3A_367 = vector.shape_cast %get3A_366 : vector<1x1x16xf32> to vector<16xf32>
        %add3A_368 = arith.addf %get3A_367, %get3A_266 : vector<16xf32>
        %swap3A_369 = arith.constant 3 : i32
        %swap3A_370 = arith.index_cast %swap3A_369 : i32 to index
        %swap3A_371 = arith.index_cast %add3A_348 : i32 to index
        %swap3A_372 = arith.constant 16 : index
        %swap3A_373 = tpu.vector_load %arg7[%swap3A_370, %swap3A_371, %swap3A_372] {strides = array<i32>} : memref<8x128x32xf32, #tpu.memory_space<vmem>>, vector<1x1x16xf32>,
        %swap3A_374 = vector.shape_cast %swap3A_373 : vector<1x1x16xf32> to vector<16xf32>
        %swap3A_375 = vector.shape_cast %add3A_368 : vector<16xf32> to vector<1x1x16xf32>
        tpu.vector_store %arg7[%swap3A_370, %swap3A_371, %swap3A_372], %swap3A_375 {strides = array<i32>} : memref<8x128x32xf32, #tpu.memory_space<vmem>>, vector<1x1x16xf32>,
        %mul3A_376 = arith.constant 8 : i32
        %mul3A_377 = arith.muli %add3A_344, %mul3A_376 : i32
        %add3A_378 = arith.constant 1 : i32
        %add3A_379 = arith.addi %mul3A_377, %add3A_378 : i32
        %get3A_380 = arith.constant 3 : i32
        %get3A_381 = arith.index_cast %get3A_380 : i32 to index
        %get3A_382 = arith.index_cast %add3A_379 : i32 to index
        %get3A_383 = arith.constant 0 : index
        %get3A_384 = tpu.vector_load %arg7[%get3A_381, %get3A_382, %get3A_383] {strides = array<i32>} : memref<8x128x32xf32, #tpu.memory_space<vmem>>, vector<1x1x16xf32>,
        %get3A_385 = vector.shape_cast %get3A_384 : vector<1x1x16xf32> to vector<16xf32>
        %add3A_386 = arith.addf %get3A_385, %get3A_260 : vector<16xf32>
        %swap3A_387 = arith.constant 3 : i32
        %swap3A_388 = arith.index_cast %swap3A_387 : i32 to index
        %swap3A_389 = arith.index_cast %add3A_379 : i32 to index
        %swap3A_390 = arith.constant 0 : index
        %swap3A_391 = tpu.vector_load %arg7[%swap3A_388, %swap3A_389, %swap3A_390] {strides = array<i32>} : memref<8x128x32xf32, #tpu.memory_space<vmem>>, vector<1x1x16xf32>,
        %swap3A_392 = vector.shape_cast %swap3A_391 : vector<1x1x16xf32> to vector<16xf32>
        %swap3A_393 = vector.shape_cast %add3A_386 : vector<16xf32> to vector<1x1x16xf32>
        tpu.vector_store %arg7[%swap3A_388, %swap3A_389, %swap3A_390], %swap3A_393 {strides = array<i32>} : memref<8x128x32xf32, #tpu.memory_space<vmem>>, vector<1x1x16xf32>,
        %get3A_394 = arith.constant 3 : i32
        %get3A_395 = arith.index_cast %get3A_394 : i32 to index
        %get3A_396 = arith.index_cast %add3A_379 : i32 to index
        %get3A_397 = arith.constant 16 : index
        %get3A_398 = tpu.vector_load %arg7[%get3A_395, %get3A_396, %get3A_397] {strides = array<i32>} : memref<8x128x32xf32, #tpu.memory_space<vmem>>, vector<1x1x16xf32>,
        %get3A_399 = vector.shape_cast %get3A_398 : vector<1x1x16xf32> to vector<16xf32>
        %add3A_400 = arith.addf %get3A_399, %get3A_266 : vector<16xf32>
        %swap3A_401 = arith.constant 3 : i32
        %swap3A_402 = arith.index_cast %swap3A_401 : i32 to index
        %swap3A_403 = arith.index_cast %add3A_379 : i32 to index
        %swap3A_404 = arith.constant 16 : index
        %swap3A_405 = tpu.vector_load %arg7[%swap3A_402, %swap3A_403, %swap3A_404] {strides = array<i32>} : memref<8x128x32xf32, #tpu.memory_space<vmem>>, vector<1x1x16xf32>,
        %swap3A_406 = vector.shape_cast %swap3A_405 : vector<1x1x16xf32> to vector<16xf32>
        %swap3A_407 = vector.shape_cast %add3A_400 : vector<16xf32> to vector<1x1x16xf32>
        tpu.vector_store %arg7[%swap3A_402, %swap3A_403, %swap3A_404], %swap3A_407 {strides = array<i32>} : memref<8x128x32xf32, #tpu.memory_space<vmem>>, vector<1x1x16xf32>,
        %mul3A_408 = arith.constant 8 : i32
        %mul3A_409 = arith.muli %add3A_344, %mul3A_408 : i32
        %add3A_410 = arith.constant 2 : i32
        %add3A_411 = arith.addi %mul3A_409, %add3A_410 : i32
        %get3A_412 = arith.constant 3 : i32
        %get3A_413 = arith.index_cast %get3A_412 : i32 to index
        %get3A_414 = arith.index_cast %add3A_411 : i32 to index
        %get3A_415 = arith.constant 0 : index
        %get3A_416 = tpu.vector_load %arg7[%get3A_413, %get3A_414, %get3A_415] {strides = array<i32>} : memref<8x128x32xf32, #tpu.memory_space<vmem>>, vector<1x1x16xf32>,
        %get3A_417 = vector.shape_cast %get3A_416 : vector<1x1x16xf32> to vector<16xf32>
        %add3A_418 = arith.addf %get3A_417, %get3A_260 : vector<16xf32>
        %swap3A_419 = arith.constant 3 : i32
        %swap3A_420 = arith.index_cast %swap3A_419 : i32 to index
        %swap3A_421 = arith.index_cast %add3A_411 : i32 to index
        %swap3A_422 = arith.constant 0 : index
        %swap3A_423 = tpu.vector_load %arg7[%swap3A_420, %swap3A_421, %swap3A_422] {strides = array<i32>} : memref<8x128x32xf32, #tpu.memory_space<vmem>>, vector<1x1x16xf32>,
        %swap3A_424 = vector.shape_cast %swap3A_423 : vector<1x1x16xf32> to vector<16xf32>
        %swap3A_425 = vector.shape_cast %add3A_418 : vector<16xf32> to vector<1x1x16xf32>
        tpu.vector_store %arg7[%swap3A_420, %swap3A_421, %swap3A_422], %swap3A_425 {strides = array<i32>} : memref<8x128x32xf32, #tpu.memory_space<vmem>>, vector<1x1x16xf32>,
        %get3A_426 = arith.constant 3 : i32
        %get3A_427 = arith.index_cast %get3A_426 : i32 to index
        %get3A_428 = arith.index_cast %add3A_411 : i32 to index
        %get3A_429 = arith.constant 16 : index
        %get3A_430 = tpu.vector_load %arg7[%get3A_427, %get3A_428, %get3A_429] {strides = array<i32>} : memref<8x128x32xf32, #tpu.memory_space<vmem>>, vector<1x1x16xf32>,
        %get3A_431 = vector.shape_cast %get3A_430 : vector<1x1x16xf32> to vector<16xf32>
        %add3A_432 = arith.addf %get3A_431, %get3A_266 : vector<16xf32>
        %swap3A_433 = arith.constant 3 : i32
        %swap3A_434 = arith.index_cast %swap3A_433 : i32 to index
        %swap3A_435 = arith.index_cast %add3A_411 : i32 to index
        %swap3A_436 = arith.constant 16 : index
        %swap3A_437 = tpu.vector_load %arg7[%swap3A_434, %swap3A_435, %swap3A_436] {strides = array<i32>} : memref<8x128x32xf32, #tpu.memory_space<vmem>>, vector<1x1x16xf32>,
        %swap3A_438 = vector.shape_cast %swap3A_437 : vector<1x1x16xf32> to vector<16xf32>
        %swap3A_439 = vector.shape_cast %add3A_432 : vector<16xf32> to vector<1x1x16xf32>
        tpu.vector_store %arg7[%swap3A_434, %swap3A_435, %swap3A_436], %swap3A_439 {strides = array<i32>} : memref<8x128x32xf32, #tpu.memory_space<vmem>>, vector<1x1x16xf32>,
        %mul3A_440 = arith.constant 8 : i32
        %mul3A_441 = arith.muli %add3A_344, %mul3A_440 : i32
        %add3A_442 = arith.constant 3 : i32
        %add3A_443 = arith.addi %mul3A_441, %add3A_442 : i32
        %get3A_444 = arith.constant 3 : i32
        %get3A_445 = arith.index_cast %get3A_444 : i32 to index
        %get3A_446 = arith.index_cast %add3A_443 : i32 to index
        %get3A_447 = arith.constant 0 : index
        %get3A_448 = tpu.vector_load %arg7[%get3A_445, %get3A_446, %get3A_447] {strides = array<i32>} : memref<8x128x32xf32, #tpu.memory_space<vmem>>, vector<1x1x16xf32>,
        %get3A_449 = vector.shape_cast %get3A_448 : vector<1x1x16xf32> to vector<16xf32>
        %add3A_450 = arith.addf %get3A_449, %get3A_260 : vector<16xf32>
        %swap3A_451 = arith.constant 3 : i32
        %swap3A_452 = arith.index_cast %swap3A_451 : i32 to index
        %swap3A_453 = arith.index_cast %add3A_443 : i32 to index
        %swap3A_454 = arith.constant 0 : index
        %swap3A_455 = tpu.vector_load %arg7[%swap3A_452, %swap3A_453, %swap3A_454] {strides = array<i32>} : memref<8x128x32xf32, #tpu.memory_space<vmem>>, vector<1x1x16xf32>,
        %swap3A_456 = vector.shape_cast %swap3A_455 : vector<1x1x16xf32> to vector<16xf32>
        %swap3A_457 = vector.shape_cast %add3A_450 : vector<16xf32> to vector<1x1x16xf32>
        tpu.vector_store %arg7[%swap3A_452, %swap3A_453, %swap3A_454], %swap3A_457 {strides = array<i32>} : memref<8x128x32xf32, #tpu.memory_space<vmem>>, vector<1x1x16xf32>,
        %get3A_458 = arith.constant 3 : i32
        %get3A_459 = arith.index_cast %get3A_458 : i32 to index
        %get3A_460 = arith.index_cast %add3A_443 : i32 to index
        %get3A_461 = arith.constant 16 : index
        %get3A_462 = tpu.vector_load %arg7[%get3A_459, %get3A_460, %get3A_461] {strides = array<i32>} : memref<8x128x32xf32, #tpu.memory_space<vmem>>, vector<1x1x16xf32>,
        %get3A_463 = vector.shape_cast %get3A_462 : vector<1x1x16xf32> to vector<16xf32>
        %add3A_464 = arith.addf %get3A_463, %get3A_266 : vector<16xf32>
        %swap3A_465 = arith.constant 3 : i32
        %swap3A_466 = arith.index_cast %swap3A_465 : i32 to index
        %swap3A_467 = arith.index_cast %add3A_443 : i32 to index
        %swap3A_468 = arith.constant 16 : index
        %swap3A_469 = tpu.vector_load %arg7[%swap3A_466, %swap3A_467, %swap3A_468] {strides = array<i32>} : memref<8x128x32xf32, #tpu.memory_space<vmem>>, vector<1x1x16xf32>,
        %swap3A_470 = vector.shape_cast %swap3A_469 : vector<1x1x16xf32> to vector<16xf32>
        %swap3A_471 = vector.shape_cast %add3A_464 : vector<16xf32> to vector<1x1x16xf32>
        tpu.vector_store %arg7[%swap3A_466, %swap3A_467, %swap3A_468], %swap3A_471 {strides = array<i32>} : memref<8x128x32xf32, #tpu.memory_space<vmem>>, vector<1x1x16xf32>,
        %mul3A_472 = arith.constant 8 : i32
        %mul3A_473 = arith.muli %add3A_344, %mul3A_472 : i32
        %add3A_474 = arith.constant 4 : i32
        %add3A_475 = arith.addi %mul3A_473, %add3A_474 : i32
        %get3A_476 = arith.constant 3 : i32
        %get3A_477 = arith.index_cast %get3A_476 : i32 to index
        %get3A_478 = arith.index_cast %add3A_475 : i32 to index
        %get3A_479 = arith.constant 0 : index
        %get3A_480 = tpu.vector_load %arg7[%get3A_477, %get3A_478, %get3A_479] {strides = array<i32>} : memref<8x128x32xf32, #tpu.memory_space<vmem>>, vector<1x1x16xf32>,
        %get3A_481 = vector.shape_cast %get3A_480 : vector<1x1x16xf32> to vector<16xf32>
        %add3A_482 = arith.addf %get3A_481, %get3A_260 : vector<16xf32>
        %swap3A_483 = arith.constant 3 : i32
        %swap3A_484 = arith.index_cast %swap3A_483 : i32 to index
        %swap3A_485 = arith.index_cast %add3A_475 : i32 to index
        %swap3A_486 = arith.constant 0 : index
        %swap3A_487 = tpu.vector_load %arg7[%swap3A_484, %swap3A_485, %swap3A_486] {strides = array<i32>} : memref<8x128x32xf32, #tpu.memory_space<vmem>>, vector<1x1x16xf32>,
        %swap3A_488 = vector.shape_cast %swap3A_487 : vector<1x1x16xf32> to vector<16xf32>
        %swap3A_489 = vector.shape_cast %add3A_482 : vector<16xf32> to vector<1x1x16xf32>
        tpu.vector_store %arg7[%swap3A_484, %swap3A_485, %swap3A_486], %swap3A_489 {strides = array<i32>} : memref<8x128x32xf32, #tpu.memory_space<vmem>>, vector<1x1x16xf32>,
        %get3A_490 = arith.constant 3 : i32
        %get3A_491 = arith.index_cast %get3A_490 : i32 to index
        %get3A_492 = arith.index_cast %add3A_475 : i32 to index
        %get3A_493 = arith.constant 16 : index
        %get3A_494 = tpu.vector_load %arg7[%get3A_491, %get3A_492, %get3A_493] {strides = array<i32>} : memref<8x128x32xf32, #tpu.memory_space<vmem>>, vector<1x1x16xf32>,
        %get3A_495 = vector.shape_cast %get3A_494 : vector<1x1x16xf32> to vector<16xf32>
        %add3A_496 = arith.addf %get3A_495, %get3A_266 : vector<16xf32>
        %swap3A_497 = arith.constant 3 : i32
        %swap3A_498 = arith.index_cast %swap3A_497 : i32 to index
        %swap3A_499 = arith.index_cast %add3A_475 : i32 to index
        %swap3A_500 = arith.constant 16 : index
        %swap3A_501 = tpu.vector_load %arg7[%swap3A_498, %swap3A_499, %swap3A_500] {strides = array<i32>} : memref<8x128x32xf32, #tpu.memory_space<vmem>>, vector<1x1x16xf32>,
        %swap3A_502 = vector.shape_cast %swap3A_501 : vector<1x1x16xf32> to vector<16xf32>
        %swap3A_503 = vector.shape_cast %add3A_496 : vector<16xf32> to vector<1x1x16xf32>
        tpu.vector_store %arg7[%swap3A_498, %swap3A_499, %swap3A_500], %swap3A_503 {strides = array<i32>} : memref<8x128x32xf32, #tpu.memory_space<vmem>>, vector<1x1x16xf32>,
        %mul3A_504 = arith.constant 8 : i32
        %mul3A_505 = arith.muli %add3A_344, %mul3A_504 : i32
        %add3A_506 = arith.constant 5 : i32
        %add3A_507 = arith.addi %mul3A_505, %add3A_506 : i32
        %get3A_508 = arith.constant 3 : i32
        %get3A_509 = arith.index_cast %get3A_508 : i32 to index
        %get3A_510 = arith.index_cast %add3A_507 : i32 to index
        %get3A_511 = arith.constant 0 : index
        %get3A_512 = tpu.vector_load %arg7[%get3A_509, %get3A_510, %get3A_511] {strides = array<i32>} : memref<8x128x32xf32, #tpu.memory_space<vmem>>, vector<1x1x16xf32>,
        %get3A_513 = vector.shape_cast %get3A_512 : vector<1x1x16xf32> to vector<16xf32>
        %add3A_514 = arith.addf %get3A_513, %get3A_260 : vector<16xf32>
        %swap3A_515 = arith.constant 3 : i32
        %swap3A_516 = arith.index_cast %swap3A_515 : i32 to index
        %swap3A_517 = arith.index_cast %add3A_507 : i32 to index
        %swap3A_518 = arith.constant 0 : index
        %swap3A_519 = tpu.vector_load %arg7[%swap3A_516, %swap3A_517, %swap3A_518] {strides = array<i32>} : memref<8x128x32xf32, #tpu.memory_space<vmem>>, vector<1x1x16xf32>,
        %swap3A_520 = vector.shape_cast %swap3A_519 : vector<1x1x16xf32> to vector<16xf32>
        %swap3A_521 = vector.shape_cast %add3A_514 : vector<16xf32> to vector<1x1x16xf32>
        tpu.vector_store %arg7[%swap3A_516, %swap3A_517, %swap3A_518], %swap3A_521 {strides = array<i32>} : memref<8x128x32xf32, #tpu.memory_space<vmem>>, vector<1x1x16xf32>,
        %get3A_522 = arith.constant 3 : i32
        %get3A_523 = arith.index_cast %get3A_522 : i32 to index
        %get3A_524 = arith.index_cast %add3A_507 : i32 to index
        %get3A_525 = arith.constant 16 : index
        %get3A_526 = tpu.vector_load %arg7[%get3A_523, %get3A_524, %get3A_525] {strides = array<i32>} : memref<8x128x32xf32, #tpu.memory_space<vmem>>, vector<1x1x16xf32>,
        %get3A_527 = vector.shape_cast %get3A_526 : vector<1x1x16xf32> to vector<16xf32>
        %add3A_528 = arith.addf %get3A_527, %get3A_266 : vector<16xf32>
        %swap3A_529 = arith.constant 3 : i32
        %swap3A_530 = arith.index_cast %swap3A_529 : i32 to index
        %swap3A_531 = arith.index_cast %add3A_507 : i32 to index
        %swap3A_532 = arith.constant 16 : index
        %swap3A_533 = tpu.vector_load %arg7[%swap3A_530, %swap3A_531, %swap3A_532] {strides = array<i32>} : memref<8x128x32xf32, #tpu.memory_space<vmem>>, vector<1x1x16xf32>,
        %swap3A_534 = vector.shape_cast %swap3A_533 : vector<1x1x16xf32> to vector<16xf32>
        %swap3A_535 = vector.shape_cast %add3A_528 : vector<16xf32> to vector<1x1x16xf32>
        tpu.vector_store %arg7[%swap3A_530, %swap3A_531, %swap3A_532], %swap3A_535 {strides = array<i32>} : memref<8x128x32xf32, #tpu.memory_space<vmem>>, vector<1x1x16xf32>,
        %mul3A_536 = arith.constant 8 : i32
        %mul3A_537 = arith.muli %add3A_344, %mul3A_536 : i32
        %add3A_538 = arith.constant 6 : i32
        %add3A_539 = arith.addi %mul3A_537, %add3A_538 : i32
        %get3A_540 = arith.constant 3 : i32
        %get3A_541 = arith.index_cast %get3A_540 : i32 to index
        %get3A_542 = arith.index_cast %add3A_539 : i32 to index
        %get3A_543 = arith.constant 0 : index
        %get3A_544 = tpu.vector_load %arg7[%get3A_541, %get3A_542, %get3A_543] {strides = array<i32>} : memref<8x128x32xf32, #tpu.memory_space<vmem>>, vector<1x1x16xf32>,
        %get3A_545 = vector.shape_cast %get3A_544 : vector<1x1x16xf32> to vector<16xf32>
        %add3A_546 = arith.addf %get3A_545, %get3A_260 : vector<16xf32>
        %swap3A_547 = arith.constant 3 : i32
        %swap3A_548 = arith.index_cast %swap3A_547 : i32 to index
        %swap3A_549 = arith.index_cast %add3A_539 : i32 to index
        %swap3A_550 = arith.constant 0 : index
        %swap3A_551 = tpu.vector_load %arg7[%swap3A_548, %swap3A_549, %swap3A_550] {strides = array<i32>} : memref<8x128x32xf32, #tpu.memory_space<vmem>>, vector<1x1x16xf32>,
        %swap3A_552 = vector.shape_cast %swap3A_551 : vector<1x1x16xf32> to vector<16xf32>
        %swap3A_553 = vector.shape_cast %add3A_546 : vector<16xf32> to vector<1x1x16xf32>
        tpu.vector_store %arg7[%swap3A_548, %swap3A_549, %swap3A_550], %swap3A_553 {strides = array<i32>} : memref<8x128x32xf32, #tpu.memory_space<vmem>>, vector<1x1x16xf32>,
        %get3A_554 = arith.constant 3 : i32
        %get3A_555 = arith.index_cast %get3A_554 : i32 to index
        %get3A_556 = arith.index_cast %add3A_539 : i32 to index
        %get3A_557 = arith.constant 16 : index
        %get3A_558 = tpu.vector_load %arg7[%get3A_555, %get3A_556, %get3A_557] {strides = array<i32>} : memref<8x128x32xf32, #tpu.memory_space<vmem>>, vector<1x1x16xf32>,
        %get3A_559 = vector.shape_cast %get3A_558 : vector<1x1x16xf32> to vector<16xf32>
        %add3A_560 = arith.addf %get3A_559, %get3A_266 : vector<16xf32>
        %swap3A_561 = arith.constant 3 : i32
        %swap3A_562 = arith.index_cast %swap3A_561 : i32 to index
        %swap3A_563 = arith.index_cast %add3A_539 : i32 to index
        %swap3A_564 = arith.constant 16 : index
        %swap3A_565 = tpu.vector_load %arg7[%swap3A_562, %swap3A_563, %swap3A_564] {strides = array<i32>} : memref<8x128x32xf32, #tpu.memory_space<vmem>>, vector<1x1x16xf32>,
        %swap3A_566 = vector.shape_cast %swap3A_565 : vector<1x1x16xf32> to vector<16xf32>
        %swap3A_567 = vector.shape_cast %add3A_560 : vector<16xf32> to vector<1x1x16xf32>
        tpu.vector_store %arg7[%swap3A_562, %swap3A_563, %swap3A_564], %swap3A_567 {strides = array<i32>} : memref<8x128x32xf32, #tpu.memory_space<vmem>>, vector<1x1x16xf32>,
        %mul3A_568 = arith.constant 8 : i32
        %mul3A_569 = arith.muli %add3A_344, %mul3A_568 : i32
        %add3A_570 = arith.constant 7 : i32
        %add3A_571 = arith.addi %mul3A_569, %add3A_570 : i32
        %get3A_572 = arith.constant 3 : i32
        %get3A_573 = arith.index_cast %get3A_572 : i32 to index
        %get3A_574 = arith.index_cast %add3A_571 : i32 to index
        %get3A_575 = arith.constant 0 : index
        %get3A_576 = tpu.vector_load %arg7[%get3A_573, %get3A_574, %get3A_575] {strides = array<i32>} : memref<8x128x32xf32, #tpu.memory_space<vmem>>, vector<1x1x16xf32>,
        %get3A_577 = vector.shape_cast %get3A_576 : vector<1x1x16xf32> to vector<16xf32>
        %add3A_578 = arith.addf %get3A_577, %get3A_260 : vector<16xf32>
        %swap3A_579 = arith.constant 3 : i32
        %swap3A_580 = arith.index_cast %swap3A_579 : i32 to index
        %swap3A_581 = arith.index_cast %add3A_571 : i32 to index
        %swap3A_582 = arith.constant 0 : index
        %swap3A_583 = tpu.vector_load %arg7[%swap3A_580, %swap3A_581, %swap3A_582] {strides = array<i32>} : memref<8x128x32xf32, #tpu.memory_space<vmem>>, vector<1x1x16xf32>,
        %swap3A_584 = vector.shape_cast %swap3A_583 : vector<1x1x16xf32> to vector<16xf32>
        %swap3A_585 = vector.shape_cast %add3A_578 : vector<16xf32> to vector<1x1x16xf32>
        tpu.vector_store %arg7[%swap3A_580, %swap3A_581, %swap3A_582], %swap3A_585 {strides = array<i32>} : memref<8x128x32xf32, #tpu.memory_space<vmem>>, vector<1x1x16xf32>,
        %get3A_586 = arith.constant 3 : i32
        %get3A_587 = arith.index_cast %get3A_586 : i32 to index
        %get3A_588 = arith.index_cast %add3A_571 : i32 to index
        %get3A_589 = arith.constant 16 : index
        %get3A_590 = tpu.vector_load %arg7[%get3A_587, %get3A_588, %get3A_589] {strides = array<i32>} : memref<8x128x32xf32, #tpu.memory_space<vmem>>, vector<1x1x16xf32>,
        %get3A_591 = vector.shape_cast %get3A_590 : vector<1x1x16xf32> to vector<16xf32>
        %add3A_592 = arith.addf %get3A_591, %get3A_266 : vector<16xf32>
        %swap3A_593 = arith.constant 3 : i32
        %swap3A_594 = arith.index_cast %swap3A_593 : i32 to index
        %swap3A_595 = arith.index_cast %add3A_571 : i32 to index
        %swap3A_596 = arith.constant 16 : index
        %swap3A_597 = tpu.vector_load %arg7[%swap3A_594, %swap3A_595, %swap3A_596] {strides = array<i32>} : memref<8x128x32xf32, #tpu.memory_space<vmem>>, vector<1x1x16xf32>,
        %swap3A_598 = vector.shape_cast %swap3A_597 : vector<1x1x16xf32> to vector<16xf32>
        %swap3A_599 = vector.shape_cast %add3A_592 : vector<16xf32> to vector<1x1x16xf32>
        tpu.vector_store %arg7[%swap3A_594, %swap3A_595, %swap3A_596], %swap3A_599 {strides = array<i32>} : memref<8x128x32xf32, #tpu.memory_space<vmem>>, vector<1x1x16xf32>,
      }
      %scan3A_271 = arith.constant 16 : i32
      %add3A_272 = arith.constant 4 : i32
      %add3A_273 = arith.addi %multiple_of3A_14, %add3A_272 : i32
      %get3A_274 = arith.index_cast %add3A_273 : i32 to index
      %get3A_275 = arith.constant 0 : index
      %get3A_276 = tpu.vector_load %arg8[%get3A_274, %get3A_275] {strides = array<i32>} : memref<200x32xf32, #tpu.memory_space<vmem>>, vector<1x16xf32>,
      %get3A_277 = vector.shape_cast %get3A_276 : vector<1x16xf32> to vector<16xf32>
      %add3A_278 = arith.constant 4 : i32
      %add3A_279 = arith.addi %multiple_of3A_14, %add3A_278 : i32
      %get3A_280 = arith.index_cast %add3A_279 : i32 to index
      %get3A_281 = arith.constant 16 : index
      %get3A_282 = tpu.vector_load %arg8[%get3A_280, %get3A_281] {strides = array<i32>} : memref<200x32xf32, #tpu.memory_space<vmem>>, vector<1x16xf32>,
      %get3A_283 = vector.shape_cast %get3A_282 : vector<1x16xf32> to vector<16xf32>
      %scan3A_284 = arith.constant 0 : i32
      %scan3A_285 = arith.constant 16 : i32
      %scan3A_286 = arith.addi %scan3A_284, %scan3A_285 : i32
      %scan3A_287 = arith.constant 1 : i32
      scf.for %scan3A_340 = %scan3A_284 to %scan3A_286 step %scan3A_287  : i32 {
        %mul3A_341 = arith.constant 1 : i32
        %mul3A_342 = arith.muli %scan3A_340, %mul3A_341 : i32
        %add3A_343 = arith.constant 0 : i32
        %add3A_344 = arith.addi %add3A_343, %mul3A_342 : i32
        %mul3A_345 = arith.constant 8 : i32
        %mul3A_346 = arith.muli %add3A_344, %mul3A_345 : i32
        %add3A_347 = arith.constant 0 : i32
        %add3A_348 = arith.addi %mul3A_346, %add3A_347 : i32
        %get3A_349 = arith.constant 4 : i32
        %get3A_350 = arith.index_cast %get3A_349 : i32 to index
        %get3A_351 = arith.index_cast %add3A_348 : i32 to index
        %get3A_352 = arith.constant 0 : index
        %get3A_353 = tpu.vector_load %arg7[%get3A_350, %get3A_351, %get3A_352] {strides = array<i32>} : memref<8x128x32xf32, #tpu.memory_space<vmem>>, vector<1x1x16xf32>,
        %get3A_354 = vector.shape_cast %get3A_353 : vector<1x1x16xf32> to vector<16xf32>
        %add3A_355 = arith.addf %get3A_354, %get3A_277 : vector<16xf32>
        %swap3A = arith.constant 4 : i32
        %swap3A_356 = arith.index_cast %swap3A : i32 to index
        %swap3A_357 = arith.index_cast %add3A_348 : i32 to index
        %swap3A_358 = arith.constant 0 : index
        %swap3A_359 = tpu.vector_load %arg7[%swap3A_356, %swap3A_357, %swap3A_358] {strides = array<i32>} : memref<8x128x32xf32, #tpu.memory_space<vmem>>, vector<1x1x16xf32>,
        %swap3A_360 = vector.shape_cast %swap3A_359 : vector<1x1x16xf32> to vector<16xf32>
        %swap3A_361 = vector.shape_cast %add3A_355 : vector<16xf32> to vector<1x1x16xf32>
        tpu.vector_store %arg7[%swap3A_356, %swap3A_357, %swap3A_358], %swap3A_361 {strides = array<i32>} : memref<8x128x32xf32, #tpu.memory_space<vmem>>, vector<1x1x16xf32>,
        %get3A_362 = arith.constant 4 : i32
        %get3A_363 = arith.index_cast %get3A_362 : i32 to index
        %get3A_364 = arith.index_cast %add3A_348 : i32 to index
        %get3A_365 = arith.constant 16 : index
        %get3A_366 = tpu.vector_load %arg7[%get3A_363, %get3A_364, %get3A_365] {strides = array<i32>} : memref<8x128x32xf32, #tpu.memory_space<vmem>>, vector<1x1x16xf32>,
        %get3A_367 = vector.shape_cast %get3A_366 : vector<1x1x16xf32> to vector<16xf32>
        %add3A_368 = arith.addf %get3A_367, %get3A_283 : vector<16xf32>
        %swap3A_369 = arith.constant 4 : i32
        %swap3A_370 = arith.index_cast %swap3A_369 : i32 to index
        %swap3A_371 = arith.index_cast %add3A_348 : i32 to index
        %swap3A_372 = arith.constant 16 : index
        %swap3A_373 = tpu.vector_load %arg7[%swap3A_370, %swap3A_371, %swap3A_372] {strides = array<i32>} : memref<8x128x32xf32, #tpu.memory_space<vmem>>, vector<1x1x16xf32>,
        %swap3A_374 = vector.shape_cast %swap3A_373 : vector<1x1x16xf32> to vector<16xf32>
        %swap3A_375 = vector.shape_cast %add3A_368 : vector<16xf32> to vector<1x1x16xf32>
        tpu.vector_store %arg7[%swap3A_370, %swap3A_371, %swap3A_372], %swap3A_375 {strides = array<i32>} : memref<8x128x32xf32, #tpu.memory_space<vmem>>, vector<1x1x16xf32>,
        %mul3A_376 = arith.constant 8 : i32
        %mul3A_377 = arith.muli %add3A_344, %mul3A_376 : i32
        %add3A_378 = arith.constant 1 : i32
        %add3A_379 = arith.addi %mul3A_377, %add3A_378 : i32
        %get3A_380 = arith.constant 4 : i32
        %get3A_381 = arith.index_cast %get3A_380 : i32 to index
        %get3A_382 = arith.index_cast %add3A_379 : i32 to index
        %get3A_383 = arith.constant 0 : index
        %get3A_384 = tpu.vector_load %arg7[%get3A_381, %get3A_382, %get3A_383] {strides = array<i32>} : memref<8x128x32xf32, #tpu.memory_space<vmem>>, vector<1x1x16xf32>,
        %get3A_385 = vector.shape_cast %get3A_384 : vector<1x1x16xf32> to vector<16xf32>
        %add3A_386 = arith.addf %get3A_385, %get3A_277 : vector<16xf32>
        %swap3A_387 = arith.constant 4 : i32
        %swap3A_388 = arith.index_cast %swap3A_387 : i32 to index
        %swap3A_389 = arith.index_cast %add3A_379 : i32 to index
        %swap3A_390 = arith.constant 0 : index
        %swap3A_391 = tpu.vector_load %arg7[%swap3A_388, %swap3A_389, %swap3A_390] {strides = array<i32>} : memref<8x128x32xf32, #tpu.memory_space<vmem>>, vector<1x1x16xf32>,
        %swap3A_392 = vector.shape_cast %swap3A_391 : vector<1x1x16xf32> to vector<16xf32>
        %swap3A_393 = vector.shape_cast %add3A_386 : vector<16xf32> to vector<1x1x16xf32>
        tpu.vector_store %arg7[%swap3A_388, %swap3A_389, %swap3A_390], %swap3A_393 {strides = array<i32>} : memref<8x128x32xf32, #tpu.memory_space<vmem>>, vector<1x1x16xf32>,
        %get3A_394 = arith.constant 4 : i32
        %get3A_395 = arith.index_cast %get3A_394 : i32 to index
        %get3A_396 = arith.index_cast %add3A_379 : i32 to index
        %get3A_397 = arith.constant 16 : index
        %get3A_398 = tpu.vector_load %arg7[%get3A_395, %get3A_396, %get3A_397] {strides = array<i32>} : memref<8x128x32xf32, #tpu.memory_space<vmem>>, vector<1x1x16xf32>,
        %get3A_399 = vector.shape_cast %get3A_398 : vector<1x1x16xf32> to vector<16xf32>
        %add3A_400 = arith.addf %get3A_399, %get3A_283 : vector<16xf32>
        %swap3A_401 = arith.constant 4 : i32
        %swap3A_402 = arith.index_cast %swap3A_401 : i32 to index
        %swap3A_403 = arith.index_cast %add3A_379 : i32 to index
        %swap3A_404 = arith.constant 16 : index
        %swap3A_405 = tpu.vector_load %arg7[%swap3A_402, %swap3A_403, %swap3A_404] {strides = array<i32>} : memref<8x128x32xf32, #tpu.memory_space<vmem>>, vector<1x1x16xf32>,
        %swap3A_406 = vector.shape_cast %swap3A_405 : vector<1x1x16xf32> to vector<16xf32>
        %swap3A_407 = vector.shape_cast %add3A_400 : vector<16xf32> to vector<1x1x16xf32>
        tpu.vector_store %arg7[%swap3A_402, %swap3A_403, %swap3A_404], %swap3A_407 {strides = array<i32>} : memref<8x128x32xf32, #tpu.memory_space<vmem>>, vector<1x1x16xf32>,
        %mul3A_408 = arith.constant 8 : i32
        %mul3A_409 = arith.muli %add3A_344, %mul3A_408 : i32
        %add3A_410 = arith.constant 2 : i32
        %add3A_411 = arith.addi %mul3A_409, %add3A_410 : i32
        %get3A_412 = arith.constant 4 : i32
        %get3A_413 = arith.index_cast %get3A_412 : i32 to index
        %get3A_414 = arith.index_cast %add3A_411 : i32 to index
        %get3A_415 = arith.constant 0 : index
        %get3A_416 = tpu.vector_load %arg7[%get3A_413, %get3A_414, %get3A_415] {strides = array<i32>} : memref<8x128x32xf32, #tpu.memory_space<vmem>>, vector<1x1x16xf32>,
        %get3A_417 = vector.shape_cast %get3A_416 : vector<1x1x16xf32> to vector<16xf32>
        %add3A_418 = arith.addf %get3A_417, %get3A_277 : vector<16xf32>
        %swap3A_419 = arith.constant 4 : i32
        %swap3A_420 = arith.index_cast %swap3A_419 : i32 to index
        %swap3A_421 = arith.index_cast %add3A_411 : i32 to index
        %swap3A_422 = arith.constant 0 : index
        %swap3A_423 = tpu.vector_load %arg7[%swap3A_420, %swap3A_421, %swap3A_422] {strides = array<i32>} : memref<8x128x32xf32, #tpu.memory_space<vmem>>, vector<1x1x16xf32>,
        %swap3A_424 = vector.shape_cast %swap3A_423 : vector<1x1x16xf32> to vector<16xf32>
        %swap3A_425 = vector.shape_cast %add3A_418 : vector<16xf32> to vector<1x1x16xf32>
        tpu.vector_store %arg7[%swap3A_420, %swap3A_421, %swap3A_422], %swap3A_425 {strides = array<i32>} : memref<8x128x32xf32, #tpu.memory_space<vmem>>, vector<1x1x16xf32>,
        %get3A_426 = arith.constant 4 : i32
        %get3A_427 = arith.index_cast %get3A_426 : i32 to index
        %get3A_428 = arith.index_cast %add3A_411 : i32 to index
        %get3A_429 = arith.constant 16 : index
        %get3A_430 = tpu.vector_load %arg7[%get3A_427, %get3A_428, %get3A_429] {strides = array<i32>} : memref<8x128x32xf32, #tpu.memory_space<vmem>>, vector<1x1x16xf32>,
        %get3A_431 = vector.shape_cast %get3A_430 : vector<1x1x16xf32> to vector<16xf32>
        %add3A_432 = arith.addf %get3A_431, %get3A_283 : vector<16xf32>
        %swap3A_433 = arith.constant 4 : i32
        %swap3A_434 = arith.index_cast %swap3A_433 : i32 to index
        %swap3A_435 = arith.index_cast %add3A_411 : i32 to index
        %swap3A_436 = arith.constant 16 : index
        %swap3A_437 = tpu.vector_load %arg7[%swap3A_434, %swap3A_435, %swap3A_436] {strides = array<i32>} : memref<8x128x32xf32, #tpu.memory_space<vmem>>, vector<1x1x16xf32>,
        %swap3A_438 = vector.shape_cast %swap3A_437 : vector<1x1x16xf32> to vector<16xf32>
        %swap3A_439 = vector.shape_cast %add3A_432 : vector<16xf32> to vector<1x1x16xf32>
        tpu.vector_store %arg7[%swap3A_434, %swap3A_435, %swap3A_436], %swap3A_439 {strides = array<i32>} : memref<8x128x32xf32, #tpu.memory_space<vmem>>, vector<1x1x16xf32>,
        %mul3A_440 = arith.constant 8 : i32
        %mul3A_441 = arith.muli %add3A_344, %mul3A_440 : i32
        %add3A_442 = arith.constant 3 : i32
        %add3A_443 = arith.addi %mul3A_441, %add3A_442 : i32
        %get3A_444 = arith.constant 4 : i32
        %get3A_445 = arith.index_cast %get3A_444 : i32 to index
        %get3A_446 = arith.index_cast %add3A_443 : i32 to index
        %get3A_447 = arith.constant 0 : index
        %get3A_448 = tpu.vector_load %arg7[%get3A_445, %get3A_446, %get3A_447] {strides = array<i32>} : memref<8x128x32xf32, #tpu.memory_space<vmem>>, vector<1x1x16xf32>,
        %get3A_449 = vector.shape_cast %get3A_448 : vector<1x1x16xf32> to vector<16xf32>
        %add3A_450 = arith.addf %get3A_449, %get3A_277 : vector<16xf32>
        %swap3A_451 = arith.constant 4 : i32
        %swap3A_452 = arith.index_cast %swap3A_451 : i32 to index
        %swap3A_453 = arith.index_cast %add3A_443 : i32 to index
        %swap3A_454 = arith.constant 0 : index
        %swap3A_455 = tpu.vector_load %arg7[%swap3A_452, %swap3A_453, %swap3A_454] {strides = array<i32>} : memref<8x128x32xf32, #tpu.memory_space<vmem>>, vector<1x1x16xf32>,
        %swap3A_456 = vector.shape_cast %swap3A_455 : vector<1x1x16xf32> to vector<16xf32>
        %swap3A_457 = vector.shape_cast %add3A_450 : vector<16xf32> to vector<1x1x16xf32>
        tpu.vector_store %arg7[%swap3A_452, %swap3A_453, %swap3A_454], %swap3A_457 {strides = array<i32>} : memref<8x128x32xf32, #tpu.memory_space<vmem>>, vector<1x1x16xf32>,
        %get3A_458 = arith.constant 4 : i32
        %get3A_459 = arith.index_cast %get3A_458 : i32 to index
        %get3A_460 = arith.index_cast %add3A_443 : i32 to index
        %get3A_461 = arith.constant 16 : index
        %get3A_462 = tpu.vector_load %arg7[%get3A_459, %get3A_460, %get3A_461] {strides = array<i32>} : memref<8x128x32xf32, #tpu.memory_space<vmem>>, vector<1x1x16xf32>,
        %get3A_463 = vector.shape_cast %get3A_462 : vector<1x1x16xf32> to vector<16xf32>
        %add3A_464 = arith.addf %get3A_463, %get3A_283 : vector<16xf32>
        %swap3A_465 = arith.constant 4 : i32
        %swap3A_466 = arith.index_cast %swap3A_465 : i32 to index
        %swap3A_467 = arith.index_cast %add3A_443 : i32 to index
        %swap3A_468 = arith.constant 16 : index
        %swap3A_469 = tpu.vector_load %arg7[%swap3A_466, %swap3A_467, %swap3A_468] {strides = array<i32>} : memref<8x128x32xf32, #tpu.memory_space<vmem>>, vector<1x1x16xf32>,
        %swap3A_470 = vector.shape_cast %swap3A_469 : vector<1x1x16xf32> to vector<16xf32>
        %swap3A_471 = vector.shape_cast %add3A_464 : vector<16xf32> to vector<1x1x16xf32>
        tpu.vector_store %arg7[%swap3A_466, %swap3A_467, %swap3A_468], %swap3A_471 {strides = array<i32>} : memref<8x128x32xf32, #tpu.memory_space<vmem>>, vector<1x1x16xf32>,
        %mul3A_472 = arith.constant 8 : i32
        %mul3A_473 = arith.muli %add3A_344, %mul3A_472 : i32
        %add3A_474 = arith.constant 4 : i32
        %add3A_475 = arith.addi %mul3A_473, %add3A_474 : i32
        %get3A_476 = arith.constant 4 : i32
        %get3A_477 = arith.index_cast %get3A_476 : i32 to index
        %get3A_478 = arith.index_cast %add3A_475 : i32 to index
        %get3A_479 = arith.constant 0 : index
        %get3A_480 = tpu.vector_load %arg7[%get3A_477, %get3A_478, %get3A_479] {strides = array<i32>} : memref<8x128x32xf32, #tpu.memory_space<vmem>>, vector<1x1x16xf32>,
        %get3A_481 = vector.shape_cast %get3A_480 : vector<1x1x16xf32> to vector<16xf32>
        %add3A_482 = arith.addf %get3A_481, %get3A_277 : vector<16xf32>
        %swap3A_483 = arith.constant 4 : i32
        %swap3A_484 = arith.index_cast %swap3A_483 : i32 to index
        %swap3A_485 = arith.index_cast %add3A_475 : i32 to index
        %swap3A_486 = arith.constant 0 : index
        %swap3A_487 = tpu.vector_load %arg7[%swap3A_484, %swap3A_485, %swap3A_486] {strides = array<i32>} : memref<8x128x32xf32, #tpu.memory_space<vmem>>, vector<1x1x16xf32>,
        %swap3A_488 = vector.shape_cast %swap3A_487 : vector<1x1x16xf32> to vector<16xf32>
        %swap3A_489 = vector.shape_cast %add3A_482 : vector<16xf32> to vector<1x1x16xf32>
        tpu.vector_store %arg7[%swap3A_484, %swap3A_485, %swap3A_486], %swap3A_489 {strides = array<i32>} : memref<8x128x32xf32, #tpu.memory_space<vmem>>, vector<1x1x16xf32>,
        %get3A_490 = arith.constant 4 : i32
        %get3A_491 = arith.index_cast %get3A_490 : i32 to index
        %get3A_492 = arith.index_cast %add3A_475 : i32 to index
        %get3A_493 = arith.constant 16 : index
        %get3A_494 = tpu.vector_load %arg7[%get3A_491, %get3A_492, %get3A_493] {strides = array<i32>} : memref<8x128x32xf32, #tpu.memory_space<vmem>>, vector<1x1x16xf32>,
        %get3A_495 = vector.shape_cast %get3A_494 : vector<1x1x16xf32> to vector<16xf32>
        %add3A_496 = arith.addf %get3A_495, %get3A_283 : vector<16xf32>
        %swap3A_497 = arith.constant 4 : i32
        %swap3A_498 = arith.index_cast %swap3A_497 : i32 to index
        %swap3A_499 = arith.index_cast %add3A_475 : i32 to index
        %swap3A_500 = arith.constant 16 : index
        %swap3A_501 = tpu.vector_load %arg7[%swap3A_498, %swap3A_499, %swap3A_500] {strides = array<i32>} : memref<8x128x32xf32, #tpu.memory_space<vmem>>, vector<1x1x16xf32>,
        %swap3A_502 = vector.shape_cast %swap3A_501 : vector<1x1x16xf32> to vector<16xf32>
        %swap3A_503 = vector.shape_cast %add3A_496 : vector<16xf32> to vector<1x1x16xf32>
        tpu.vector_store %arg7[%swap3A_498, %swap3A_499, %swap3A_500], %swap3A_503 {strides = array<i32>} : memref<8x128x32xf32, #tpu.memory_space<vmem>>, vector<1x1x16xf32>,
        %mul3A_504 = arith.constant 8 : i32
        %mul3A_505 = arith.muli %add3A_344, %mul3A_504 : i32
        %add3A_506 = arith.constant 5 : i32
        %add3A_507 = arith.addi %mul3A_505, %add3A_506 : i32
        %get3A_508 = arith.constant 4 : i32
        %get3A_509 = arith.index_cast %get3A_508 : i32 to index
        %get3A_510 = arith.index_cast %add3A_507 : i32 to index
        %get3A_511 = arith.constant 0 : index
        %get3A_512 = tpu.vector_load %arg7[%get3A_509, %get3A_510, %get3A_511] {strides = array<i32>} : memref<8x128x32xf32, #tpu.memory_space<vmem>>, vector<1x1x16xf32>,
        %get3A_513 = vector.shape_cast %get3A_512 : vector<1x1x16xf32> to vector<16xf32>
        %add3A_514 = arith.addf %get3A_513, %get3A_277 : vector<16xf32>
        %swap3A_515 = arith.constant 4 : i32
        %swap3A_516 = arith.index_cast %swap3A_515 : i32 to index
        %swap3A_517 = arith.index_cast %add3A_507 : i32 to index
        %swap3A_518 = arith.constant 0 : index
        %swap3A_519 = tpu.vector_load %arg7[%swap3A_516, %swap3A_517, %swap3A_518] {strides = array<i32>} : memref<8x128x32xf32, #tpu.memory_space<vmem>>, vector<1x1x16xf32>,
        %swap3A_520 = vector.shape_cast %swap3A_519 : vector<1x1x16xf32> to vector<16xf32>
        %swap3A_521 = vector.shape_cast %add3A_514 : vector<16xf32> to vector<1x1x16xf32>
        tpu.vector_store %arg7[%swap3A_516, %swap3A_517, %swap3A_518], %swap3A_521 {strides = array<i32>} : memref<8x128x32xf32, #tpu.memory_space<vmem>>, vector<1x1x16xf32>,
        %get3A_522 = arith.constant 4 : i32
        %get3A_523 = arith.index_cast %get3A_522 : i32 to index
        %get3A_524 = arith.index_cast %add3A_507 : i32 to index
        %get3A_525 = arith.constant 16 : index
        %get3A_526 = tpu.vector_load %arg7[%get3A_523, %get3A_524, %get3A_525] {strides = array<i32>} : memref<8x128x32xf32, #tpu.memory_space<vmem>>, vector<1x1x16xf32>,
        %get3A_527 = vector.shape_cast %get3A_526 : vector<1x1x16xf32> to vector<16xf32>
        %add3A_528 = arith.addf %get3A_527, %get3A_283 : vector<16xf32>
        %swap3A_529 = arith.constant 4 : i32
        %swap3A_530 = arith.index_cast %swap3A_529 : i32 to index
        %swap3A_531 = arith.index_cast %add3A_507 : i32 to index
        %swap3A_532 = arith.constant 16 : index
        %swap3A_533 = tpu.vector_load %arg7[%swap3A_530, %swap3A_531, %swap3A_532] {strides = array<i32>} : memref<8x128x32xf32, #tpu.memory_space<vmem>>, vector<1x1x16xf32>,
        %swap3A_534 = vector.shape_cast %swap3A_533 : vector<1x1x16xf32> to vector<16xf32>
        %swap3A_535 = vector.shape_cast %add3A_528 : vector<16xf32> to vector<1x1x16xf32>
        tpu.vector_store %arg7[%swap3A_530, %swap3A_531, %swap3A_532], %swap3A_535 {strides = array<i32>} : memref<8x128x32xf32, #tpu.memory_space<vmem>>, vector<1x1x16xf32>,
        %mul3A_536 = arith.constant 8 : i32
        %mul3A_537 = arith.muli %add3A_344, %mul3A_536 : i32
        %add3A_538 = arith.constant 6 : i32
        %add3A_539 = arith.addi %mul3A_537, %add3A_538 : i32
        %get3A_540 = arith.constant 4 : i32
        %get3A_541 = arith.index_cast %get3A_540 : i32 to index
        %get3A_542 = arith.index_cast %add3A_539 : i32 to index
        %get3A_543 = arith.constant 0 : index
        %get3A_544 = tpu.vector_load %arg7[%get3A_541, %get3A_542, %get3A_543] {strides = array<i32>} : memref<8x128x32xf32, #tpu.memory_space<vmem>>, vector<1x1x16xf32>,
        %get3A_545 = vector.shape_cast %get3A_544 : vector<1x1x16xf32> to vector<16xf32>
        %add3A_546 = arith.addf %get3A_545, %get3A_277 : vector<16xf32>
        %swap3A_547 = arith.constant 4 : i32
        %swap3A_548 = arith.index_cast %swap3A_547 : i32 to index
        %swap3A_549 = arith.index_cast %add3A_539 : i32 to index
        %swap3A_550 = arith.constant 0 : index
        %swap3A_551 = tpu.vector_load %arg7[%swap3A_548, %swap3A_549, %swap3A_550] {strides = array<i32>} : memref<8x128x32xf32, #tpu.memory_space<vmem>>, vector<1x1x16xf32>,
        %swap3A_552 = vector.shape_cast %swap3A_551 : vector<1x1x16xf32> to vector<16xf32>
        %swap3A_553 = vector.shape_cast %add3A_546 : vector<16xf32> to vector<1x1x16xf32>
        tpu.vector_store %arg7[%swap3A_548, %swap3A_549, %swap3A_550], %swap3A_553 {strides = array<i32>} : memref<8x128x32xf32, #tpu.memory_space<vmem>>, vector<1x1x16xf32>,
        %get3A_554 = arith.constant 4 : i32
        %get3A_555 = arith.index_cast %get3A_554 : i32 to index
        %get3A_556 = arith.index_cast %add3A_539 : i32 to index
        %get3A_557 = arith.constant 16 : index
        %get3A_558 = tpu.vector_load %arg7[%get3A_555, %get3A_556, %get3A_557] {strides = array<i32>} : memref<8x128x32xf32, #tpu.memory_space<vmem>>, vector<1x1x16xf32>,
        %get3A_559 = vector.shape_cast %get3A_558 : vector<1x1x16xf32> to vector<16xf32>
        %add3A_560 = arith.addf %get3A_559, %get3A_283 : vector<16xf32>
        %swap3A_561 = arith.constant 4 : i32
        %swap3A_562 = arith.index_cast %swap3A_561 : i32 to index
        %swap3A_563 = arith.index_cast %add3A_539 : i32 to index
        %swap3A_564 = arith.constant 16 : index
        %swap3A_565 = tpu.vector_load %arg7[%swap3A_562, %swap3A_563, %swap3A_564] {strides = array<i32>} : memref<8x128x32xf32, #tpu.memory_space<vmem>>, vector<1x1x16xf32>,
        %swap3A_566 = vector.shape_cast %swap3A_565 : vector<1x1x16xf32> to vector<16xf32>
        %swap3A_567 = vector.shape_cast %add3A_560 : vector<16xf32> to vector<1x1x16xf32>
        tpu.vector_store %arg7[%swap3A_562, %swap3A_563, %swap3A_564], %swap3A_567 {strides = array<i32>} : memref<8x128x32xf32, #tpu.memory_space<vmem>>, vector<1x1x16xf32>,
        %mul3A_568 = arith.constant 8 : i32
        %mul3A_569 = arith.muli %add3A_344, %mul3A_568 : i32
        %add3A_570 = arith.constant 7 : i32
        %add3A_571 = arith.addi %mul3A_569, %add3A_570 : i32
        %get3A_572 = arith.constant 4 : i32
        %get3A_573 = arith.index_cast %get3A_572 : i32 to index
        %get3A_574 = arith.index_cast %add3A_571 : i32 to index
        %get3A_575 = arith.constant 0 : index
        %get3A_576 = tpu.vector_load %arg7[%get3A_573, %get3A_574, %get3A_575] {strides = array<i32>} : memref<8x128x32xf32, #tpu.memory_space<vmem>>, vector<1x1x16xf32>,
        %get3A_577 = vector.shape_cast %get3A_576 : vector<1x1x16xf32> to vector<16xf32>
        %add3A_578 = arith.addf %get3A_577, %get3A_277 : vector<16xf32>
        %swap3A_579 = arith.constant 4 : i32
        %swap3A_580 = arith.index_cast %swap3A_579 : i32 to index
        %swap3A_581 = arith.index_cast %add3A_571 : i32 to index
        %swap3A_582 = arith.constant 0 : index
        %swap3A_583 = tpu.vector_load %arg7[%swap3A_580, %swap3A_581, %swap3A_582] {strides = array<i32>} : memref<8x128x32xf32, #tpu.memory_space<vmem>>, vector<1x1x16xf32>,
        %swap3A_584 = vector.shape_cast %swap3A_583 : vector<1x1x16xf32> to vector<16xf32>
        %swap3A_585 = vector.shape_cast %add3A_578 : vector<16xf32> to vector<1x1x16xf32>
        tpu.vector_store %arg7[%swap3A_580, %swap3A_581, %swap3A_582], %swap3A_585 {strides = array<i32>} : memref<8x128x32xf32, #tpu.memory_space<vmem>>, vector<1x1x16xf32>,
        %get3A_586 = arith.constant 4 : i32
        %get3A_587 = arith.index_cast %get3A_586 : i32 to index
        %get3A_588 = arith.index_cast %add3A_571 : i32 to index
        %get3A_589 = arith.constant 16 : index
        %get3A_590 = tpu.vector_load %arg7[%get3A_587, %get3A_588, %get3A_589] {strides = array<i32>} : memref<8x128x32xf32, #tpu.memory_space<vmem>>, vector<1x1x16xf32>,
        %get3A_591 = vector.shape_cast %get3A_590 : vector<1x1x16xf32> to vector<16xf32>
        %add3A_592 = arith.addf %get3A_591, %get3A_283 : vector<16xf32>
        %swap3A_593 = arith.constant 4 : i32
        %swap3A_594 = arith.index_cast %swap3A_593 : i32 to index
        %swap3A_595 = arith.index_cast %add3A_571 : i32 to index
        %swap3A_596 = arith.constant 16 : index
        %swap3A_597 = tpu.vector_load %arg7[%swap3A_594, %swap3A_595, %swap3A_596] {strides = array<i32>} : memref<8x128x32xf32, #tpu.memory_space<vmem>>, vector<1x1x16xf32>,
        %swap3A_598 = vector.shape_cast %swap3A_597 : vector<1x1x16xf32> to vector<16xf32>
        %swap3A_599 = vector.shape_cast %add3A_592 : vector<16xf32> to vector<1x1x16xf32>
        tpu.vector_store %arg7[%swap3A_594, %swap3A_595, %swap3A_596], %swap3A_599 {strides = array<i32>} : memref<8x128x32xf32, #tpu.memory_space<vmem>>, vector<1x1x16xf32>,
      }
      %scan3A_288 = arith.constant 16 : i32
      %add3A_289 = arith.constant 5 : i32
      %add3A_290 = arith.addi %multiple_of3A_14, %add3A_289 : i32
      %get3A_291 = arith.index_cast %add3A_290 : i32 to index
      %get3A_292 = arith.constant 0 : index
      %get3A_293 = tpu.vector_load %arg8[%get3A_291, %get3A_292] {strides = array<i32>} : memref<200x32xf32, #tpu.memory_space<vmem>>, vector<1x16xf32>,
      %get3A_294 = vector.shape_cast %get3A_293 : vector<1x16xf32> to vector<16xf32>
      %add3A_295 = arith.constant 5 : i32
      %add3A_296 = arith.addi %multiple_of3A_14, %add3A_295 : i32
      %get3A_297 = arith.index_cast %add3A_296 : i32 to index
      %get3A_298 = arith.constant 16 : index
      %get3A_299 = tpu.vector_load %arg8[%get3A_297, %get3A_298] {strides = array<i32>} : memref<200x32xf32, #tpu.memory_space<vmem>>, vector<1x16xf32>,
      %get3A_300 = vector.shape_cast %get3A_299 : vector<1x16xf32> to vector<16xf32>
      %scan3A_301 = arith.constant 0 : i32
      %scan3A_302 = arith.constant 16 : i32
      %scan3A_303 = arith.addi %scan3A_301, %scan3A_302 : i32
      %scan3A_304 = arith.constant 1 : i32
      scf.for %scan3A_340 = %scan3A_301 to %scan3A_303 step %scan3A_304  : i32 {
        %mul3A_341 = arith.constant 1 : i32
        %mul3A_342 = arith.muli %scan3A_340, %mul3A_341 : i32
        %add3A_343 = arith.constant 0 : i32
        %add3A_344 = arith.addi %add3A_343, %mul3A_342 : i32
        %mul3A_345 = arith.constant 8 : i32
        %mul3A_346 = arith.muli %add3A_344, %mul3A_345 : i32
        %add3A_347 = arith.constant 0 : i32
        %add3A_348 = arith.addi %mul3A_346, %add3A_347 : i32
        %get3A_349 = arith.constant 5 : i32
        %get3A_350 = arith.index_cast %get3A_349 : i32 to index
        %get3A_351 = arith.index_cast %add3A_348 : i32 to index
        %get3A_352 = arith.constant 0 : index
        %get3A_353 = tpu.vector_load %arg7[%get3A_350, %get3A_351, %get3A_352] {strides = array<i32>} : memref<8x128x32xf32, #tpu.memory_space<vmem>>, vector<1x1x16xf32>,
        %get3A_354 = vector.shape_cast %get3A_353 : vector<1x1x16xf32> to vector<16xf32>
        %add3A_355 = arith.addf %get3A_354, %get3A_294 : vector<16xf32>
        %swap3A = arith.constant 5 : i32
        %swap3A_356 = arith.index_cast %swap3A : i32 to index
        %swap3A_357 = arith.index_cast %add3A_348 : i32 to index
        %swap3A_358 = arith.constant 0 : index
        %swap3A_359 = tpu.vector_load %arg7[%swap3A_356, %swap3A_357, %swap3A_358] {strides = array<i32>} : memref<8x128x32xf32, #tpu.memory_space<vmem>>, vector<1x1x16xf32>,
        %swap3A_360 = vector.shape_cast %swap3A_359 : vector<1x1x16xf32> to vector<16xf32>
        %swap3A_361 = vector.shape_cast %add3A_355 : vector<16xf32> to vector<1x1x16xf32>
        tpu.vector_store %arg7[%swap3A_356, %swap3A_357, %swap3A_358], %swap3A_361 {strides = array<i32>} : memref<8x128x32xf32, #tpu.memory_space<vmem>>, vector<1x1x16xf32>,
        %get3A_362 = arith.constant 5 : i32
        %get3A_363 = arith.index_cast %get3A_362 : i32 to index
        %get3A_364 = arith.index_cast %add3A_348 : i32 to index
        %get3A_365 = arith.constant 16 : index
        %get3A_366 = tpu.vector_load %arg7[%get3A_363, %get3A_364, %get3A_365] {strides = array<i32>} : memref<8x128x32xf32, #tpu.memory_space<vmem>>, vector<1x1x16xf32>,
        %get3A_367 = vector.shape_cast %get3A_366 : vector<1x1x16xf32> to vector<16xf32>
        %add3A_368 = arith.addf %get3A_367, %get3A_300 : vector<16xf32>
        %swap3A_369 = arith.constant 5 : i32
        %swap3A_370 = arith.index_cast %swap3A_369 : i32 to index
        %swap3A_371 = arith.index_cast %add3A_348 : i32 to index
        %swap3A_372 = arith.constant 16 : index
        %swap3A_373 = tpu.vector_load %arg7[%swap3A_370, %swap3A_371, %swap3A_372] {strides = array<i32>} : memref<8x128x32xf32, #tpu.memory_space<vmem>>, vector<1x1x16xf32>,
        %swap3A_374 = vector.shape_cast %swap3A_373 : vector<1x1x16xf32> to vector<16xf32>
        %swap3A_375 = vector.shape_cast %add3A_368 : vector<16xf32> to vector<1x1x16xf32>
        tpu.vector_store %arg7[%swap3A_370, %swap3A_371, %swap3A_372], %swap3A_375 {strides = array<i32>} : memref<8x128x32xf32, #tpu.memory_space<vmem>>, vector<1x1x16xf32>,
        %mul3A_376 = arith.constant 8 : i32
        %mul3A_377 = arith.muli %add3A_344, %mul3A_376 : i32
        %add3A_378 = arith.constant 1 : i32
        %add3A_379 = arith.addi %mul3A_377, %add3A_378 : i32
        %get3A_380 = arith.constant 5 : i32
        %get3A_381 = arith.index_cast %get3A_380 : i32 to index
        %get3A_382 = arith.index_cast %add3A_379 : i32 to index
        %get3A_383 = arith.constant 0 : index
        %get3A_384 = tpu.vector_load %arg7[%get3A_381, %get3A_382, %get3A_383] {strides = array<i32>} : memref<8x128x32xf32, #tpu.memory_space<vmem>>, vector<1x1x16xf32>,
        %get3A_385 = vector.shape_cast %get3A_384 : vector<1x1x16xf32> to vector<16xf32>
        %add3A_386 = arith.addf %get3A_385, %get3A_294 : vector<16xf32>
        %swap3A_387 = arith.constant 5 : i32
        %swap3A_388 = arith.index_cast %swap3A_387 : i32 to index
        %swap3A_389 = arith.index_cast %add3A_379 : i32 to index
        %swap3A_390 = arith.constant 0 : index
        %swap3A_391 = tpu.vector_load %arg7[%swap3A_388, %swap3A_389, %swap3A_390] {strides = array<i32>} : memref<8x128x32xf32, #tpu.memory_space<vmem>>, vector<1x1x16xf32>,
        %swap3A_392 = vector.shape_cast %swap3A_391 : vector<1x1x16xf32> to vector<16xf32>
        %swap3A_393 = vector.shape_cast %add3A_386 : vector<16xf32> to vector<1x1x16xf32>
        tpu.vector_store %arg7[%swap3A_388, %swap3A_389, %swap3A_390], %swap3A_393 {strides = array<i32>} : memref<8x128x32xf32, #tpu.memory_space<vmem>>, vector<1x1x16xf32>,
        %get3A_394 = arith.constant 5 : i32
        %get3A_395 = arith.index_cast %get3A_394 : i32 to index
        %get3A_396 = arith.index_cast %add3A_379 : i32 to index
        %get3A_397 = arith.constant 16 : index
        %get3A_398 = tpu.vector_load %arg7[%get3A_395, %get3A_396, %get3A_397] {strides = array<i32>} : memref<8x128x32xf32, #tpu.memory_space<vmem>>, vector<1x1x16xf32>,
        %get3A_399 = vector.shape_cast %get3A_398 : vector<1x1x16xf32> to vector<16xf32>
        %add3A_400 = arith.addf %get3A_399, %get3A_300 : vector<16xf32>
        %swap3A_401 = arith.constant 5 : i32
        %swap3A_402 = arith.index_cast %swap3A_401 : i32 to index
        %swap3A_403 = arith.index_cast %add3A_379 : i32 to index
        %swap3A_404 = arith.constant 16 : index
        %swap3A_405 = tpu.vector_load %arg7[%swap3A_402, %swap3A_403, %swap3A_404] {strides = array<i32>} : memref<8x128x32xf32, #tpu.memory_space<vmem>>, vector<1x1x16xf32>,
        %swap3A_406 = vector.shape_cast %swap3A_405 : vector<1x1x16xf32> to vector<16xf32>
        %swap3A_407 = vector.shape_cast %add3A_400 : vector<16xf32> to vector<1x1x16xf32>
        tpu.vector_store %arg7[%swap3A_402, %swap3A_403, %swap3A_404], %swap3A_407 {strides = array<i32>} : memref<8x128x32xf32, #tpu.memory_space<vmem>>, vector<1x1x16xf32>,
        %mul3A_408 = arith.constant 8 : i32
        %mul3A_409 = arith.muli %add3A_344, %mul3A_408 : i32
        %add3A_410 = arith.constant 2 : i32
        %add3A_411 = arith.addi %mul3A_409, %add3A_410 : i32
        %get3A_412 = arith.constant 5 : i32
        %get3A_413 = arith.index_cast %get3A_412 : i32 to index
        %get3A_414 = arith.index_cast %add3A_411 : i32 to index
        %get3A_415 = arith.constant 0 : index
        %get3A_416 = tpu.vector_load %arg7[%get3A_413, %get3A_414, %get3A_415] {strides = array<i32>} : memref<8x128x32xf32, #tpu.memory_space<vmem>>, vector<1x1x16xf32>,
        %get3A_417 = vector.shape_cast %get3A_416 : vector<1x1x16xf32> to vector<16xf32>
        %add3A_418 = arith.addf %get3A_417, %get3A_294 : vector<16xf32>
        %swap3A_419 = arith.constant 5 : i32
        %swap3A_420 = arith.index_cast %swap3A_419 : i32 to index
        %swap3A_421 = arith.index_cast %add3A_411 : i32 to index
        %swap3A_422 = arith.constant 0 : index
        %swap3A_423 = tpu.vector_load %arg7[%swap3A_420, %swap3A_421, %swap3A_422] {strides = array<i32>} : memref<8x128x32xf32, #tpu.memory_space<vmem>>, vector<1x1x16xf32>,
        %swap3A_424 = vector.shape_cast %swap3A_423 : vector<1x1x16xf32> to vector<16xf32>
        %swap3A_425 = vector.shape_cast %add3A_418 : vector<16xf32> to vector<1x1x16xf32>
        tpu.vector_store %arg7[%swap3A_420, %swap3A_421, %swap3A_422], %swap3A_425 {strides = array<i32>} : memref<8x128x32xf32, #tpu.memory_space<vmem>>, vector<1x1x16xf32>,
        %get3A_426 = arith.constant 5 : i32
        %get3A_427 = arith.index_cast %get3A_426 : i32 to index
        %get3A_428 = arith.index_cast %add3A_411 : i32 to index
        %get3A_429 = arith.constant 16 : index
        %get3A_430 = tpu.vector_load %arg7[%get3A_427, %get3A_428, %get3A_429] {strides = array<i32>} : memref<8x128x32xf32, #tpu.memory_space<vmem>>, vector<1x1x16xf32>,
        %get3A_431 = vector.shape_cast %get3A_430 : vector<1x1x16xf32> to vector<16xf32>
        %add3A_432 = arith.addf %get3A_431, %get3A_300 : vector<16xf32>
        %swap3A_433 = arith.constant 5 : i32
        %swap3A_434 = arith.index_cast %swap3A_433 : i32 to index
        %swap3A_435 = arith.index_cast %add3A_411 : i32 to index
        %swap3A_436 = arith.constant 16 : index
        %swap3A_437 = tpu.vector_load %arg7[%swap3A_434, %swap3A_435, %swap3A_436] {strides = array<i32>} : memref<8x128x32xf32, #tpu.memory_space<vmem>>, vector<1x1x16xf32>,
        %swap3A_438 = vector.shape_cast %swap3A_437 : vector<1x1x16xf32> to vector<16xf32>
        %swap3A_439 = vector.shape_cast %add3A_432 : vector<16xf32> to vector<1x1x16xf32>
        tpu.vector_store %arg7[%swap3A_434, %swap3A_435, %swap3A_436], %swap3A_439 {strides = array<i32>} : memref<8x128x32xf32, #tpu.memory_space<vmem>>, vector<1x1x16xf32>,
        %mul3A_440 = arith.constant 8 : i32
        %mul3A_441 = arith.muli %add3A_344, %mul3A_440 : i32
        %add3A_442 = arith.constant 3 : i32
        %add3A_443 = arith.addi %mul3A_441, %add3A_442 : i32
        %get3A_444 = arith.constant 5 : i32
        %get3A_445 = arith.index_cast %get3A_444 : i32 to index
        %get3A_446 = arith.index_cast %add3A_443 : i32 to index
        %get3A_447 = arith.constant 0 : index
        %get3A_448 = tpu.vector_load %arg7[%get3A_445, %get3A_446, %get3A_447] {strides = array<i32>} : memref<8x128x32xf32, #tpu.memory_space<vmem>>, vector<1x1x16xf32>,
        %get3A_449 = vector.shape_cast %get3A_448 : vector<1x1x16xf32> to vector<16xf32>
        %add3A_450 = arith.addf %get3A_449, %get3A_294 : vector<16xf32>
        %swap3A_451 = arith.constant 5 : i32
        %swap3A_452 = arith.index_cast %swap3A_451 : i32 to index
        %swap3A_453 = arith.index_cast %add3A_443 : i32 to index
        %swap3A_454 = arith.constant 0 : index
        %swap3A_455 = tpu.vector_load %arg7[%swap3A_452, %swap3A_453, %swap3A_454] {strides = array<i32>} : memref<8x128x32xf32, #tpu.memory_space<vmem>>, vector<1x1x16xf32>,
        %swap3A_456 = vector.shape_cast %swap3A_455 : vector<1x1x16xf32> to vector<16xf32>
        %swap3A_457 = vector.shape_cast %add3A_450 : vector<16xf32> to vector<1x1x16xf32>
        tpu.vector_store %arg7[%swap3A_452, %swap3A_453, %swap3A_454], %swap3A_457 {strides = array<i32>} : memref<8x128x32xf32, #tpu.memory_space<vmem>>, vector<1x1x16xf32>,
        %get3A_458 = arith.constant 5 : i32
        %get3A_459 = arith.index_cast %get3A_458 : i32 to index
        %get3A_460 = arith.index_cast %add3A_443 : i32 to index
        %get3A_461 = arith.constant 16 : index
        %get3A_462 = tpu.vector_load %arg7[%get3A_459, %get3A_460, %get3A_461] {strides = array<i32>} : memref<8x128x32xf32, #tpu.memory_space<vmem>>, vector<1x1x16xf32>,
        %get3A_463 = vector.shape_cast %get3A_462 : vector<1x1x16xf32> to vector<16xf32>
        %add3A_464 = arith.addf %get3A_463, %get3A_300 : vector<16xf32>
        %swap3A_465 = arith.constant 5 : i32
        %swap3A_466 = arith.index_cast %swap3A_465 : i32 to index
        %swap3A_467 = arith.index_cast %add3A_443 : i32 to index
        %swap3A_468 = arith.constant 16 : index
        %swap3A_469 = tpu.vector_load %arg7[%swap3A_466, %swap3A_467, %swap3A_468] {strides = array<i32>} : memref<8x128x32xf32, #tpu.memory_space<vmem>>, vector<1x1x16xf32>,
        %swap3A_470 = vector.shape_cast %swap3A_469 : vector<1x1x16xf32> to vector<16xf32>
        %swap3A_471 = vector.shape_cast %add3A_464 : vector<16xf32> to vector<1x1x16xf32>
        tpu.vector_store %arg7[%swap3A_466, %swap3A_467, %swap3A_468], %swap3A_471 {strides = array<i32>} : memref<8x128x32xf32, #tpu.memory_space<vmem>>, vector<1x1x16xf32>,
        %mul3A_472 = arith.constant 8 : i32
        %mul3A_473 = arith.muli %add3A_344, %mul3A_472 : i32
        %add3A_474 = arith.constant 4 : i32
        %add3A_475 = arith.addi %mul3A_473, %add3A_474 : i32
        %get3A_476 = arith.constant 5 : i32
        %get3A_477 = arith.index_cast %get3A_476 : i32 to index
        %get3A_478 = arith.index_cast %add3A_475 : i32 to index
        %get3A_479 = arith.constant 0 : index
        %get3A_480 = tpu.vector_load %arg7[%get3A_477, %get3A_478, %get3A_479] {strides = array<i32>} : memref<8x128x32xf32, #tpu.memory_space<vmem>>, vector<1x1x16xf32>,
        %get3A_481 = vector.shape_cast %get3A_480 : vector<1x1x16xf32> to vector<16xf32>
        %add3A_482 = arith.addf %get3A_481, %get3A_294 : vector<16xf32>
        %swap3A_483 = arith.constant 5 : i32
        %swap3A_484 = arith.index_cast %swap3A_483 : i32 to index
        %swap3A_485 = arith.index_cast %add3A_475 : i32 to index
        %swap3A_486 = arith.constant 0 : index
        %swap3A_487 = tpu.vector_load %arg7[%swap3A_484, %swap3A_485, %swap3A_486] {strides = array<i32>} : memref<8x128x32xf32, #tpu.memory_space<vmem>>, vector<1x1x16xf32>,
        %swap3A_488 = vector.shape_cast %swap3A_487 : vector<1x1x16xf32> to vector<16xf32>
        %swap3A_489 = vector.shape_cast %add3A_482 : vector<16xf32> to vector<1x1x16xf32>
        tpu.vector_store %arg7[%swap3A_484, %swap3A_485, %swap3A_486], %swap3A_489 {strides = array<i32>} : memref<8x128x32xf32, #tpu.memory_space<vmem>>, vector<1x1x16xf32>,
        %get3A_490 = arith.constant 5 : i32
        %get3A_491 = arith.index_cast %get3A_490 : i32 to index
        %get3A_492 = arith.index_cast %add3A_475 : i32 to index
        %get3A_493 = arith.constant 16 : index
        %get3A_494 = tpu.vector_load %arg7[%get3A_491, %get3A_492, %get3A_493] {strides = array<i32>} : memref<8x128x32xf32, #tpu.memory_space<vmem>>, vector<1x1x16xf32>,
        %get3A_495 = vector.shape_cast %get3A_494 : vector<1x1x16xf32> to vector<16xf32>
        %add3A_496 = arith.addf %get3A_495, %get3A_300 : vector<16xf32>
        %swap3A_497 = arith.constant 5 : i32
        %swap3A_498 = arith.index_cast %swap3A_497 : i32 to index
        %swap3A_499 = arith.index_cast %add3A_475 : i32 to index
        %swap3A_500 = arith.constant 16 : index
        %swap3A_501 = tpu.vector_load %arg7[%swap3A_498, %swap3A_499, %swap3A_500] {strides = array<i32>} : memref<8x128x32xf32, #tpu.memory_space<vmem>>, vector<1x1x16xf32>,
        %swap3A_502 = vector.shape_cast %swap3A_501 : vector<1x1x16xf32> to vector<16xf32>
        %swap3A_503 = vector.shape_cast %add3A_496 : vector<16xf32> to vector<1x1x16xf32>
        tpu.vector_store %arg7[%swap3A_498, %swap3A_499, %swap3A_500], %swap3A_503 {strides = array<i32>} : memref<8x128x32xf32, #tpu.memory_space<vmem>>, vector<1x1x16xf32>,
        %mul3A_504 = arith.constant 8 : i32
        %mul3A_505 = arith.muli %add3A_344, %mul3A_504 : i32
        %add3A_506 = arith.constant 5 : i32
        %add3A_507 = arith.addi %mul3A_505, %add3A_506 : i32
        %get3A_508 = arith.constant 5 : i32
        %get3A_509 = arith.index_cast %get3A_508 : i32 to index
        %get3A_510 = arith.index_cast %add3A_507 : i32 to index
        %get3A_511 = arith.constant 0 : index
        %get3A_512 = tpu.vector_load %arg7[%get3A_509, %get3A_510, %get3A_511] {strides = array<i32>} : memref<8x128x32xf32, #tpu.memory_space<vmem>>, vector<1x1x16xf32>,
        %get3A_513 = vector.shape_cast %get3A_512 : vector<1x1x16xf32> to vector<16xf32>
        %add3A_514 = arith.addf %get3A_513, %get3A_294 : vector<16xf32>
        %swap3A_515 = arith.constant 5 : i32
        %swap3A_516 = arith.index_cast %swap3A_515 : i32 to index
        %swap3A_517 = arith.index_cast %add3A_507 : i32 to index
        %swap3A_518 = arith.constant 0 : index
        %swap3A_519 = tpu.vector_load %arg7[%swap3A_516, %swap3A_517, %swap3A_518] {strides = array<i32>} : memref<8x128x32xf32, #tpu.memory_space<vmem>>, vector<1x1x16xf32>,
        %swap3A_520 = vector.shape_cast %swap3A_519 : vector<1x1x16xf32> to vector<16xf32>
        %swap3A_521 = vector.shape_cast %add3A_514 : vector<16xf32> to vector<1x1x16xf32>
        tpu.vector_store %arg7[%swap3A_516, %swap3A_517, %swap3A_518], %swap3A_521 {strides = array<i32>} : memref<8x128x32xf32, #tpu.memory_space<vmem>>, vector<1x1x16xf32>,
        %get3A_522 = arith.constant 5 : i32
        %get3A_523 = arith.index_cast %get3A_522 : i32 to index
        %get3A_524 = arith.index_cast %add3A_507 : i32 to index
        %get3A_525 = arith.constant 16 : index
        %get3A_526 = tpu.vector_load %arg7[%get3A_523, %get3A_524, %get3A_525] {strides = array<i32>} : memref<8x128x32xf32, #tpu.memory_space<vmem>>, vector<1x1x16xf32>,
        %get3A_527 = vector.shape_cast %get3A_526 : vector<1x1x16xf32> to vector<16xf32>
        %add3A_528 = arith.addf %get3A_527, %get3A_300 : vector<16xf32>
        %swap3A_529 = arith.constant 5 : i32
        %swap3A_530 = arith.index_cast %swap3A_529 : i32 to index
        %swap3A_531 = arith.index_cast %add3A_507 : i32 to index
        %swap3A_532 = arith.constant 16 : index
        %swap3A_533 = tpu.vector_load %arg7[%swap3A_530, %swap3A_531, %swap3A_532] {strides = array<i32>} : memref<8x128x32xf32, #tpu.memory_space<vmem>>, vector<1x1x16xf32>,
        %swap3A_534 = vector.shape_cast %swap3A_533 : vector<1x1x16xf32> to vector<16xf32>
        %swap3A_535 = vector.shape_cast %add3A_528 : vector<16xf32> to vector<1x1x16xf32>
        tpu.vector_store %arg7[%swap3A_530, %swap3A_531, %swap3A_532], %swap3A_535 {strides = array<i32>} : memref<8x128x32xf32, #tpu.memory_space<vmem>>, vector<1x1x16xf32>,
        %mul3A_536 = arith.constant 8 : i32
        %mul3A_537 = arith.muli %add3A_344, %mul3A_536 : i32
        %add3A_538 = arith.constant 6 : i32
        %add3A_539 = arith.addi %mul3A_537, %add3A_538 : i32
        %get3A_540 = arith.constant 5 : i32
        %get3A_541 = arith.index_cast %get3A_540 : i32 to index
        %get3A_542 = arith.index_cast %add3A_539 : i32 to index
        %get3A_543 = arith.constant 0 : index
        %get3A_544 = tpu.vector_load %arg7[%get3A_541, %get3A_542, %get3A_543] {strides = array<i32>} : memref<8x128x32xf32, #tpu.memory_space<vmem>>, vector<1x1x16xf32>,
        %get3A_545 = vector.shape_cast %get3A_544 : vector<1x1x16xf32> to vector<16xf32>
        %add3A_546 = arith.addf %get3A_545, %get3A_294 : vector<16xf32>
        %swap3A_547 = arith.constant 5 : i32
        %swap3A_548 = arith.index_cast %swap3A_547 : i32 to index
        %swap3A_549 = arith.index_cast %add3A_539 : i32 to index
        %swap3A_550 = arith.constant 0 : index
        %swap3A_551 = tpu.vector_load %arg7[%swap3A_548, %swap3A_549, %swap3A_550] {strides = array<i32>} : memref<8x128x32xf32, #tpu.memory_space<vmem>>, vector<1x1x16xf32>,
        %swap3A_552 = vector.shape_cast %swap3A_551 : vector<1x1x16xf32> to vector<16xf32>
        %swap3A_553 = vector.shape_cast %add3A_546 : vector<16xf32> to vector<1x1x16xf32>
        tpu.vector_store %arg7[%swap3A_548, %swap3A_549, %swap3A_550], %swap3A_553 {strides = array<i32>} : memref<8x128x32xf32, #tpu.memory_space<vmem>>, vector<1x1x16xf32>,
        %get3A_554 = arith.constant 5 : i32
        %get3A_555 = arith.index_cast %get3A_554 : i32 to index
        %get3A_556 = arith.index_cast %add3A_539 : i32 to index
        %get3A_557 = arith.constant 16 : index
        %get3A_558 = tpu.vector_load %arg7[%get3A_555, %get3A_556, %get3A_557] {strides = array<i32>} : memref<8x128x32xf32, #tpu.memory_space<vmem>>, vector<1x1x16xf32>,
        %get3A_559 = vector.shape_cast %get3A_558 : vector<1x1x16xf32> to vector<16xf32>
        %add3A_560 = arith.addf %get3A_559, %get3A_300 : vector<16xf32>
        %swap3A_561 = arith.constant 5 : i32
        %swap3A_562 = arith.index_cast %swap3A_561 : i32 to index
        %swap3A_563 = arith.index_cast %add3A_539 : i32 to index
        %swap3A_564 = arith.constant 16 : index
        %swap3A_565 = tpu.vector_load %arg7[%swap3A_562, %swap3A_563, %swap3A_564] {strides = array<i32>} : memref<8x128x32xf32, #tpu.memory_space<vmem>>, vector<1x1x16xf32>,
        %swap3A_566 = vector.shape_cast %swap3A_565 : vector<1x1x16xf32> to vector<16xf32>
        %swap3A_567 = vector.shape_cast %add3A_560 : vector<16xf32> to vector<1x1x16xf32>
        tpu.vector_store %arg7[%swap3A_562, %swap3A_563, %swap3A_564], %swap3A_567 {strides = array<i32>} : memref<8x128x32xf32, #tpu.memory_space<vmem>>, vector<1x1x16xf32>,
        %mul3A_568 = arith.constant 8 : i32
        %mul3A_569 = arith.muli %add3A_344, %mul3A_568 : i32
        %add3A_570 = arith.constant 7 : i32
        %add3A_571 = arith.addi %mul3A_569, %add3A_570 : i32
        %get3A_572 = arith.constant 5 : i32
        %get3A_573 = arith.index_cast %get3A_572 : i32 to index
        %get3A_574 = arith.index_cast %add3A_571 : i32 to index
        %get3A_575 = arith.constant 0 : index
        %get3A_576 = tpu.vector_load %arg7[%get3A_573, %get3A_574, %get3A_575] {strides = array<i32>} : memref<8x128x32xf32, #tpu.memory_space<vmem>>, vector<1x1x16xf32>,
        %get3A_577 = vector.shape_cast %get3A_576 : vector<1x1x16xf32> to vector<16xf32>
        %add3A_578 = arith.addf %get3A_577, %get3A_294 : vector<16xf32>
        %swap3A_579 = arith.constant 5 : i32
        %swap3A_580 = arith.index_cast %swap3A_579 : i32 to index
        %swap3A_581 = arith.index_cast %add3A_571 : i32 to index
        %swap3A_582 = arith.constant 0 : index
        %swap3A_583 = tpu.vector_load %arg7[%swap3A_580, %swap3A_581, %swap3A_582] {strides = array<i32>} : memref<8x128x32xf32, #tpu.memory_space<vmem>>, vector<1x1x16xf32>,
        %swap3A_584 = vector.shape_cast %swap3A_583 : vector<1x1x16xf32> to vector<16xf32>
        %swap3A_585 = vector.shape_cast %add3A_578 : vector<16xf32> to vector<1x1x16xf32>
        tpu.vector_store %arg7[%swap3A_580, %swap3A_581, %swap3A_582], %swap3A_585 {strides = array<i32>} : memref<8x128x32xf32, #tpu.memory_space<vmem>>, vector<1x1x16xf32>,
        %get3A_586 = arith.constant 5 : i32
        %get3A_587 = arith.index_cast %get3A_586 : i32 to index
        %get3A_588 = arith.index_cast %add3A_571 : i32 to index
        %get3A_589 = arith.constant 16 : index
        %get3A_590 = tpu.vector_load %arg7[%get3A_587, %get3A_588, %get3A_589] {strides = array<i32>} : memref<8x128x32xf32, #tpu.memory_space<vmem>>, vector<1x1x16xf32>,
        %get3A_591 = vector.shape_cast %get3A_590 : vector<1x1x16xf32> to vector<16xf32>
        %add3A_592 = arith.addf %get3A_591, %get3A_300 : vector<16xf32>
        %swap3A_593 = arith.constant 5 : i32
        %swap3A_594 = arith.index_cast %swap3A_593 : i32 to index
        %swap3A_595 = arith.index_cast %add3A_571 : i32 to index
        %swap3A_596 = arith.constant 16 : index
        %swap3A_597 = tpu.vector_load %arg7[%swap3A_594, %swap3A_595, %swap3A_596] {strides = array<i32>} : memref<8x128x32xf32, #tpu.memory_space<vmem>>, vector<1x1x16xf32>,
        %swap3A_598 = vector.shape_cast %swap3A_597 : vector<1x1x16xf32> to vector<16xf32>
        %swap3A_599 = vector.shape_cast %add3A_592 : vector<16xf32> to vector<1x1x16xf32>
        tpu.vector_store %arg7[%swap3A_594, %swap3A_595, %swap3A_596], %swap3A_599 {strides = array<i32>} : memref<8x128x32xf32, #tpu.memory_space<vmem>>, vector<1x1x16xf32>,
      }
      %scan3A_305 = arith.constant 16 : i32
      %add3A_306 = arith.constant 6 : i32
      %add3A_307 = arith.addi %multiple_of3A_14, %add3A_306 : i32
      %get3A_308 = arith.index_cast %add3A_307 : i32 to index
      %get3A_309 = arith.constant 0 : index
      %get3A_310 = tpu.vector_load %arg8[%get3A_308, %get3A_309] {strides = array<i32>} : memref<200x32xf32, #tpu.memory_space<vmem>>, vector<1x16xf32>,
      %get3A_311 = vector.shape_cast %get3A_310 : vector<1x16xf32> to vector<16xf32>
      %add3A_312 = arith.constant 6 : i32
      %add3A_313 = arith.addi %multiple_of3A_14, %add3A_312 : i32
      %get3A_314 = arith.index_cast %add3A_313 : i32 to index
      %get3A_315 = arith.constant 16 : index
      %get3A_316 = tpu.vector_load %arg8[%get3A_314, %get3A_315] {strides = array<i32>} : memref<200x32xf32, #tpu.memory_space<vmem>>, vector<1x16xf32>,
      %get3A_317 = vector.shape_cast %get3A_316 : vector<1x16xf32> to vector<16xf32>
      %scan3A_318 = arith.constant 0 : i32
      %scan3A_319 = arith.constant 16 : i32
      %scan3A_320 = arith.addi %scan3A_318, %scan3A_319 : i32
      %scan3A_321 = arith.constant 1 : i32
      scf.for %scan3A_340 = %scan3A_318 to %scan3A_320 step %scan3A_321  : i32 {
        %mul3A_341 = arith.constant 1 : i32
        %mul3A_342 = arith.muli %scan3A_340, %mul3A_341 : i32
        %add3A_343 = arith.constant 0 : i32
        %add3A_344 = arith.addi %add3A_343, %mul3A_342 : i32
        %mul3A_345 = arith.constant 8 : i32
        %mul3A_346 = arith.muli %add3A_344, %mul3A_345 : i32
        %add3A_347 = arith.constant 0 : i32
        %add3A_348 = arith.addi %mul3A_346, %add3A_347 : i32
        %get3A_349 = arith.constant 6 : i32
        %get3A_350 = arith.index_cast %get3A_349 : i32 to index
        %get3A_351 = arith.index_cast %add3A_348 : i32 to index
        %get3A_352 = arith.constant 0 : index
        %get3A_353 = tpu.vector_load %arg7[%get3A_350, %get3A_351, %get3A_352] {strides = array<i32>} : memref<8x128x32xf32, #tpu.memory_space<vmem>>, vector<1x1x16xf32>,
        %get3A_354 = vector.shape_cast %get3A_353 : vector<1x1x16xf32> to vector<16xf32>
        %add3A_355 = arith.addf %get3A_354, %get3A_311 : vector<16xf32>
        %swap3A = arith.constant 6 : i32
        %swap3A_356 = arith.index_cast %swap3A : i32 to index
        %swap3A_357 = arith.index_cast %add3A_348 : i32 to index
        %swap3A_358 = arith.constant 0 : index
        %swap3A_359 = tpu.vector_load %arg7[%swap3A_356, %swap3A_357, %swap3A_358] {strides = array<i32>} : memref<8x128x32xf32, #tpu.memory_space<vmem>>, vector<1x1x16xf32>,
        %swap3A_360 = vector.shape_cast %swap3A_359 : vector<1x1x16xf32> to vector<16xf32>
        %swap3A_361 = vector.shape_cast %add3A_355 : vector<16xf32> to vector<1x1x16xf32>
        tpu.vector_store %arg7[%swap3A_356, %swap3A_357, %swap3A_358], %swap3A_361 {strides = array<i32>} : memref<8x128x32xf32, #tpu.memory_space<vmem>>, vector<1x1x16xf32>,
        %get3A_362 = arith.constant 6 : i32
        %get3A_363 = arith.index_cast %get3A_362 : i32 to index
        %get3A_364 = arith.index_cast %add3A_348 : i32 to index
        %get3A_365 = arith.constant 16 : index
        %get3A_366 = tpu.vector_load %arg7[%get3A_363, %get3A_364, %get3A_365] {strides = array<i32>} : memref<8x128x32xf32, #tpu.memory_space<vmem>>, vector<1x1x16xf32>,
        %get3A_367 = vector.shape_cast %get3A_366 : vector<1x1x16xf32> to vector<16xf32>
        %add3A_368 = arith.addf %get3A_367, %get3A_317 : vector<16xf32>
        %swap3A_369 = arith.constant 6 : i32
        %swap3A_370 = arith.index_cast %swap3A_369 : i32 to index
        %swap3A_371 = arith.index_cast %add3A_348 : i32 to index
        %swap3A_372 = arith.constant 16 : index
        %swap3A_373 = tpu.vector_load %arg7[%swap3A_370, %swap3A_371, %swap3A_372] {strides = array<i32>} : memref<8x128x32xf32, #tpu.memory_space<vmem>>, vector<1x1x16xf32>,
        %swap3A_374 = vector.shape_cast %swap3A_373 : vector<1x1x16xf32> to vector<16xf32>
        %swap3A_375 = vector.shape_cast %add3A_368 : vector<16xf32> to vector<1x1x16xf32>
        tpu.vector_store %arg7[%swap3A_370, %swap3A_371, %swap3A_372], %swap3A_375 {strides = array<i32>} : memref<8x128x32xf32, #tpu.memory_space<vmem>>, vector<1x1x16xf32>,
        %mul3A_376 = arith.constant 8 : i32
        %mul3A_377 = arith.muli %add3A_344, %mul3A_376 : i32
        %add3A_378 = arith.constant 1 : i32
        %add3A_379 = arith.addi %mul3A_377, %add3A_378 : i32
        %get3A_380 = arith.constant 6 : i32
        %get3A_381 = arith.index_cast %get3A_380 : i32 to index
        %get3A_382 = arith.index_cast %add3A_379 : i32 to index
        %get3A_383 = arith.constant 0 : index
        %get3A_384 = tpu.vector_load %arg7[%get3A_381, %get3A_382, %get3A_383] {strides = array<i32>} : memref<8x128x32xf32, #tpu.memory_space<vmem>>, vector<1x1x16xf32>,
        %get3A_385 = vector.shape_cast %get3A_384 : vector<1x1x16xf32> to vector<16xf32>
        %add3A_386 = arith.addf %get3A_385, %get3A_311 : vector<16xf32>
        %swap3A_387 = arith.constant 6 : i32
        %swap3A_388 = arith.index_cast %swap3A_387 : i32 to index
        %swap3A_389 = arith.index_cast %add3A_379 : i32 to index
        %swap3A_390 = arith.constant 0 : index
        %swap3A_391 = tpu.vector_load %arg7[%swap3A_388, %swap3A_389, %swap3A_390] {strides = array<i32>} : memref<8x128x32xf32, #tpu.memory_space<vmem>>, vector<1x1x16xf32>,
        %swap3A_392 = vector.shape_cast %swap3A_391 : vector<1x1x16xf32> to vector<16xf32>
        %swap3A_393 = vector.shape_cast %add3A_386 : vector<16xf32> to vector<1x1x16xf32>
        tpu.vector_store %arg7[%swap3A_388, %swap3A_389, %swap3A_390], %swap3A_393 {strides = array<i32>} : memref<8x128x32xf32, #tpu.memory_space<vmem>>, vector<1x1x16xf32>,
        %get3A_394 = arith.constant 6 : i32
        %get3A_395 = arith.index_cast %get3A_394 : i32 to index
        %get3A_396 = arith.index_cast %add3A_379 : i32 to index
        %get3A_397 = arith.constant 16 : index
        %get3A_398 = tpu.vector_load %arg7[%get3A_395, %get3A_396, %get3A_397] {strides = array<i32>} : memref<8x128x32xf32, #tpu.memory_space<vmem>>, vector<1x1x16xf32>,
        %get3A_399 = vector.shape_cast %get3A_398 : vector<1x1x16xf32> to vector<16xf32>
        %add3A_400 = arith.addf %get3A_399, %get3A_317 : vector<16xf32>
        %swap3A_401 = arith.constant 6 : i32
        %swap3A_402 = arith.index_cast %swap3A_401 : i32 to index
        %swap3A_403 = arith.index_cast %add3A_379 : i32 to index
        %swap3A_404 = arith.constant 16 : index
        %swap3A_405 = tpu.vector_load %arg7[%swap3A_402, %swap3A_403, %swap3A_404] {strides = array<i32>} : memref<8x128x32xf32, #tpu.memory_space<vmem>>, vector<1x1x16xf32>,
        %swap3A_406 = vector.shape_cast %swap3A_405 : vector<1x1x16xf32> to vector<16xf32>
        %swap3A_407 = vector.shape_cast %add3A_400 : vector<16xf32> to vector<1x1x16xf32>
        tpu.vector_store %arg7[%swap3A_402, %swap3A_403, %swap3A_404], %swap3A_407 {strides = array<i32>} : memref<8x128x32xf32, #tpu.memory_space<vmem>>, vector<1x1x16xf32>,
        %mul3A_408 = arith.constant 8 : i32
        %mul3A_409 = arith.muli %add3A_344, %mul3A_408 : i32
        %add3A_410 = arith.constant 2 : i32
        %add3A_411 = arith.addi %mul3A_409, %add3A_410 : i32
        %get3A_412 = arith.constant 6 : i32
        %get3A_413 = arith.index_cast %get3A_412 : i32 to index
        %get3A_414 = arith.index_cast %add3A_411 : i32 to index
        %get3A_415 = arith.constant 0 : index
        %get3A_416 = tpu.vector_load %arg7[%get3A_413, %get3A_414, %get3A_415] {strides = array<i32>} : memref<8x128x32xf32, #tpu.memory_space<vmem>>, vector<1x1x16xf32>,
        %get3A_417 = vector.shape_cast %get3A_416 : vector<1x1x16xf32> to vector<16xf32>
        %add3A_418 = arith.addf %get3A_417, %get3A_311 : vector<16xf32>
        %swap3A_419 = arith.constant 6 : i32
        %swap3A_420 = arith.index_cast %swap3A_419 : i32 to index
        %swap3A_421 = arith.index_cast %add3A_411 : i32 to index
        %swap3A_422 = arith.constant 0 : index
        %swap3A_423 = tpu.vector_load %arg7[%swap3A_420, %swap3A_421, %swap3A_422] {strides = array<i32>} : memref<8x128x32xf32, #tpu.memory_space<vmem>>, vector<1x1x16xf32>,
        %swap3A_424 = vector.shape_cast %swap3A_423 : vector<1x1x16xf32> to vector<16xf32>
        %swap3A_425 = vector.shape_cast %add3A_418 : vector<16xf32> to vector<1x1x16xf32>
        tpu.vector_store %arg7[%swap3A_420, %swap3A_421, %swap3A_422], %swap3A_425 {strides = array<i32>} : memref<8x128x32xf32, #tpu.memory_space<vmem>>, vector<1x1x16xf32>,
        %get3A_426 = arith.constant 6 : i32
        %get3A_427 = arith.index_cast %get3A_426 : i32 to index
        %get3A_428 = arith.index_cast %add3A_411 : i32 to index
        %get3A_429 = arith.constant 16 : index
        %get3A_430 = tpu.vector_load %arg7[%get3A_427, %get3A_428, %get3A_429] {strides = array<i32>} : memref<8x128x32xf32, #tpu.memory_space<vmem>>, vector<1x1x16xf32>,
        %get3A_431 = vector.shape_cast %get3A_430 : vector<1x1x16xf32> to vector<16xf32>
        %add3A_432 = arith.addf %get3A_431, %get3A_317 : vector<16xf32>
        %swap3A_433 = arith.constant 6 : i32
        %swap3A_434 = arith.index_cast %swap3A_433 : i32 to index
        %swap3A_435 = arith.index_cast %add3A_411 : i32 to index
        %swap3A_436 = arith.constant 16 : index
        %swap3A_437 = tpu.vector_load %arg7[%swap3A_434, %swap3A_435, %swap3A_436] {strides = array<i32>} : memref<8x128x32xf32, #tpu.memory_space<vmem>>, vector<1x1x16xf32>,
        %swap3A_438 = vector.shape_cast %swap3A_437 : vector<1x1x16xf32> to vector<16xf32>
        %swap3A_439 = vector.shape_cast %add3A_432 : vector<16xf32> to vector<1x1x16xf32>
        tpu.vector_store %arg7[%swap3A_434, %swap3A_435, %swap3A_436], %swap3A_439 {strides = array<i32>} : memref<8x128x32xf32, #tpu.memory_space<vmem>>, vector<1x1x16xf32>,
        %mul3A_440 = arith.constant 8 : i32
        %mul3A_441 = arith.muli %add3A_344, %mul3A_440 : i32
        %add3A_442 = arith.constant 3 : i32
        %add3A_443 = arith.addi %mul3A_441, %add3A_442 : i32
        %get3A_444 = arith.constant 6 : i32
        %get3A_445 = arith.index_cast %get3A_444 : i32 to index
        %get3A_446 = arith.index_cast %add3A_443 : i32 to index
        %get3A_447 = arith.constant 0 : index
        %get3A_448 = tpu.vector_load %arg7[%get3A_445, %get3A_446, %get3A_447] {strides = array<i32>} : memref<8x128x32xf32, #tpu.memory_space<vmem>>, vector<1x1x16xf32>,
        %get3A_449 = vector.shape_cast %get3A_448 : vector<1x1x16xf32> to vector<16xf32>
        %add3A_450 = arith.addf %get3A_449, %get3A_311 : vector<16xf32>
        %swap3A_451 = arith.constant 6 : i32
        %swap3A_452 = arith.index_cast %swap3A_451 : i32 to index
        %swap3A_453 = arith.index_cast %add3A_443 : i32 to index
        %swap3A_454 = arith.constant 0 : index
        %swap3A_455 = tpu.vector_load %arg7[%swap3A_452, %swap3A_453, %swap3A_454] {strides = array<i32>} : memref<8x128x32xf32, #tpu.memory_space<vmem>>, vector<1x1x16xf32>,
        %swap3A_456 = vector.shape_cast %swap3A_455 : vector<1x1x16xf32> to vector<16xf32>
        %swap3A_457 = vector.shape_cast %add3A_450 : vector<16xf32> to vector<1x1x16xf32>
        tpu.vector_store %arg7[%swap3A_452, %swap3A_453, %swap3A_454], %swap3A_457 {strides = array<i32>} : memref<8x128x32xf32, #tpu.memory_space<vmem>>, vector<1x1x16xf32>,
        %get3A_458 = arith.constant 6 : i32
        %get3A_459 = arith.index_cast %get3A_458 : i32 to index
        %get3A_460 = arith.index_cast %add3A_443 : i32 to index
        %get3A_461 = arith.constant 16 : index
        %get3A_462 = tpu.vector_load %arg7[%get3A_459, %get3A_460, %get3A_461] {strides = array<i32>} : memref<8x128x32xf32, #tpu.memory_space<vmem>>, vector<1x1x16xf32>,
        %get3A_463 = vector.shape_cast %get3A_462 : vector<1x1x16xf32> to vector<16xf32>
        %add3A_464 = arith.addf %get3A_463, %get3A_317 : vector<16xf32>
        %swap3A_465 = arith.constant 6 : i32
        %swap3A_466 = arith.index_cast %swap3A_465 : i32 to index
        %swap3A_467 = arith.index_cast %add3A_443 : i32 to index
        %swap3A_468 = arith.constant 16 : index
        %swap3A_469 = tpu.vector_load %arg7[%swap3A_466, %swap3A_467, %swap3A_468] {strides = array<i32>} : memref<8x128x32xf32, #tpu.memory_space<vmem>>, vector<1x1x16xf32>,
        %swap3A_470 = vector.shape_cast %swap3A_469 : vector<1x1x16xf32> to vector<16xf32>
        %swap3A_471 = vector.shape_cast %add3A_464 : vector<16xf32> to vector<1x1x16xf32>
        tpu.vector_store %arg7[%swap3A_466, %swap3A_467, %swap3A_468], %swap3A_471 {strides = array<i32>} : memref<8x128x32xf32, #tpu.memory_space<vmem>>, vector<1x1x16xf32>,
        %mul3A_472 = arith.constant 8 : i32
        %mul3A_473 = arith.muli %add3A_344, %mul3A_472 : i32
        %add3A_474 = arith.constant 4 : i32
        %add3A_475 = arith.addi %mul3A_473, %add3A_474 : i32
        %get3A_476 = arith.constant 6 : i32
        %get3A_477 = arith.index_cast %get3A_476 : i32 to index
        %get3A_478 = arith.index_cast %add3A_475 : i32 to index
        %get3A_479 = arith.constant 0 : index
        %get3A_480 = tpu.vector_load %arg7[%get3A_477, %get3A_478, %get3A_479] {strides = array<i32>} : memref<8x128x32xf32, #tpu.memory_space<vmem>>, vector<1x1x16xf32>,
        %get3A_481 = vector.shape_cast %get3A_480 : vector<1x1x16xf32> to vector<16xf32>
        %add3A_482 = arith.addf %get3A_481, %get3A_311 : vector<16xf32>
        %swap3A_483 = arith.constant 6 : i32
        %swap3A_484 = arith.index_cast %swap3A_483 : i32 to index
        %swap3A_485 = arith.index_cast %add3A_475 : i32 to index
        %swap3A_486 = arith.constant 0 : index
        %swap3A_487 = tpu.vector_load %arg7[%swap3A_484, %swap3A_485, %swap3A_486] {strides = array<i32>} : memref<8x128x32xf32, #tpu.memory_space<vmem>>, vector<1x1x16xf32>,
        %swap3A_488 = vector.shape_cast %swap3A_487 : vector<1x1x16xf32> to vector<16xf32>
        %swap3A_489 = vector.shape_cast %add3A_482 : vector<16xf32> to vector<1x1x16xf32>
        tpu.vector_store %arg7[%swap3A_484, %swap3A_485, %swap3A_486], %swap3A_489 {strides = array<i32>} : memref<8x128x32xf32, #tpu.memory_space<vmem>>, vector<1x1x16xf32>,
        %get3A_490 = arith.constant 6 : i32
        %get3A_491 = arith.index_cast %get3A_490 : i32 to index
        %get3A_492 = arith.index_cast %add3A_475 : i32 to index
        %get3A_493 = arith.constant 16 : index
        %get3A_494 = tpu.vector_load %arg7[%get3A_491, %get3A_492, %get3A_493] {strides = array<i32>} : memref<8x128x32xf32, #tpu.memory_space<vmem>>, vector<1x1x16xf32>,
        %get3A_495 = vector.shape_cast %get3A_494 : vector<1x1x16xf32> to vector<16xf32>
        %add3A_496 = arith.addf %get3A_495, %get3A_317 : vector<16xf32>
        %swap3A_497 = arith.constant 6 : i32
        %swap3A_498 = arith.index_cast %swap3A_497 : i32 to index
        %swap3A_499 = arith.index_cast %add3A_475 : i32 to index
        %swap3A_500 = arith.constant 16 : index
        %swap3A_501 = tpu.vector_load %arg7[%swap3A_498, %swap3A_499, %swap3A_500] {strides = array<i32>} : memref<8x128x32xf32, #tpu.memory_space<vmem>>, vector<1x1x16xf32>,
        %swap3A_502 = vector.shape_cast %swap3A_501 : vector<1x1x16xf32> to vector<16xf32>
        %swap3A_503 = vector.shape_cast %add3A_496 : vector<16xf32> to vector<1x1x16xf32>
        tpu.vector_store %arg7[%swap3A_498, %swap3A_499, %swap3A_500], %swap3A_503 {strides = array<i32>} : memref<8x128x32xf32, #tpu.memory_space<vmem>>, vector<1x1x16xf32>,
        %mul3A_504 = arith.constant 8 : i32
        %mul3A_505 = arith.muli %add3A_344, %mul3A_504 : i32
        %add3A_506 = arith.constant 5 : i32
        %add3A_507 = arith.addi %mul3A_505, %add3A_506 : i32
        %get3A_508 = arith.constant 6 : i32
        %get3A_509 = arith.index_cast %get3A_508 : i32 to index
        %get3A_510 = arith.index_cast %add3A_507 : i32 to index
        %get3A_511 = arith.constant 0 : index
        %get3A_512 = tpu.vector_load %arg7[%get3A_509, %get3A_510, %get3A_511] {strides = array<i32>} : memref<8x128x32xf32, #tpu.memory_space<vmem>>, vector<1x1x16xf32>,
        %get3A_513 = vector.shape_cast %get3A_512 : vector<1x1x16xf32> to vector<16xf32>
        %add3A_514 = arith.addf %get3A_513, %get3A_311 : vector<16xf32>
        %swap3A_515 = arith.constant 6 : i32
        %swap3A_516 = arith.index_cast %swap3A_515 : i32 to index
        %swap3A_517 = arith.index_cast %add3A_507 : i32 to index
        %swap3A_518 = arith.constant 0 : index
        %swap3A_519 = tpu.vector_load %arg7[%swap3A_516, %swap3A_517, %swap3A_518] {strides = array<i32>} : memref<8x128x32xf32, #tpu.memory_space<vmem>>, vector<1x1x16xf32>,
        %swap3A_520 = vector.shape_cast %swap3A_519 : vector<1x1x16xf32> to vector<16xf32>
        %swap3A_521 = vector.shape_cast %add3A_514 : vector<16xf32> to vector<1x1x16xf32>
        tpu.vector_store %arg7[%swap3A_516, %swap3A_517, %swap3A_518], %swap3A_521 {strides = array<i32>} : memref<8x128x32xf32, #tpu.memory_space<vmem>>, vector<1x1x16xf32>,
        %get3A_522 = arith.constant 6 : i32
        %get3A_523 = arith.index_cast %get3A_522 : i32 to index
        %get3A_524 = arith.index_cast %add3A_507 : i32 to index
        %get3A_525 = arith.constant 16 : index
        %get3A_526 = tpu.vector_load %arg7[%get3A_523, %get3A_524, %get3A_525] {strides = array<i32>} : memref<8x128x32xf32, #tpu.memory_space<vmem>>, vector<1x1x16xf32>,
        %get3A_527 = vector.shape_cast %get3A_526 : vector<1x1x16xf32> to vector<16xf32>
        %add3A_528 = arith.addf %get3A_527, %get3A_317 : vector<16xf32>
        %swap3A_529 = arith.constant 6 : i32
        %swap3A_530 = arith.index_cast %swap3A_529 : i32 to index
        %swap3A_531 = arith.index_cast %add3A_507 : i32 to index
        %swap3A_532 = arith.constant 16 : index
        %swap3A_533 = tpu.vector_load %arg7[%swap3A_530, %swap3A_531, %swap3A_532] {strides = array<i32>} : memref<8x128x32xf32, #tpu.memory_space<vmem>>, vector<1x1x16xf32>,
        %swap3A_534 = vector.shape_cast %swap3A_533 : vector<1x1x16xf32> to vector<16xf32>
        %swap3A_535 = vector.shape_cast %add3A_528 : vector<16xf32> to vector<1x1x16xf32>
        tpu.vector_store %arg7[%swap3A_530, %swap3A_531, %swap3A_532], %swap3A_535 {strides = array<i32>} : memref<8x128x32xf32, #tpu.memory_space<vmem>>, vector<1x1x16xf32>,
        %mul3A_536 = arith.constant 8 : i32
        %mul3A_537 = arith.muli %add3A_344, %mul3A_536 : i32
        %add3A_538 = arith.constant 6 : i32
        %add3A_539 = arith.addi %mul3A_537, %add3A_538 : i32
        %get3A_540 = arith.constant 6 : i32
        %get3A_541 = arith.index_cast %get3A_540 : i32 to index
        %get3A_542 = arith.index_cast %add3A_539 : i32 to index
        %get3A_543 = arith.constant 0 : index
        %get3A_544 = tpu.vector_load %arg7[%get3A_541, %get3A_542, %get3A_543] {strides = array<i32>} : memref<8x128x32xf32, #tpu.memory_space<vmem>>, vector<1x1x16xf32>,
        %get3A_545 = vector.shape_cast %get3A_544 : vector<1x1x16xf32> to vector<16xf32>
        %add3A_546 = arith.addf %get3A_545, %get3A_311 : vector<16xf32>
        %swap3A_547 = arith.constant 6 : i32
        %swap3A_548 = arith.index_cast %swap3A_547 : i32 to index
        %swap3A_549 = arith.index_cast %add3A_539 : i32 to index
        %swap3A_550 = arith.constant 0 : index
        %swap3A_551 = tpu.vector_load %arg7[%swap3A_548, %swap3A_549, %swap3A_550] {strides = array<i32>} : memref<8x128x32xf32, #tpu.memory_space<vmem>>, vector<1x1x16xf32>,
        %swap3A_552 = vector.shape_cast %swap3A_551 : vector<1x1x16xf32> to vector<16xf32>
        %swap3A_553 = vector.shape_cast %add3A_546 : vector<16xf32> to vector<1x1x16xf32>
        tpu.vector_store %arg7[%swap3A_548, %swap3A_549, %swap3A_550], %swap3A_553 {strides = array<i32>} : memref<8x128x32xf32, #tpu.memory_space<vmem>>, vector<1x1x16xf32>,
        %get3A_554 = arith.constant 6 : i32
        %get3A_555 = arith.index_cast %get3A_554 : i32 to index
        %get3A_556 = arith.index_cast %add3A_539 : i32 to index
        %get3A_557 = arith.constant 16 : index
        %get3A_558 = tpu.vector_load %arg7[%get3A_555, %get3A_556, %get3A_557] {strides = array<i32>} : memref<8x128x32xf32, #tpu.memory_space<vmem>>, vector<1x1x16xf32>,
        %get3A_559 = vector.shape_cast %get3A_558 : vector<1x1x16xf32> to vector<16xf32>
        %add3A_560 = arith.addf %get3A_559, %get3A_317 : vector<16xf32>
        %swap3A_561 = arith.constant 6 : i32
        %swap3A_562 = arith.index_cast %swap3A_561 : i32 to index
        %swap3A_563 = arith.index_cast %add3A_539 : i32 to index
        %swap3A_564 = arith.constant 16 : index
        %swap3A_565 = tpu.vector_load %arg7[%swap3A_562, %swap3A_563, %swap3A_564] {strides = array<i32>} : memref<8x128x32xf32, #tpu.memory_space<vmem>>, vector<1x1x16xf32>,
        %swap3A_566 = vector.shape_cast %swap3A_565 : vector<1x1x16xf32> to vector<16xf32>
        %swap3A_567 = vector.shape_cast %add3A_560 : vector<16xf32> to vector<1x1x16xf32>
        tpu.vector_store %arg7[%swap3A_562, %swap3A_563, %swap3A_564], %swap3A_567 {strides = array<i32>} : memref<8x128x32xf32, #tpu.memory_space<vmem>>, vector<1x1x16xf32>,
        %mul3A_568 = arith.constant 8 : i32
        %mul3A_569 = arith.muli %add3A_344, %mul3A_568 : i32
        %add3A_570 = arith.constant 7 : i32
        %add3A_571 = arith.addi %mul3A_569, %add3A_570 : i32
        %get3A_572 = arith.constant 6 : i32
        %get3A_573 = arith.index_cast %get3A_572 : i32 to index
        %get3A_574 = arith.index_cast %add3A_571 : i32 to index
        %get3A_575 = arith.constant 0 : index
        %get3A_576 = tpu.vector_load %arg7[%get3A_573, %get3A_574, %get3A_575] {strides = array<i32>} : memref<8x128x32xf32, #tpu.memory_space<vmem>>, vector<1x1x16xf32>,
        %get3A_577 = vector.shape_cast %get3A_576 : vector<1x1x16xf32> to vector<16xf32>
        %add3A_578 = arith.addf %get3A_577, %get3A_311 : vector<16xf32>
        %swap3A_579 = arith.constant 6 : i32
        %swap3A_580 = arith.index_cast %swap3A_579 : i32 to index
        %swap3A_581 = arith.index_cast %add3A_571 : i32 to index
        %swap3A_582 = arith.constant 0 : index
        %swap3A_583 = tpu.vector_load %arg7[%swap3A_580, %swap3A_581, %swap3A_582] {strides = array<i32>} : memref<8x128x32xf32, #tpu.memory_space<vmem>>, vector<1x1x16xf32>,
        %swap3A_584 = vector.shape_cast %swap3A_583 : vector<1x1x16xf32> to vector<16xf32>
        %swap3A_585 = vector.shape_cast %add3A_578 : vector<16xf32> to vector<1x1x16xf32>
        tpu.vector_store %arg7[%swap3A_580, %swap3A_581, %swap3A_582], %swap3A_585 {strides = array<i32>} : memref<8x128x32xf32, #tpu.memory_space<vmem>>, vector<1x1x16xf32>,
        %get3A_586 = arith.constant 6 : i32
        %get3A_587 = arith.index_cast %get3A_586 : i32 to index
        %get3A_588 = arith.index_cast %add3A_571 : i32 to index
        %get3A_589 = arith.constant 16 : index
        %get3A_590 = tpu.vector_load %arg7[%get3A_587, %get3A_588, %get3A_589] {strides = array<i32>} : memref<8x128x32xf32, #tpu.memory_space<vmem>>, vector<1x1x16xf32>,
        %get3A_591 = vector.shape_cast %get3A_590 : vector<1x1x16xf32> to vector<16xf32>
        %add3A_592 = arith.addf %get3A_591, %get3A_317 : vector<16xf32>
        %swap3A_593 = arith.constant 6 : i32
        %swap3A_594 = arith.index_cast %swap3A_593 : i32 to index
        %swap3A_595 = arith.index_cast %add3A_571 : i32 to index
        %swap3A_596 = arith.constant 16 : index
        %swap3A_597 = tpu.vector_load %arg7[%swap3A_594, %swap3A_595, %swap3A_596] {strides = array<i32>} : memref<8x128x32xf32, #tpu.memory_space<vmem>>, vector<1x1x16xf32>,
        %swap3A_598 = vector.shape_cast %swap3A_597 : vector<1x1x16xf32> to vector<16xf32>
        %swap3A_599 = vector.shape_cast %add3A_592 : vector<16xf32> to vector<1x1x16xf32>
        tpu.vector_store %arg7[%swap3A_594, %swap3A_595, %swap3A_596], %swap3A_599 {strides = array<i32>} : memref<8x128x32xf32, #tpu.memory_space<vmem>>, vector<1x1x16xf32>,
      }
      %scan3A_322 = arith.constant 16 : i32
      %add3A_323 = arith.constant 7 : i32
      %add3A_324 = arith.addi %multiple_of3A_14, %add3A_323 : i32
      %get3A_325 = arith.index_cast %add3A_324 : i32 to index
      %get3A_326 = arith.constant 0 : index
      %get3A_327 = tpu.vector_load %arg8[%get3A_325, %get3A_326] {strides = array<i32>} : memref<200x32xf32, #tpu.memory_space<vmem>>, vector<1x16xf32>,
      %get3A_328 = vector.shape_cast %get3A_327 : vector<1x16xf32> to vector<16xf32>
      %add3A_329 = arith.constant 7 : i32
      %add3A_330 = arith.addi %multiple_of3A_14, %add3A_329 : i32
      %get3A_331 = arith.index_cast %add3A_330 : i32 to index
      %get3A_332 = arith.constant 16 : index
      %get3A_333 = tpu.vector_load %arg8[%get3A_331, %get3A_332] {strides = array<i32>} : memref<200x32xf32, #tpu.memory_space<vmem>>, vector<1x16xf32>,
      %get3A_334 = vector.shape_cast %get3A_333 : vector<1x16xf32> to vector<16xf32>
      %scan3A_335 = arith.constant 0 : i32
      %scan3A_336 = arith.constant 16 : i32
      %scan3A_337 = arith.addi %scan3A_335, %scan3A_336 : i32
      %scan3A_338 = arith.constant 1 : i32
      scf.for %scan3A_340 = %scan3A_335 to %scan3A_337 step %scan3A_338  : i32 {
        %mul3A_341 = arith.constant 1 : i32
        %mul3A_342 = arith.muli %scan3A_340, %mul3A_341 : i32
        %add3A_343 = arith.constant 0 : i32
        %add3A_344 = arith.addi %add3A_343, %mul3A_342 : i32
        %mul3A_345 = arith.constant 8 : i32
        %mul3A_346 = arith.muli %add3A_344, %mul3A_345 : i32
        %add3A_347 = arith.constant 0 : i32
        %add3A_348 = arith.addi %mul3A_346, %add3A_347 : i32
        %get3A_349 = arith.constant 7 : i32
        %get3A_350 = arith.index_cast %get3A_349 : i32 to index
        %get3A_351 = arith.index_cast %add3A_348 : i32 to index
        %get3A_352 = arith.constant 0 : index
        %get3A_353 = tpu.vector_load %arg7[%get3A_350, %get3A_351, %get3A_352] {strides = array<i32>} : memref<8x128x32xf32, #tpu.memory_space<vmem>>, vector<1x1x16xf32>,
        %get3A_354 = vector.shape_cast %get3A_353 : vector<1x1x16xf32> to vector<16xf32>
        %add3A_355 = arith.addf %get3A_354, %get3A_328 : vector<16xf32>
        %swap3A = arith.constant 7 : i32
        %swap3A_356 = arith.index_cast %swap3A : i32 to index
        %swap3A_357 = arith.index_cast %add3A_348 : i32 to index
        %swap3A_358 = arith.constant 0 : index
        %swap3A_359 = tpu.vector_load %arg7[%swap3A_356, %swap3A_357, %swap3A_358] {strides = array<i32>} : memref<8x128x32xf32, #tpu.memory_space<vmem>>, vector<1x1x16xf32>,
        %swap3A_360 = vector.shape_cast %swap3A_359 : vector<1x1x16xf32> to vector<16xf32>
        %swap3A_361 = vector.shape_cast %add3A_355 : vector<16xf32> to vector<1x1x16xf32>
        tpu.vector_store %arg7[%swap3A_356, %swap3A_357, %swap3A_358], %swap3A_361 {strides = array<i32>} : memref<8x128x32xf32, #tpu.memory_space<vmem>>, vector<1x1x16xf32>,
        %get3A_362 = arith.constant 7 : i32
        %get3A_363 = arith.index_cast %get3A_362 : i32 to index
        %get3A_364 = arith.index_cast %add3A_348 : i32 to index
        %get3A_365 = arith.constant 16 : index
        %get3A_366 = tpu.vector_load %arg7[%get3A_363, %get3A_364, %get3A_365] {strides = array<i32>} : memref<8x128x32xf32, #tpu.memory_space<vmem>>, vector<1x1x16xf32>,
        %get3A_367 = vector.shape_cast %get3A_366 : vector<1x1x16xf32> to vector<16xf32>
        %add3A_368 = arith.addf %get3A_367, %get3A_334 : vector<16xf32>
        %swap3A_369 = arith.constant 7 : i32
        %swap3A_370 = arith.index_cast %swap3A_369 : i32 to index
        %swap3A_371 = arith.index_cast %add3A_348 : i32 to index
        %swap3A_372 = arith.constant 16 : index
        %swap3A_373 = tpu.vector_load %arg7[%swap3A_370, %swap3A_371, %swap3A_372] {strides = array<i32>} : memref<8x128x32xf32, #tpu.memory_space<vmem>>, vector<1x1x16xf32>,
        %swap3A_374 = vector.shape_cast %swap3A_373 : vector<1x1x16xf32> to vector<16xf32>
        %swap3A_375 = vector.shape_cast %add3A_368 : vector<16xf32> to vector<1x1x16xf32>
        tpu.vector_store %arg7[%swap3A_370, %swap3A_371, %swap3A_372], %swap3A_375 {strides = array<i32>} : memref<8x128x32xf32, #tpu.memory_space<vmem>>, vector<1x1x16xf32>,
        %mul3A_376 = arith.constant 8 : i32
        %mul3A_377 = arith.muli %add3A_344, %mul3A_376 : i32
        %add3A_378 = arith.constant 1 : i32
        %add3A_379 = arith.addi %mul3A_377, %add3A_378 : i32
        %get3A_380 = arith.constant 7 : i32
        %get3A_381 = arith.index_cast %get3A_380 : i32 to index
        %get3A_382 = arith.index_cast %add3A_379 : i32 to index
        %get3A_383 = arith.constant 0 : index
        %get3A_384 = tpu.vector_load %arg7[%get3A_381, %get3A_382, %get3A_383] {strides = array<i32>} : memref<8x128x32xf32, #tpu.memory_space<vmem>>, vector<1x1x16xf32>,
        %get3A_385 = vector.shape_cast %get3A_384 : vector<1x1x16xf32> to vector<16xf32>
        %add3A_386 = arith.addf %get3A_385, %get3A_328 : vector<16xf32>
        %swap3A_387 = arith.constant 7 : i32
        %swap3A_388 = arith.index_cast %swap3A_387 : i32 to index
        %swap3A_389 = arith.index_cast %add3A_379 : i32 to index
        %swap3A_390 = arith.constant 0 : index
        %swap3A_391 = tpu.vector_load %arg7[%swap3A_388, %swap3A_389, %swap3A_390] {strides = array<i32>} : memref<8x128x32xf32, #tpu.memory_space<vmem>>, vector<1x1x16xf32>,
        %swap3A_392 = vector.shape_cast %swap3A_391 : vector<1x1x16xf32> to vector<16xf32>
        %swap3A_393 = vector.shape_cast %add3A_386 : vector<16xf32> to vector<1x1x16xf32>
        tpu.vector_store %arg7[%swap3A_388, %swap3A_389, %swap3A_390], %swap3A_393 {strides = array<i32>} : memref<8x128x32xf32, #tpu.memory_space<vmem>>, vector<1x1x16xf32>,
        %get3A_394 = arith.constant 7 : i32
        %get3A_395 = arith.index_cast %get3A_394 : i32 to index
        %get3A_396 = arith.index_cast %add3A_379 : i32 to index
        %get3A_397 = arith.constant 16 : index
        %get3A_398 = tpu.vector_load %arg7[%get3A_395, %get3A_396, %get3A_397] {strides = array<i32>} : memref<8x128x32xf32, #tpu.memory_space<vmem>>, vector<1x1x16xf32>,
        %get3A_399 = vector.shape_cast %get3A_398 : vector<1x1x16xf32> to vector<16xf32>
        %add3A_400 = arith.addf %get3A_399, %get3A_334 : vector<16xf32>
        %swap3A_401 = arith.constant 7 : i32
        %swap3A_402 = arith.index_cast %swap3A_401 : i32 to index
        %swap3A_403 = arith.index_cast %add3A_379 : i32 to index
        %swap3A_404 = arith.constant 16 : index
        %swap3A_405 = tpu.vector_load %arg7[%swap3A_402, %swap3A_403, %swap3A_404] {strides = array<i32>} : memref<8x128x32xf32, #tpu.memory_space<vmem>>, vector<1x1x16xf32>,
        %swap3A_406 = vector.shape_cast %swap3A_405 : vector<1x1x16xf32> to vector<16xf32>
        %swap3A_407 = vector.shape_cast %add3A_400 : vector<16xf32> to vector<1x1x16xf32>
        tpu.vector_store %arg7[%swap3A_402, %swap3A_403, %swap3A_404], %swap3A_407 {strides = array<i32>} : memref<8x128x32xf32, #tpu.memory_space<vmem>>, vector<1x1x16xf32>,
        %mul3A_408 = arith.constant 8 : i32
        %mul3A_409 = arith.muli %add3A_344, %mul3A_408 : i32
        %add3A_410 = arith.constant 2 : i32
        %add3A_411 = arith.addi %mul3A_409, %add3A_410 : i32
        %get3A_412 = arith.constant 7 : i32
        %get3A_413 = arith.index_cast %get3A_412 : i32 to index
        %get3A_414 = arith.index_cast %add3A_411 : i32 to index
        %get3A_415 = arith.constant 0 : index
        %get3A_416 = tpu.vector_load %arg7[%get3A_413, %get3A_414, %get3A_415] {strides = array<i32>} : memref<8x128x32xf32, #tpu.memory_space<vmem>>, vector<1x1x16xf32>,
        %get3A_417 = vector.shape_cast %get3A_416 : vector<1x1x16xf32> to vector<16xf32>
        %add3A_418 = arith.addf %get3A_417, %get3A_328 : vector<16xf32>
        %swap3A_419 = arith.constant 7 : i32
        %swap3A_420 = arith.index_cast %swap3A_419 : i32 to index
        %swap3A_421 = arith.index_cast %add3A_411 : i32 to index
        %swap3A_422 = arith.constant 0 : index
        %swap3A_423 = tpu.vector_load %arg7[%swap3A_420, %swap3A_421, %swap3A_422] {strides = array<i32>} : memref<8x128x32xf32, #tpu.memory_space<vmem>>, vector<1x1x16xf32>,
        %swap3A_424 = vector.shape_cast %swap3A_423 : vector<1x1x16xf32> to vector<16xf32>
        %swap3A_425 = vector.shape_cast %add3A_418 : vector<16xf32> to vector<1x1x16xf32>
        tpu.vector_store %arg7[%swap3A_420, %swap3A_421, %swap3A_422], %swap3A_425 {strides = array<i32>} : memref<8x128x32xf32, #tpu.memory_space<vmem>>, vector<1x1x16xf32>,
        %get3A_426 = arith.constant 7 : i32
        %get3A_427 = arith.index_cast %get3A_426 : i32 to index
        %get3A_428 = arith.index_cast %add3A_411 : i32 to index
        %get3A_429 = arith.constant 16 : index
        %get3A_430 = tpu.vector_load %arg7[%get3A_427, %get3A_428, %get3A_429] {strides = array<i32>} : memref<8x128x32xf32, #tpu.memory_space<vmem>>, vector<1x1x16xf32>,
        %get3A_431 = vector.shape_cast %get3A_430 : vector<1x1x16xf32> to vector<16xf32>
        %add3A_432 = arith.addf %get3A_431, %get3A_334 : vector<16xf32>
        %swap3A_433 = arith.constant 7 : i32
        %swap3A_434 = arith.index_cast %swap3A_433 : i32 to index
        %swap3A_435 = arith.index_cast %add3A_411 : i32 to index
        %swap3A_436 = arith.constant 16 : index
        %swap3A_437 = tpu.vector_load %arg7[%swap3A_434, %swap3A_435, %swap3A_436] {strides = array<i32>} : memref<8x128x32xf32, #tpu.memory_space<vmem>>, vector<1x1x16xf32>,
        %swap3A_438 = vector.shape_cast %swap3A_437 : vector<1x1x16xf32> to vector<16xf32>
        %swap3A_439 = vector.shape_cast %add3A_432 : vector<16xf32> to vector<1x1x16xf32>
        tpu.vector_store %arg7[%swap3A_434, %swap3A_435, %swap3A_436], %swap3A_439 {strides = array<i32>} : memref<8x128x32xf32, #tpu.memory_space<vmem>>, vector<1x1x16xf32>,
        %mul3A_440 = arith.constant 8 : i32
        %mul3A_441 = arith.muli %add3A_344, %mul3A_440 : i32
        %add3A_442 = arith.constant 3 : i32
        %add3A_443 = arith.addi %mul3A_441, %add3A_442 : i32
        %get3A_444 = arith.constant 7 : i32
        %get3A_445 = arith.index_cast %get3A_444 : i32 to index
        %get3A_446 = arith.index_cast %add3A_443 : i32 to index
        %get3A_447 = arith.constant 0 : index
        %get3A_448 = tpu.vector_load %arg7[%get3A_445, %get3A_446, %get3A_447] {strides = array<i32>} : memref<8x128x32xf32, #tpu.memory_space<vmem>>, vector<1x1x16xf32>,
        %get3A_449 = vector.shape_cast %get3A_448 : vector<1x1x16xf32> to vector<16xf32>
        %add3A_450 = arith.addf %get3A_449, %get3A_328 : vector<16xf32>
        %swap3A_451 = arith.constant 7 : i32
        %swap3A_452 = arith.index_cast %swap3A_451 : i32 to index
        %swap3A_453 = arith.index_cast %add3A_443 : i32 to index
        %swap3A_454 = arith.constant 0 : index
        %swap3A_455 = tpu.vector_load %arg7[%swap3A_452, %swap3A_453, %swap3A_454] {strides = array<i32>} : memref<8x128x32xf32, #tpu.memory_space<vmem>>, vector<1x1x16xf32>,
        %swap3A_456 = vector.shape_cast %swap3A_455 : vector<1x1x16xf32> to vector<16xf32>
        %swap3A_457 = vector.shape_cast %add3A_450 : vector<16xf32> to vector<1x1x16xf32>
        tpu.vector_store %arg7[%swap3A_452, %swap3A_453, %swap3A_454], %swap3A_457 {strides = array<i32>} : memref<8x128x32xf32, #tpu.memory_space<vmem>>, vector<1x1x16xf32>,
        %get3A_458 = arith.constant 7 : i32
        %get3A_459 = arith.index_cast %get3A_458 : i32 to index
        %get3A_460 = arith.index_cast %add3A_443 : i32 to index
        %get3A_461 = arith.constant 16 : index
        %get3A_462 = tpu.vector_load %arg7[%get3A_459, %get3A_460, %get3A_461] {strides = array<i32>} : memref<8x128x32xf32, #tpu.memory_space<vmem>>, vector<1x1x16xf32>,
        %get3A_463 = vector.shape_cast %get3A_462 : vector<1x1x16xf32> to vector<16xf32>
        %add3A_464 = arith.addf %get3A_463, %get3A_334 : vector<16xf32>
        %swap3A_465 = arith.constant 7 : i32
        %swap3A_466 = arith.index_cast %swap3A_465 : i32 to index
        %swap3A_467 = arith.index_cast %add3A_443 : i32 to index
        %swap3A_468 = arith.constant 16 : index
        %swap3A_469 = tpu.vector_load %arg7[%swap3A_466, %swap3A_467, %swap3A_468] {strides = array<i32>} : memref<8x128x32xf32, #tpu.memory_space<vmem>>, vector<1x1x16xf32>,
        %swap3A_470 = vector.shape_cast %swap3A_469 : vector<1x1x16xf32> to vector<16xf32>
        %swap3A_471 = vector.shape_cast %add3A_464 : vector<16xf32> to vector<1x1x16xf32>
        tpu.vector_store %arg7[%swap3A_466, %swap3A_467, %swap3A_468], %swap3A_471 {strides = array<i32>} : memref<8x128x32xf32, #tpu.memory_space<vmem>>, vector<1x1x16xf32>,
        %mul3A_472 = arith.constant 8 : i32
        %mul3A_473 = arith.muli %add3A_344, %mul3A_472 : i32
        %add3A_474 = arith.constant 4 : i32
        %add3A_475 = arith.addi %mul3A_473, %add3A_474 : i32
        %get3A_476 = arith.constant 7 : i32
        %get3A_477 = arith.index_cast %get3A_476 : i32 to index
        %get3A_478 = arith.index_cast %add3A_475 : i32 to index
        %get3A_479 = arith.constant 0 : index
        %get3A_480 = tpu.vector_load %arg7[%get3A_477, %get3A_478, %get3A_479] {strides = array<i32>} : memref<8x128x32xf32, #tpu.memory_space<vmem>>, vector<1x1x16xf32>,
        %get3A_481 = vector.shape_cast %get3A_480 : vector<1x1x16xf32> to vector<16xf32>
        %add3A_482 = arith.addf %get3A_481, %get3A_328 : vector<16xf32>
        %swap3A_483 = arith.constant 7 : i32
        %swap3A_484 = arith.index_cast %swap3A_483 : i32 to index
        %swap3A_485 = arith.index_cast %add3A_475 : i32 to index
        %swap3A_486 = arith.constant 0 : index
        %swap3A_487 = tpu.vector_load %arg7[%swap3A_484, %swap3A_485, %swap3A_486] {strides = array<i32>} : memref<8x128x32xf32, #tpu.memory_space<vmem>>, vector<1x1x16xf32>,
        %swap3A_488 = vector.shape_cast %swap3A_487 : vector<1x1x16xf32> to vector<16xf32>
        %swap3A_489 = vector.shape_cast %add3A_482 : vector<16xf32> to vector<1x1x16xf32>
        tpu.vector_store %arg7[%swap3A_484, %swap3A_485, %swap3A_486], %swap3A_489 {strides = array<i32>} : memref<8x128x32xf32, #tpu.memory_space<vmem>>, vector<1x1x16xf32>,
        %get3A_490 = arith.constant 7 : i32
        %get3A_491 = arith.index_cast %get3A_490 : i32 to index
        %get3A_492 = arith.index_cast %add3A_475 : i32 to index
        %get3A_493 = arith.constant 16 : index
        %get3A_494 = tpu.vector_load %arg7[%get3A_491, %get3A_492, %get3A_493] {strides = array<i32>} : memref<8x128x32xf32, #tpu.memory_space<vmem>>, vector<1x1x16xf32>,
        %get3A_495 = vector.shape_cast %get3A_494 : vector<1x1x16xf32> to vector<16xf32>
        %add3A_496 = arith.addf %get3A_495, %get3A_334 : vector<16xf32>
        %swap3A_497 = arith.constant 7 : i32
        %swap3A_498 = arith.index_cast %swap3A_497 : i32 to index
        %swap3A_499 = arith.index_cast %add3A_475 : i32 to index
        %swap3A_500 = arith.constant 16 : index
        %swap3A_501 = tpu.vector_load %arg7[%swap3A_498, %swap3A_499, %swap3A_500] {strides = array<i32>} : memref<8x128x32xf32, #tpu.memory_space<vmem>>, vector<1x1x16xf32>,
        %swap3A_502 = vector.shape_cast %swap3A_501 : vector<1x1x16xf32> to vector<16xf32>
        %swap3A_503 = vector.shape_cast %add3A_496 : vector<16xf32> to vector<1x1x16xf32>
        tpu.vector_store %arg7[%swap3A_498, %swap3A_499, %swap3A_500], %swap3A_503 {strides = array<i32>} : memref<8x128x32xf32, #tpu.memory_space<vmem>>, vector<1x1x16xf32>,
        %mul3A_504 = arith.constant 8 : i32
        %mul3A_505 = arith.muli %add3A_344, %mul3A_504 : i32
        %add3A_506 = arith.constant 5 : i32
        %add3A_507 = arith.addi %mul3A_505, %add3A_506 : i32
        %get3A_508 = arith.constant 7 : i32
        %get3A_509 = arith.index_cast %get3A_508 : i32 to index
        %get3A_510 = arith.index_cast %add3A_507 : i32 to index
        %get3A_511 = arith.constant 0 : index
        %get3A_512 = tpu.vector_load %arg7[%get3A_509, %get3A_510, %get3A_511] {strides = array<i32>} : memref<8x128x32xf32, #tpu.memory_space<vmem>>, vector<1x1x16xf32>,
        %get3A_513 = vector.shape_cast %get3A_512 : vector<1x1x16xf32> to vector<16xf32>
        %add3A_514 = arith.addf %get3A_513, %get3A_328 : vector<16xf32>
        %swap3A_515 = arith.constant 7 : i32
        %swap3A_516 = arith.index_cast %swap3A_515 : i32 to index
        %swap3A_517 = arith.index_cast %add3A_507 : i32 to index
        %swap3A_518 = arith.constant 0 : index
        %swap3A_519 = tpu.vector_load %arg7[%swap3A_516, %swap3A_517, %swap3A_518] {strides = array<i32>} : memref<8x128x32xf32, #tpu.memory_space<vmem>>, vector<1x1x16xf32>,
        %swap3A_520 = vector.shape_cast %swap3A_519 : vector<1x1x16xf32> to vector<16xf32>
        %swap3A_521 = vector.shape_cast %add3A_514 : vector<16xf32> to vector<1x1x16xf32>
        tpu.vector_store %arg7[%swap3A_516, %swap3A_517, %swap3A_518], %swap3A_521 {strides = array<i32>} : memref<8x128x32xf32, #tpu.memory_space<vmem>>, vector<1x1x16xf32>,
        %get3A_522 = arith.constant 7 : i32
        %get3A_523 = arith.index_cast %get3A_522 : i32 to index
        %get3A_524 = arith.index_cast %add3A_507 : i32 to index
        %get3A_525 = arith.constant 16 : index
        %get3A_526 = tpu.vector_load %arg7[%get3A_523, %get3A_524, %get3A_525] {strides = array<i32>} : memref<8x128x32xf32, #tpu.memory_space<vmem>>, vector<1x1x16xf32>,
        %get3A_527 = vector.shape_cast %get3A_526 : vector<1x1x16xf32> to vector<16xf32>
        %add3A_528 = arith.addf %get3A_527, %get3A_334 : vector<16xf32>
        %swap3A_529 = arith.constant 7 : i32
        %swap3A_530 = arith.index_cast %swap3A_529 : i32 to index
        %swap3A_531 = arith.index_cast %add3A_507 : i32 to index
        %swap3A_532 = arith.constant 16 : index
        %swap3A_533 = tpu.vector_load %arg7[%swap3A_530, %swap3A_531, %swap3A_532] {strides = array<i32>} : memref<8x128x32xf32, #tpu.memory_space<vmem>>, vector<1x1x16xf32>,
        %swap3A_534 = vector.shape_cast %swap3A_533 : vector<1x1x16xf32> to vector<16xf32>
        %swap3A_535 = vector.shape_cast %add3A_528 : vector<16xf32> to vector<1x1x16xf32>
        tpu.vector_store %arg7[%swap3A_530, %swap3A_531, %swap3A_532], %swap3A_535 {strides = array<i32>} : memref<8x128x32xf32, #tpu.memory_space<vmem>>, vector<1x1x16xf32>,
        %mul3A_536 = arith.constant 8 : i32
        %mul3A_537 = arith.muli %add3A_344, %mul3A_536 : i32
        %add3A_538 = arith.constant 6 : i32
        %add3A_539 = arith.addi %mul3A_537, %add3A_538 : i32
        %get3A_540 = arith.constant 7 : i32
        %get3A_541 = arith.index_cast %get3A_540 : i32 to index
        %get3A_542 = arith.index_cast %add3A_539 : i32 to index
        %get3A_543 = arith.constant 0 : index
        %get3A_544 = tpu.vector_load %arg7[%get3A_541, %get3A_542, %get3A_543] {strides = array<i32>} : memref<8x128x32xf32, #tpu.memory_space<vmem>>, vector<1x1x16xf32>,
        %get3A_545 = vector.shape_cast %get3A_544 : vector<1x1x16xf32> to vector<16xf32>
        %add3A_546 = arith.addf %get3A_545, %get3A_328 : vector<16xf32>
        %swap3A_547 = arith.constant 7 : i32
        %swap3A_548 = arith.index_cast %swap3A_547 : i32 to index
        %swap3A_549 = arith.index_cast %add3A_539 : i32 to index
        %swap3A_550 = arith.constant 0 : index
        %swap3A_551 = tpu.vector_load %arg7[%swap3A_548, %swap3A_549, %swap3A_550] {strides = array<i32>} : memref<8x128x32xf32, #tpu.memory_space<vmem>>, vector<1x1x16xf32>,
        %swap3A_552 = vector.shape_cast %swap3A_551 : vector<1x1x16xf32> to vector<16xf32>
        %swap3A_553 = vector.shape_cast %add3A_546 : vector<16xf32> to vector<1x1x16xf32>
        tpu.vector_store %arg7[%swap3A_548, %swap3A_549, %swap3A_550], %swap3A_553 {strides = array<i32>} : memref<8x128x32xf32, #tpu.memory_space<vmem>>, vector<1x1x16xf32>,
        %get3A_554 = arith.constant 7 : i32
        %get3A_555 = arith.index_cast %get3A_554 : i32 to index
        %get3A_556 = arith.index_cast %add3A_539 : i32 to index
        %get3A_557 = arith.constant 16 : index
        %get3A_558 = tpu.vector_load %arg7[%get3A_555, %get3A_556, %get3A_557] {strides = array<i32>} : memref<8x128x32xf32, #tpu.memory_space<vmem>>, vector<1x1x16xf32>,
        %get3A_559 = vector.shape_cast %get3A_558 : vector<1x1x16xf32> to vector<16xf32>
        %add3A_560 = arith.addf %get3A_559, %get3A_334 : vector<16xf32>
        %swap3A_561 = arith.constant 7 : i32
        %swap3A_562 = arith.index_cast %swap3A_561 : i32 to index
        %swap3A_563 = arith.index_cast %add3A_539 : i32 to index
        %swap3A_564 = arith.constant 16 : index
        %swap3A_565 = tpu.vector_load %arg7[%swap3A_562, %swap3A_563, %swap3A_564] {strides = array<i32>} : memref<8x128x32xf32, #tpu.memory_space<vmem>>, vector<1x1x16xf32>,
        %swap3A_566 = vector.shape_cast %swap3A_565 : vector<1x1x16xf32> to vector<16xf32>
        %swap3A_567 = vector.shape_cast %add3A_560 : vector<16xf32> to vector<1x1x16xf32>
        tpu.vector_store %arg7[%swap3A_562, %swap3A_563, %swap3A_564], %swap3A_567 {strides = array<i32>} : memref<8x128x32xf32, #tpu.memory_space<vmem>>, vector<1x1x16xf32>,
        %mul3A_568 = arith.constant 8 : i32
        %mul3A_569 = arith.muli %add3A_344, %mul3A_568 : i32
        %add3A_570 = arith.constant 7 : i32
        %add3A_571 = arith.addi %mul3A_569, %add3A_570 : i32
        %get3A_572 = arith.constant 7 : i32
        %get3A_573 = arith.index_cast %get3A_572 : i32 to index
        %get3A_574 = arith.index_cast %add3A_571 : i32 to index
        %get3A_575 = arith.constant 0 : index
        %get3A_576 = tpu.vector_load %arg7[%get3A_573, %get3A_574, %get3A_575] {strides = array<i32>} : memref<8x128x32xf32, #tpu.memory_space<vmem>>, vector<1x1x16xf32>,
        %get3A_577 = vector.shape_cast %get3A_576 : vector<1x1x16xf32> to vector<16xf32>
        %add3A_578 = arith.addf %get3A_577, %get3A_328 : vector<16xf32>
        %swap3A_579 = arith.constant 7 : i32
        %swap3A_580 = arith.index_cast %swap3A_579 : i32 to index
        %swap3A_581 = arith.index_cast %add3A_571 : i32 to index
        %swap3A_582 = arith.constant 0 : index
        %swap3A_583 = tpu.vector_load %arg7[%swap3A_580, %swap3A_581, %swap3A_582] {strides = array<i32>} : memref<8x128x32xf32, #tpu.memory_space<vmem>>, vector<1x1x16xf32>,
        %swap3A_584 = vector.shape_cast %swap3A_583 : vector<1x1x16xf32> to vector<16xf32>
        %swap3A_585 = vector.shape_cast %add3A_578 : vector<16xf32> to vector<1x1x16xf32>
        tpu.vector_store %arg7[%swap3A_580, %swap3A_581, %swap3A_582], %swap3A_585 {strides = array<i32>} : memref<8x128x32xf32, #tpu.memory_space<vmem>>, vector<1x1x16xf32>,
        %get3A_586 = arith.constant 7 : i32
        %get3A_587 = arith.index_cast %get3A_586 : i32 to index
        %get3A_588 = arith.index_cast %add3A_571 : i32 to index
        %get3A_589 = arith.constant 16 : index
        %get3A_590 = tpu.vector_load %arg7[%get3A_587, %get3A_588, %get3A_589] {strides = array<i32>} : memref<8x128x32xf32, #tpu.memory_space<vmem>>, vector<1x1x16xf32>,
        %get3A_591 = vector.shape_cast %get3A_590 : vector<1x1x16xf32> to vector<16xf32>
        %add3A_592 = arith.addf %get3A_591, %get3A_334 : vector<16xf32>
        %swap3A_593 = arith.constant 7 : i32
        %swap3A_594 = arith.index_cast %swap3A_593 : i32 to index
        %swap3A_595 = arith.index_cast %add3A_571 : i32 to index
        %swap3A_596 = arith.constant 16 : index
        %swap3A_597 = tpu.vector_load %arg7[%swap3A_594, %swap3A_595, %swap3A_596] {strides = array<i32>} : memref<8x128x32xf32, #tpu.memory_space<vmem>>, vector<1x1x16xf32>,
        %swap3A_598 = vector.shape_cast %swap3A_597 : vector<1x1x16xf32> to vector<16xf32>
        %swap3A_599 = vector.shape_cast %add3A_592 : vector<16xf32> to vector<1x1x16xf32>
        tpu.vector_store %arg7[%swap3A_594, %swap3A_595, %swap3A_596], %swap3A_599 {strides = array<i32>} : memref<8x128x32xf32, #tpu.memory_space<vmem>>, vector<1x1x16xf32>,
      }
      %scan3A_339 = arith.constant 16 : i32
      "tpu.region"() ({
        %run_scoped3A = tpu.sem_alloc : memref<!tpu.dma_semaphore, #tpu.memory_space<semaphore_mem>>
        %dma_start3A_340 = arith.constant 0 : i32
        %dma_start3A_341 = tpu.memref_slice %arg5[%multiple_of3A_14, %multiple_of3A, %dma_start3A_340] : memref<200x4096x32xf32, #tpu.memory_space<hbm>> -> memref<8x128x32xf32, #tpu.memory_space<hbm>>
        %dma_start3A_342 = arith.constant 0 : i32
        %dma_start3A_343 = tpu.memref_slice %arg5[%multiple_of3A_14, %multiple_of3A, %dma_start3A_342] : memref<200x4096x32xf32, #tpu.memory_space<hbm>> -> memref<8x128x32xf32, #tpu.memory_space<hbm>>
        tpu.enqueue_dma source(%arg7 : memref<8x128x32xf32, #tpu.memory_space<vmem>>) target(%dma_start3A_343 : memref<8x128x32xf32, #tpu.memory_space<hbm>>) target_semaphore(%run_scoped3A : memref<!tpu.dma_semaphore, #tpu.memory_space<semaphore_mem>>)
        %dma_wait3A_344 = arith.constant 0 : i32
        %dma_wait3A_345 = tpu.memref_slice %arg5[%multiple_of3A_14, %multiple_of3A, %dma_wait3A_344] : memref<200x4096x32xf32, #tpu.memory_space<hbm>> -> memref<8x128x32xf32, #tpu.memory_space<hbm>>
        %dma_wait3A_346 = arith.constant 0 : i32
        %dma_wait3A_347 = tpu.memref_slice %arg5[%multiple_of3A_14, %multiple_of3A, %dma_wait3A_346] : memref<200x4096x32xf32, #tpu.memory_space<hbm>> -> memref<8x128x32xf32, #tpu.memory_space<hbm>>
        tpu.wait_dma2 semaphore(%run_scoped3A : memref<!tpu.dma_semaphore, #tpu.memory_space<semaphore_mem>>) src(%arg7 : memref<8x128x32xf32, #tpu.memory_space<vmem>>) dst(%dma_wait3A_347 : memref<8x128x32xf32, #tpu.memory_space<hbm>>)
        tpu.yield
      }) : () -> ()
    }
    %scan3A_6 = arith.constant 25 : i32
    return
  }
}

module attributes {stable_mosaic.version = 14 : i64} {
  func.func @body(%arg0: i32, %arg1: memref<32x8192xf32, #tpu.memory_space<vmem>>, %arg2: memref<32x576xf32, #tpu.memory_space<vmem>>, %arg3: memref<2048x128xf32, #tpu.memory_space<vmem>>) attributes {dimension_semantics = [#tpu.dimension_semantics<arbitrary>], iteration_bounds = array<i64: 123>, scalar_prefetch = 0 : i64, scratch_operands = 0 : i64, tpu.core_type = #tpu.core_type<tc>, window_params = [{transform_indices = @transform_0, window_bounds = array<i64: 32, 8192>}, {pipeline_mode = #tpu.pipeline_mode<synchronous>, transform_indices = @transform_1, window_bounds = array<i64: 32, 576>}, {transform_indices = @transform_2, window_bounds = array<i64: 2048, 128>}]} {
    %lt3A = arith.constant 122 : i32
    %lt3A_0 = arith.cmpi slt, %arg0, %lt3A : i32
    %convert_element_type3A = arith.extui %lt3A_0 : i1 to i32
    %cond3A = arith.constant 0 : i32
    %cond3A_1 = arith.cmpi ne, %convert_element_type3A, %cond3A : i32
    scf.if %cond3A_1 {
      %get3A = arith.constant 0 : index
      %get3A_6 = arith.constant 0 : index
      %get3A_7 = vector.load %arg1[%get3A, %get3A_6] : memref<32x8192xf32, #tpu.memory_space<vmem>>, vector<32x8192xf32>
      %transpose3A = tpu.transpose %get3A_7, [1, 0] : vector<32x8192xf32> -> vector<8192x32xf32>
      %reshape3A = vector.shape_cast %transpose3A : vector<8192x32xf32> to vector<2048x4x32xf32>
      %slice3A = vector.extract_strided_slice %reshape3A {offsets = [0, 0, 0], sizes = [2048, 1, 32], strides = [1, 1, 1]} : vector<2048x4x32xf32> to vector<2048x1x32xf32>
      %squeeze3A = vector.shape_cast %slice3A : vector<2048x1x32xf32> to vector<2048x32xf32>
      %slice3A_8 = vector.extract_strided_slice %reshape3A {offsets = [0, 1, 0], sizes = [2048, 1, 32], strides = [1, 1, 1]} : vector<2048x4x32xf32> to vector<2048x1x32xf32>
      %squeeze3A_9 = vector.shape_cast %slice3A_8 : vector<2048x1x32xf32> to vector<2048x32xf32>
      %slice3A_10 = vector.extract_strided_slice %reshape3A {offsets = [0, 2, 0], sizes = [2048, 1, 32], strides = [1, 1, 1]} : vector<2048x4x32xf32> to vector<2048x1x32xf32>
      %squeeze3A_11 = vector.shape_cast %slice3A_10 : vector<2048x1x32xf32> to vector<2048x32xf32>
      %slice3A_12 = vector.extract_strided_slice %reshape3A {offsets = [0, 3, 0], sizes = [2048, 1, 32], strides = [1, 1, 1]} : vector<2048x4x32xf32> to vector<2048x1x32xf32>
      %squeeze3A_13 = vector.shape_cast %slice3A_12 : vector<2048x1x32xf32> to vector<2048x32xf32>
      %concatenate3A = tpu.concatenate %squeeze3A, %squeeze3A_9, %squeeze3A_11, %squeeze3A_13 in 1 : vector<2048x32xf32>, vector<2048x32xf32>, vector<2048x32xf32>, vector<2048x32xf32> -> vector<2048x128xf32>
      %swap3A = arith.constant 0 : index
      %swap3A_14 = arith.constant 0 : index
      %swap3A_15 = vector.load %arg3[%swap3A, %swap3A_14] : memref<2048x128xf32, #tpu.memory_space<vmem>>, vector<2048x128xf32>
      tpu.vector_store %arg3[%swap3A, %swap3A_14], %concatenate3A {strides = array<i32>} : memref<2048x128xf32, #tpu.memory_space<vmem>>, vector<2048x128xf32>,
    } else {
    }
    %eq3A = arith.constant 122 : i32
    %eq3A_2 = arith.cmpi eq, %arg0, %eq3A : i32
    %convert_element_type3A_3 = arith.extui %eq3A_2 : i1 to i32
    %cond3A_4 = arith.constant 0 : i32
    %cond3A_5 = arith.cmpi ne, %convert_element_type3A_3, %cond3A_4 : i32
    scf.if %cond3A_5 {
      %get3A = arith.constant 0 : index
      %get3A_6 = arith.constant 0 : index
      %get3A_7 = vector.load %arg2[%get3A, %get3A_6] : memref<32x576xf32, #tpu.memory_space<vmem>>, vector<32x576xf32>
      %transpose3A = tpu.transpose %get3A_7, [1, 0] : vector<32x576xf32> -> vector<576x32xf32>
      %reshape3A = vector.shape_cast %transpose3A : vector<576x32xf32> to vector<144x4x32xf32>
      %slice3A = vector.extract_strided_slice %reshape3A {offsets = [0, 0, 0], sizes = [144, 1, 32], strides = [1, 1, 1]} : vector<144x4x32xf32> to vector<144x1x32xf32>
      %squeeze3A = vector.shape_cast %slice3A : vector<144x1x32xf32> to vector<144x32xf32>
      %slice3A_8 = vector.extract_strided_slice %reshape3A {offsets = [0, 1, 0], sizes = [144, 1, 32], strides = [1, 1, 1]} : vector<144x4x32xf32> to vector<144x1x32xf32>
      %squeeze3A_9 = vector.shape_cast %slice3A_8 : vector<144x1x32xf32> to vector<144x32xf32>
      %slice3A_10 = vector.extract_strided_slice %reshape3A {offsets = [0, 2, 0], sizes = [144, 1, 32], strides = [1, 1, 1]} : vector<144x4x32xf32> to vector<144x1x32xf32>
      %squeeze3A_11 = vector.shape_cast %slice3A_10 : vector<144x1x32xf32> to vector<144x32xf32>
      %slice3A_12 = vector.extract_strided_slice %reshape3A {offsets = [0, 3, 0], sizes = [144, 1, 32], strides = [1, 1, 1]} : vector<144x4x32xf32> to vector<144x1x32xf32>
      %squeeze3A_13 = vector.shape_cast %slice3A_12 : vector<144x1x32xf32> to vector<144x32xf32>
      %concatenate3A = tpu.concatenate %squeeze3A, %squeeze3A_9, %squeeze3A_11, %squeeze3A_13 in 1 : vector<144x32xf32>, vector<144x32xf32>, vector<144x32xf32>, vector<144x32xf32> -> vector<144x128xf32>
      %swap3A = arith.constant 0 : index
      %swap3A_14 = arith.constant 0 : index
      %swap3A_15 = vector.load %arg3[%swap3A, %swap3A_14] : memref<2048x128xf32, #tpu.memory_space<vmem>>, vector<144x128xf32>
      tpu.vector_store %arg3[%swap3A, %swap3A_14], %concatenate3A {strides = array<i32>} : memref<2048x128xf32, #tpu.memory_space<vmem>>, vector<144x128xf32>,
    } else {
    }
    return
  }
  func.func @transform_0(%arg0: i32) -> (i32, i32) {
    %min3A = arith.constant 121 : i32
    %min3A_0 = arith.minsi %arg0, %min3A : i32
    %c0_i32 = arith.constant 0 : i32
    %c0_i32_1 = arith.constant 0 : i32
    return %c0_i32, %min3A_0 : i32, i32
  }
  func.func @transform_1(%arg0: i32) -> (i32, i32) {
    %c0_i32 = arith.constant 0 : i32
    %c0_i32_0 = arith.constant 0 : i32
    %c0_i32_1 = arith.constant 0 : i32
    return %c0_i32, %c0_i32_0 : i32, i32
  }
  func.func @transform_2(%arg0: i32) -> (i32, i32) {
    %c0_i32 = arith.constant 0 : i32
    %c0_i32_0 = arith.constant 0 : i32
    return %arg0, %c0_i32 : i32, i32
  }
}

</mosaic_0001>

<sc_bundles>
// kernel: kernel.4.cloned.1.call-start
scs
__scs_entry_jumppad:
0x0: {  	(pc) =	sbr.rel $0x88, $3  }
0x1: {  	(tag) =	ssettag $0x0;
	lr =	simm.s32 $0x1  }
0x2: {  	[smem:$0x3F9E] =	sst lr;
	_ =	strace $0xD0000000  }
0x3: {  	_ = 	snop  }
0x4: {  	_ = 	snop  }
0x5: {  	_ = 	snop  }
0x6: {  	_ = 	snop  }
0x7: {  	_ = 	snop  }
__scs_overlays_trampoline_lowered:
0x8: {  	[smem:$0x3FAD] =	sst s0  }
0x9: {  	[smem:$0x3FAE] =	sst s1  }
0xa: {  	[smem:$0x3FAF] =	sst s2  }
0xb: {  	[smem:$0x3FB0] =	sst s3  }
0xc: {  	[smem:$0x3FB1] =	sst s4  }
0xd: {  	[smem:$0x3FB2] =	sst s5  }
0xe: {  	[smem:$0x3FB3] =	sst s6  }
0xf: {  	[smem:$0x3FB4] =	sst s7  }
0x10: {  	[smem:$0x3FB5] =	sst s8  }
0x11: {  	[smem:$0x3FB6] =	sst s9;
	s0 =	simm.s32 @!p0 $0x0  }
0x12: {  	s1 =	sld [smem:$0x3F9C];
	s0 =	simm.s32 @p0 $0x1  }
0x13: {  	[smem:$0x3FB7] =	sst s0;
	s0 =	simm.s32 @!p1 $0x0  }
0x14: {  	s2 =	sld [smem:$0x3F9B];
	s0 =	simm.s32 @p1 $0x1  }
0x15: {  	[smem:$0x3FB8] =	sst s0;
	s0 =	simm.s32 @!p2 $0x0  }
0x16: {  	s3 =	sld [smem:$0x3FDB];
	s0 =	simm.s32 @p2 $0x1  }
0x17: {  	s4 =	simm.s32 $0x1BF5;
	[smem:$0x3FBA] =	sst s0  }
0x18: {  	s0 =	sld [smem:$0x3F9D];
	_ =	swait.ge [sflag:s4], $0x0  }
0x19: {  	s7 =	sld [smem:$0x3F9E]  }
0x1a: {  	s8 =	sadd.s32 $0xFFFFE003, lr  }
0x1b: {  	s9 =	sadd.s32 $0xFFFFFEF7, lr;
	s5 =	simm.s32 $0xFFFFFFFF;
	p2 =	slt.u32 s8, $0xFFFFF086  }
0x1c: {  	p1 =	slt.u32 s9, $0xF7A;
	s5 =	simm.s32 @!p2 $0x0  }
0x1d: {  	s5 =	simm.s32 @p1 $0x1;
	p0 =	seq.s32 s7, s2  }
0x1e: {  	s7 =	smul.u32 @!p0 $0xF7A, s2;
	p2 =	seq.s32 @!p0 s5, $0x0  }
0x1f: {  	s9 =	smul.u32 $0xF7A, s1;
	s8 =	simm.s32 @!p0 $0x1BF5;
	p2 =	por !p2, p0  }
0x20: {  	[sflag:s8] =	ssyncset.s32 @!p0 $0xFFFFF086;
	s6 =	sadd.s32 @!p0 s3, s7;
	s7 =	simm.s32 @!p0 $0x108  }
0x21: {  	s3 =	sadd.s32 s3, s9;
	s6 =	sadd.s32 @!p0 $0x88, s6;
	s7 =	simm.s32 @p2 $0x1082  }
0x22: {  	[simem:s7], [sflag:s8] =	dma.local @!p0 [hbm:s6], $0xF7A  }
0x23: {  	s9 =	sor.u32 $0xD0000000, s2;
	s6 =	simm.s32 $0x108;
	_ =	swait.ge @!p0 [sflag:s8], $0x0  }
0x24: {  	s3 =	sadd.s32 $0x88, s3;
	s6 =	simm.s32 @!p1 $0x1082;
	[sflag:s4] =	ssyncset.s32 $0xFFFFF086  }
0x25: {  	[simem:s6], [sflag:s4] =	dma.local [hbm:s3], $0xF7A  }
0x26: {  	[smem:$0x3F9E] =	sst s1;
	(tag) =	ssettag s2;
	_ =	strace s9  }
0x27: {  	s1 =	sld [smem:$0x3FAE]  }
0x28: {  	s2 =	sld [smem:$0x3FAF]  }
0x29: {  	s4 =	sld [smem:$0x3FB1]  }
0x2a: {  	p0 =	seq.s32 s5, $0x0;
	s5 =	sld [smem:$0x3FB2]  }
0x2b: {  	s6 =	sld [smem:$0x3FB3]  }
0x2c: {  	s7 =	sld [smem:$0x3FB4]  }
0x2d: {  	s3 =	simm.s32 $0x108;
	s8 =	sld [smem:$0x3FB5]  }
0x2e: {  	s3 =	simm.s32 @!p0 $0x1082;
	s9 =	sld [smem:$0x3FB6]  }
0x2f: {  	lr =	sadd.s32 s0, s3;
	s0 =	sld [smem:$0x3FAD]  }
0x30: {  	s3 =	sld [smem:$0x3FB0]  }
0x31: {  	[smem:$0x3FB9] =	sst s10  }
0x32: {  	s10 =	sld [smem:$0x3FB7];
	_ =	sdelay $0x3  }
0x33: {  	p0 =	seq.s32 s10, $0x1;
	s10 =	sld [smem:$0x3FB9];
	_ =	sdelay $0x3  }
0x34: {  	[smem:$0x3FB9] =	sst s10  }
0x35: {  	s10 =	sld [smem:$0x3FB8];
	_ =	sdelay $0x3  }
0x36: {  	p1 =	seq.s32 s10, $0x1;
	s10 =	sld [smem:$0x3FB9];
	_ =	sdelay $0x3  }
0x37: {  	[smem:$0x3FB9] =	sst s10  }
0x38: {  	s10 =	sld [smem:$0x3FBA]  }
0x39: {  	_ = 	snop;
	(pc) =	sbr.ind lr, $3  }
0x3a: {  	_ = 	snop  }
0x3b: {  	_ = 	snop  }
0x3c: {  	p2 =	seq.s32 s10, $0x1;
	s10 =	sld [smem:$0x3FB9]  }
0x3d: {  	_ =	shalt  }
0x3e: {  	_ =	shalt  }
0x3f: {  	_ =	shalt  }
0x40: {  	_ =	shalt  }
0x41: {  	_ =	shalt  }
0x42: {  	_ =	shalt  }
0x43: {  	_ =	shalt  }
0x44: {  	_ =	shalt  }
0x45: {  	_ =	shalt  }
0x46: {  	_ =	shalt  }
0x47: {  	_ =	shalt  }
0x48: {  	_ =	shalt  }
0x49: {  	_ =	shalt  }
0x4a: {  	_ =	shalt  }
0x4b: {  	_ =	shalt  }
0x4c: {  	_ =	shalt  }
0x4d: {  	_ =	shalt  }
0x4e: {  	_ =	shalt  }
0x4f: {  	_ =	shalt  }
0x50: {  	_ =	shalt  }
0x51: {  	_ =	shalt  }
0x52: {  	_ =	shalt  }
0x53: {  	_ =	shalt  }
0x54: {  	_ =	shalt  }
0x55: {  	_ =	shalt  }
0x56: {  	_ =	shalt  }
0x57: {  	_ =	shalt  }
0x58: {  	_ =	shalt  }
0x59: {  	_ =	shalt  }
0x5a: {  	_ =	shalt  }
0x5b: {  	_ =	shalt  }
0x5c: {  	_ =	shalt  }
0x5d: {  	_ =	shalt  }
0x5e: {  	_ =	shalt  }
0x5f: {  	_ =	shalt  }
0x60: {  	_ =	shalt  }
0x61: {  	_ =	shalt  }
0x62: {  	_ =	shalt  }
0x63: {  	_ =	shalt  }
0x64: {  	_ =	shalt  }
0x65: {  	_ =	shalt  }
0x66: {  	_ =	shalt  }
0x67: {  	_ =	shalt  }
0x68: {  	_ =	shalt  }
0x69: {  	_ =	shalt  }
0x6a: {  	_ =	shalt  }
0x6b: {  	_ =	shalt  }
0x6c: {  	_ =	shalt  }
0x6d: {  	_ =	shalt  }
0x6e: {  	_ =	shalt  }
0x6f: {  	_ =	shalt  }
0x70: {  	_ =	shalt  }
0x71: {  	_ =	shalt  }
0x72: {  	_ =	shalt  }
0x73: {  	_ =	shalt  }
0x74: {  	_ =	shalt  }
0x75: {  	_ =	shalt  }
0x76: {  	_ =	shalt  }
0x77: {  	_ =	shalt  }
0x78: {  	_ =	shalt  }
0x79: {  	_ =	shalt  }
0x7a: {  	_ =	shalt  }
0x7b: {  	_ =	shalt  }
0x7c: {  	_ =	shalt  }
0x7d: {  	_ =	shalt  }
0x7e: {  	_ =	shalt  }
0x7f: {  	_ =	shalt  }
0x80: {  	_ =	shalt  }
0x81: {  	_ =	shalt  }
0x82: {  	_ =	shalt  }
0x83: {  	_ =	shalt  }
0x84: {  	_ =	shalt  }
0x85: {  	_ =	shalt  }
0x86: {  	_ =	shalt  }
0x87: {  	_ =	shalt  }
.Lfunc_end0:
.L_simem_size_0:
called_computation.1_lowered:
.L_overlay_start_0:
0x88: {  	s2 =	sld [smem:$0x3FD9]  }
0x89: {  	s3 =	sld [smem:$0x3FFE];
	_ =	sdelay $0x1  }
0x8a: {  	s1 =	srdreg.scid  }
0x8b: {  	s0 =	sand.u32 $0x1, s1  }
0x8c: {  	s17 =	sshll.u32 s0, $0xA;
	s2 =	sadd.s32 s3, s2  }
0x8d: {  	s2 =	sadd.s32 s2, s17  }
0x8e: {  	[smem:$0x3FC5] =	sst s2  }
0x8f: {  	_ = 	snop  }
0x90: {  	s2 =	sld [smem:$0x3FD0];
	(tm) =	ssettm $0x1  }
0x91: {  	s18 =	sld [smem:$0x3FFB];
	_ =	sdelay $0x3  }
0x92: {  	_ =	strace s18  }
0x93: {  	s3 =	sld [smem:$0x3FFC];
	_ =	sdelay $0x3  }
0x94: {  	_ =	strace s3  }
0x95: {  	s3 =	sld [smem:$0x3FFD];
	_ =	sdelay $0x3  }
0x96: {  	_ =	strace s3  }
0x97: {  	_ =	strace $0x8FFFFFFF  }
0x98: {  	s19 =	sld [smem:$0x3FDB];
	_ =	sdelay $0x1  }
0x99: {  	s4 =	simm.s32 $_scs_section_size  }
0x9a: {  	s5 =	simm.s32 $_size__tile_overlayer_lowered;
	s6 =	simm.s32 $_tile_overlayer_lowered  }
0x9b: {  	s22 =	simm.s32 $0x1BFF;
	s21 =	sshll.u32 s6, $0x1;
	s3 =	sadd.s32 s4, s19  }
0x9c: {  	s7 =	simm.s32 $0x0;
	s20 =	sshll.u32 s5, $0x1;
	s5 =	sadd.s32 s21, s3  }
0x9d: {  	[timem:s7], [sflag:s22] =	dma.local [hbm:s5], s20  }
0x9e: {  	_ =	swait.ge [sflag:s22], s20  }
0x9f: {  	s4 =	ssub.s32 $0x0, s20;
	[sflag:s22] =	ssyncset.done $0x0  }
0xa0: {  	[sflag:s22] =	ssyncadd.s32 s4;
	_ =	sdelay $0x1  }
0xa1: {  	s23 =	simm.s32 $0x1B8B  }
0xa2: {  	_ =	swait.ge [sflag:s23], $0x1  }
0xa3: {  	[sflag:s23] =	ssyncset.done $0x0  }
0xa4: {  	s25 =	simm.s32 $0x1B8E;
	s24 =	sld [smem:$0x3FFE];
	[sflag:s23] =	ssyncadd.s32 $0xFFFFFFFF  }
0xa5: {  	s26 =	simm.s32 $execute0_lowered;
	[smem:$0x3FD2] =	sst s25  }
0xa6: {  	s5 =	sshll.u32 s26, $0x1;
	_ =	strace $0x80000046;
	[dreg:$0x1] =	wrdreg $0xFFFFFFFF  }
0xa7: {  	s28 =	simm.s32 $_size_execute0_lowered;
	s3 =	sadd.s32 s3, s5;
	[dreg:$0x0] =	wrdreg $0x0  }
0xa8: {  	s5 =	sshll.u32 s28, $0x1;
	[dreg:$0x2] =	wrdreg s3  }
0xa9: {  	[dreg:$0x3] =	wrdreg s5  }
0xaa: {  	[dreg:$0x4] =	wrdreg $0xC0  }
0xab: {  	_ =	task [dreg:s7], $0x5FFFF  }
0xac: {  	[dreg:$0x1] =	wrdreg $0xFFFFFFFF  }
0xad: {  	[dreg:$0x0] =	wrdreg $0x60  }
0xae: {  	[dreg:$0x2] =	wrdreg s24  }
0xaf: {  	[dreg:$0x3] =	wrdreg s2  }
0xb0: {  	[dreg:$0x4] =	wrdreg $0x9  }
0xb1: {  	_ =	task.clear_ibuf [dreg:s7], $0x5FFFF;
	_ =	strace $0x90000046  }
0xb2: {  	s29 =	simm.s32 $0x9;
	_ =	strace $0x80000048  }
0xb3: {  	_ =	swait.ge [sflag:s29], $0x1  }
0xb4: {  	[sflag:s29] =	ssyncadd.s32 $0xFFFFFFFF  }
0xb5: {  	_ =	strace $0x90000048  }
0xb6: {  	_ =	sfence  }
0xb7: {  	s30 =	sld [smem:$0x0];
	_ =	sdelay $0x2  }
0xb8: {  	s31 =	sshll.u32 s1, $0xD;
	s1 =	sshrl.u32 s1, $0x2  }
0xb9: {  	s3 =	sand.u32 $0x4000, s31;
	s1 =	sadd.s32 s1, s30  }
0xba: {  	s0 =	sor.u32 s3, s0;
	s1 =	sshll.u32 s1, $0x11  }
0xbb: {  	s0 =	sor.u32 s1, s0  }
0xbc: {  	s0 =	sadd.s32 $0x8F2B, s0  }
0xbd: {  	[sflag:s0] =	ssyncadd.remote.s32 $0x1  }
0xbe: {  	_ =	sfence.sel $0xFFFF  }
0xbf: {  	[dreg:$0x0] =	wrdreg $0xFFFFFFFF;
	(pc) =	sbr.abs _section_cstart, $3  }
0xc0: {  	[dreg:$0x1] =	wrdreg $0xFFFFFFFF  }
0xc1: {  	_ =	task.clear_ibuf [dreg:s7], $0x2FFFF;
	_ =	strace $0x9FFFFFFF  }
0xc2: {  	(tm) =	ssettm $0x7FFFFFFF  }
0xc3: {  	_ =	shalt  }
tec
execute0_lowered:
.L_overlay_start_1:
0x0: {  	(tag) =	ssettag $0x1  }
0x1: {  	s0 =	rddreg [dreg:$0x0]  }
0x2: {  	s1 =	rddreg [dreg:$0x1];
	s2 =	simm.s32 $0x0;
	s3 =	srdreg.scid  }
0x3: {  	s26 =	stileid.u32;
	s10 =	simm.s32 $0x2;
	s11 =	simm.s32 $0x80  }
0x4: {  	s12 =	simm.s32 $0x1000;
	s13 =	simm.s32 $0x400;
	s14 =	simm.s32 $0x1400  }
0x5: {  	s15 =	simm.s32 $0x100;
	s16 =	simm.s32 $0x2400;
	s17 =	simm.s32 $0x180  }
0x6: {  	s18 =	simm.s32 $0x3400;
	s19 =	simm.s32 $0x200;
	s20 =	simm.s32 $0x4400  }
0x7: {  	s21 =	simm.s32 $0x280;
	s22 =	simm.s32 $0x5400;
	s23 =	simm.s32 $0x300  }
0x8: {  	s24 =	simm.s32 $0x6400;
	s25 =	simm.s32 $0x380;
	s28 =	simm.s32 $0x1  }
0x9: {  	s29 =	simm.s32 $0x20000;
	s30 =	simm.s32 $0x0;
	[smem:$0x7FF] =	sst s2  }
0xa: {  	s3 =	sand.u32 $0x1, s3;
	s4 =	sshll.u32 s26, $0x8;
	s26 =	simm.s32 $0x7400  }
0xb: {  	_ =	strace $0x80000047;
	s6 =	ssub.s32 $0x2, s3;
	s5 =	sshll.u32 s3, $0x7  }
0xc: {  	s3 =	sadd.s32 $0xC00, s0;
	s7 =	sshrl.u32 s6, $0x1;
	s4 =	sor.u32 s5, s4  }
0xd: {  	s5 =	sadd.s32 $0x19C00, s0;
	s8 =	ssub.s32 s6, s7;
	s31 =	sshll.u32 s4, $0x2  }
0xe: {  	s6 =	sadd.s32 $0x800, s0;
	s7 =	sadd.s32 s1, s31;
	s8 =	smax.u32 s8, $0x1  }
.LBB2_1:
0xf: {  	s0 =	simm.s32 $0x0;
	s1 =	simm.s32 $0x8400  }
0x10: {  	[tilespmem:s1], [sflag:$0x2] =	stream.linear.gather [hbm4b:s6+s0], $0x1900, $0x38;
	[tilespmem:$0x9D00] =	vst v63  }
0x11: {  	_ =	swait.ge [sflag:s10], $0x1900  }
0x12: {  	[sflag:s10] =	ssyncset.done $0x0  }
0x13: {  	s31 =	simm.s32 $0x0;
	[sflag:s10] =	ssyncadd.s32 $0xFFFFE700  }
.LBB2_2:
0x14: {  	s0 =	sshll.u32 s31, $0xF  }
0x15: {  	s0 =	sor.u32 s4, s0  }
0x16: {  	s0 =	sshrl.u32 s0, $0x3  }
0x17: {  	s1 =	simm.s32 $0x0;
	s0 =	sadd.s32 s3, s0  }
0x18: {  	[tilespmem:s1], [sflag:$0x2] =	stream.strided.gather [hbm4b:s0+s11], $0x400, s12, s11, $0x38;
	[tilespmem:$0x9D00] =	vst v63  }
0x19: {  	_ =	swait.ge [sflag:s10], $0x400  }
0x1a: {  	[sflag:s10] =	ssyncset.done $0x0  }
0x1b: {  	[sflag:s10] =	ssyncadd.s32 $0xFFFFFC00  }
0x1c: {  	[tilespmem:s13], [sflag:$0x1] =	stream.indirect.gather [hbm4b:s5+s11], $0x20, s1, s11, $0xb8;
	[tilespmem:$0x9D00] =	vst v63  }
0x1d: {  	_ = 	snop  }
0x1e: {  	[tilespmem:s14], [sflag:$0x1] =	stream.indirect.gather [hbm4b:s5+s11], $0x20, s11, s11, $0xb8;
	[tilespmem:$0x9D00] =	vst v63  }
0x1f: {  	_ = 	snop  }
0x20: {  	[tilespmem:s16], [sflag:$0x1] =	stream.indirect.gather [hbm4b:s5+s11], $0x20, s15, s11, $0xb8;
	[tilespmem:$0x9D00] =	vst v63  }
0x21: {  	_ = 	snop  }
0x22: {  	[tilespmem:s18], [sflag:$0x1] =	stream.indirect.gather [hbm4b:s5+s11], $0x20, s17, s11, $0xb8;
	[tilespmem:$0x9D00] =	vst v63  }
0x23: {  	_ = 	snop  }
0x24: {  	[tilespmem:s20], [sflag:$0x1] =	stream.indirect.gather [hbm4b:s5+s11], $0x20, s19, s11, $0xb8;
	[tilespmem:$0x9D00] =	vst v63  }
0x25: {  	_ = 	snop  }
0x26: {  	[tilespmem:s22], [sflag:$0x1] =	stream.indirect.gather [hbm4b:s5+s11], $0x20, s21, s11, $0xb8;
	[tilespmem:$0x9D00] =	vst v63  }
0x27: {  	_ = 	snop  }
0x28: {  	[tilespmem:s24], [sflag:$0x1] =	stream.indirect.gather [hbm4b:s5+s11], $0x20, s23, s11, $0xb8;
	[tilespmem:$0x9D00] =	vst v63  }
0x29: {  	_ = 	snop  }
0x2a: {  	[tilespmem:s26], [sflag:$0x1] =	stream.indirect.gather [hbm4b:s5+s11], $0x20, s25, s11, $0xb8;
	[tilespmem:$0x9D00] =	vst v63  }
0x2b: {  	_ =	swait.ge [sflag:s28], $0x1000  }
0x2c: {  	[sflag:s28] =	ssyncset.done $0x0  }
0x2d: {  	[sflag:s28] =	ssyncadd.s32 $0xFFFFF000  }
0x2e: {  	_ =	swait.ge [sflag:s28], $0x1000  }
0x2f: {  	[sflag:s28] =	ssyncset.done $0x0  }
0x30: {  	[sflag:s28] =	ssyncadd.s32 $0xFFFFF000  }
0x31: {  	_ =	swait.ge [sflag:s28], $0x1000  }
0x32: {  	[sflag:s28] =	ssyncset.done $0x0  }
0x33: {  	[sflag:s28] =	ssyncadd.s32 $0xFFFFF000  }
0x34: {  	_ =	swait.ge [sflag:s28], $0x1000  }
0x35: {  	[sflag:s28] =	ssyncset.done $0x0  }
0x36: {  	[sflag:s28] =	ssyncadd.s32 $0xFFFFF000  }
0x37: {  	_ =	swait.ge [sflag:s28], $0x1000  }
0x38: {  	[sflag:s28] =	ssyncset.done $0x0  }
0x39: {  	[sflag:s28] =	ssyncadd.s32 $0xFFFFF000  }
0x3a: {  	_ =	swait.ge [sflag:s28], $0x1000  }
0x3b: {  	[sflag:s28] =	ssyncset.done $0x0  }
0x3c: {  	[sflag:s28] =	ssyncadd.s32 $0xFFFFF000  }
0x3d: {  	_ =	swait.ge [sflag:s28], $0x1000  }
0x3e: {  	[sflag:s28] =	ssyncset.done $0x0  }
0x3f: {  	[sflag:s28] =	ssyncadd.s32 $0xFFFFF000  }
0x40: {  	_ =	swait.ge [sflag:s28], $0x1000  }
0x41: {  	s9 =	sshll.u32 s31, $0x8;
	[sflag:s28] =	ssyncset.done $0x0  }
0x42: {  	s0 =	sand.u32 $0x3FFFFF00, s9;
	[sflag:s28] =	ssyncadd.s32 $0xFFFFF000  }
0x43: {  	v1 =	vld [tilespmem:s0+$0x8400]  }
0x44: {  	s1 =	simm.s32 $0x0;
	v0 =	vld [tilespmem:s0+$0x8410]  }
0x45: {  	v2 =	vld [tilespmem:s1+$0x400]  }
0x46: {  	v3 =	vld [tilespmem:s1+$0x410]  }
0x47: {  	v4 =	vld [tilespmem:s1+$0x420]  }
0x48: {  	v5 =	vld [tilespmem:s1+$0x430]  }
0x49: {  	v6 =	vld [tilespmem:s1+$0x440]  }
0x4a: {  	v7 =	vld [tilespmem:s1+$0x450];
	v2 =	vadd.f32 v2, v1  }
0x4b: {  	v8 =	vld [tilespmem:s1+$0x460];
	v3 =	vadd.f32 v3, v0  }
0x4c: {  	v9 =	vld [tilespmem:s1+$0x470];
	[tilespmem:s1+$0x400] =	vst v2;
	v2 =	vadd.f32 v4, v1  }
0x4d: {  	v10 =	vld [tilespmem:s1+$0x480];
	[tilespmem:s1+$0x410] =	vst v3;
	v3 =	vadd.f32 v5, v0  }
0x4e: {  	v11 =	vld [tilespmem:s1+$0x490];
	[tilespmem:s1+$0x420] =	vst v2;
	v2 =	vadd.f32 v6, v1  }
0x4f: {  	v4 =	vadd.f32 v7, v0;
	[tilespmem:s1+$0x430] =	vst v3;
	v3 =	vld [tilespmem:s1+$0x4A0]  }
0x50: {  	v5 =	vadd.f32 v8, v1;
	[tilespmem:s1+$0x440] =	vst v2;
	v2 =	vld [tilespmem:s1+$0x4B0]  }
0x51: {  	[tilespmem:s1+$0x450] =	vst v4;
	v4 =	vld [tilespmem:s1+$0x4C0];
	v6 =	vadd.f32 v9, v0  }
0x52: {  	v8 =	vadd.f32 v10, v1;
	[tilespmem:s1+$0x460] =	vst v5;
	v5 =	vld [tilespmem:s1+$0x4D0]  }
0x53: {  	s9 =	simm.s32 $0x400;
	v7 =	vadd.f32 v11, v0;
	[tilespmem:s1+$0x470] =	vst v6;
	v6 =	vld [tilespmem:s1+$0x4E0]  }
.LBB2_3:
0x54: {  	s2 =	sshra.s32 s9, $0x2;
	p0 =	sne.s32 s9, $0x3C00;
	[tilespmem:s1+$0x480] =	vst v8;
	v3 =	vadd.f32 v3, v1;
	v8 =	vld [tilespmem:s1+$0x4F0]  }
0x55: {  	v9 =	vld [tilespmem:s2+$0x400];
	[tilespmem:s1+$0x490] =	vst v7;
	v2 =	vadd.f32 v2, v0  }
0x56: {  	v7 =	vld [tilespmem:s2+$0x410];
	[tilespmem:s1+$0x4A0] =	vst v3;
	v3 =	vadd.f32 v4, v1  }
0x57: {  	v4 =	vld [tilespmem:s2+$0x420];
	[tilespmem:s1+$0x4B0] =	vst v2;
	v2 =	vadd.f32 v5, v0  }
0x58: {  	v5 =	vld [tilespmem:s2+$0x430];
	[tilespmem:s1+$0x4C0] =	vst v3;
	v3 =	vadd.f32 v6, v1  }
0x59: {  	v6 =	vld [tilespmem:s2+$0x440];
	[tilespmem:s1+$0x4D0] =	vst v2;
	v2 =	vadd.f32 v8, v0  }
0x5a: {  	v8 =	vadd.f32 v9, v1;
	v9 =	vld [tilespmem:s2+$0x450];
	[tilespmem:s1+$0x4E0] =	vst v3  }
0x5b: {  	v3 =	vadd.f32 v7, v0;
	v7 =	vld [tilespmem:s2+$0x460];
	[tilespmem:s1+$0x4F0] =	vst v2;
	s1 =	smov.u32 s2  }
0x5c: {  	[tilespmem:s1+$0x400] =	vst v8;
	v2 =	vadd.f32 v4, v1;
	v4 =	vld [tilespmem:s1+$0x470]  }
0x5d: {  	[tilespmem:s1+$0x410] =	vst v3;
	v3 =	vadd.f32 v5, v0;
	v5 =	vld [tilespmem:s1+$0x480]  }
0x5e: {  	[tilespmem:s1+$0x420] =	vst v2;
	v2 =	vadd.f32 v6, v1;
	v6 =	vld [tilespmem:s1+$0x490]  }
.Ltmp0:
0x5f: {  	[tilespmem:s1+$0x430] =	vst v3;
	v8 =	vadd.f32 v9, v0;
	v3 =	vld [tilespmem:s1+$0x4A0];
	(pc) =	sbr.rel @p0 .LBB2_3-.Ltmp0, $4  }
0x60: {  	[tilespmem:s1+$0x440] =	vst v2;
	v7 =	vadd.f32 v7, v1;
	v2 =	vld [tilespmem:s1+$0x4B0]  }
0x61: {  	[tilespmem:s1+$0x450] =	vst v8;
	v9 =	vadd.f32 v4, v0;
	v4 =	vld [tilespmem:s1+$0x4C0]  }
0x62: {  	[tilespmem:s1+$0x460] =	vst v7;
	v8 =	vadd.f32 v5, v1;
	v5 =	vld [tilespmem:s1+$0x4D0]  }
0x63: {  	s9 =	sadd.s32 $0x400, s9;
	[tilespmem:s1+$0x470] =	vst v9;
	v7 =	vadd.f32 v6, v0;
	v6 =	vld [tilespmem:s1+$0x4E0]  }
0x64: {  	[tilespmem:s1+$0x480] =	vst v8;
	v3 =	vadd.f32 v3, v1;
	v8 =	vld [tilespmem:s1+$0x4F0]  }
0x65: {  	[tilespmem:s1+$0x490] =	vst v7;
	v2 =	vadd.f32 v2, v0  }
0x66: {  	[tilespmem:s1+$0x4A0] =	vst v3;
	v3 =	vadd.f32 v4, v1  }
0x67: {  	[tilespmem:s1+$0x4B0] =	vst v2;
	v2 =	vadd.f32 v5, v0  }
0x68: {  	[tilespmem:s1+$0x4C0] =	vst v3;
	v1 =	vadd.f32 v6, v1  }
0x69: {  	[tilespmem:s1+$0x4D0] =	vst v2;
	v0 =	vadd.f32 v8, v0  }
0x6a: {  	[tilespmem:s1+$0x4E0] =	vst v1  }
0x6b: {  	[tilespmem:s1+$0x4F0] =	vst v0  }
0x6c: {  	v1 =	vld [tilespmem:s0+$0x8420]  }
0x6d: {  	s1 =	simm.s32 $0x0;
	v0 =	vld [tilespmem:s0+$0x8430]  }
0x6e: {  	v2 =	vld [tilespmem:s1+$0x1400]  }
0x6f: {  	v3 =	vld [tilespmem:s1+$0x1410]  }
0x70: {  	v4 =	vld [tilespmem:s1+$0x1420]  }
0x71: {  	v5 =	vld [tilespmem:s1+$0x1430]  }
0x72: {  	v6 =	vld [tilespmem:s1+$0x1440]  }
0x73: {  	v7 =	vld [tilespmem:s1+$0x1450];
	v2 =	vadd.f32 v2, v1  }
0x74: {  	v8 =	vld [tilespmem:s1+$0x1460];
	v3 =	vadd.f32 v3, v0  }
0x75: {  	v9 =	vld [tilespmem:s1+$0x1470];
	[tilespmem:s1+$0x1400] =	vst v2;
	v2 =	vadd.f32 v4, v1  }
0x76: {  	v10 =	vld [tilespmem:s1+$0x1480];
	[tilespmem:s1+$0x1410] =	vst v3;
	v3 =	vadd.f32 v5, v0  }
0x77: {  	v11 =	vld [tilespmem:s1+$0x1490];
	[tilespmem:s1+$0x1420] =	vst v2;
	v2 =	vadd.f32 v6, v1  }
0x78: {  	v4 =	vadd.f32 v7, v0;
	[tilespmem:s1+$0x1430] =	vst v3;
	v3 =	vld [tilespmem:s1+$0x14A0]  }
0x79: {  	v5 =	vadd.f32 v8, v1;
	[tilespmem:s1+$0x1440] =	vst v2;
	v2 =	vld [tilespmem:s1+$0x14B0]  }
0x7a: {  	[tilespmem:s1+$0x1450] =	vst v4;
	v4 =	vld [tilespmem:s1+$0x14C0];
	v6 =	vadd.f32 v9, v0  }
0x7b: {  	v8 =	vadd.f32 v10, v1;
	[tilespmem:s1+$0x1460] =	vst v5;
	v5 =	vld [tilespmem:s1+$0x14D0]  }
0x7c: {  	s9 =	simm.s32 $0x400;
	v7 =	vadd.f32 v11, v0;
	[tilespmem:s1+$0x1470] =	vst v6;
	v6 =	vld [tilespmem:s1+$0x14E0]  }
.LBB2_5:
0x7d: {  	s2 =	sshra.s32 s9, $0x2;
	p0 =	sne.s32 s9, $0x3C00;
	[tilespmem:s1+$0x1480] =	vst v8;
	v3 =	vadd.f32 v3, v1;
	v8 =	vld [tilespmem:s1+$0x14F0]  }
0x7e: {  	v9 =	vld [tilespmem:s2+$0x1400];
	[tilespmem:s1+$0x1490] =	vst v7;
	v2 =	vadd.f32 v2, v0  }
0x7f: {  	v7 =	vld [tilespmem:s2+$0x1410];
	[tilespmem:s1+$0x14A0] =	vst v3;
	v3 =	vadd.f32 v4, v1  }
0x80: {  	v4 =	vld [tilespmem:s2+$0x1420];
	[tilespmem:s1+$0x14B0] =	vst v2;
	v2 =	vadd.f32 v5, v0  }
0x81: {  	v5 =	vld [tilespmem:s2+$0x1430];
	[tilespmem:s1+$0x14C0] =	vst v3;
	v3 =	vadd.f32 v6, v1  }
0x82: {  	v6 =	vld [tilespmem:s2+$0x1440];
	[tilespmem:s1+$0x14D0] =	vst v2;
	v2 =	vadd.f32 v8, v0  }
0x83: {  	v8 =	vadd.f32 v9, v1;
	v9 =	vld [tilespmem:s2+$0x1450];
	[tilespmem:s1+$0x14E0] =	vst v3  }
0x84: {  	v3 =	vadd.f32 v7, v0;
	v7 =	vld [tilespmem:s2+$0x1460];
	[tilespmem:s1+$0x14F0] =	vst v2;
	s1 =	smov.u32 s2  }
0x85: {  	[tilespmem:s1+$0x1400] =	vst v8;
	v2 =	vadd.f32 v4, v1;
	v4 =	vld [tilespmem:s1+$0x1470]  }
0x86: {  	[tilespmem:s1+$0x1410] =	vst v3;
	v3 =	vadd.f32 v5, v0;
	v5 =	vld [tilespmem:s1+$0x1480]  }
0x87: {  	[tilespmem:s1+$0x1420] =	vst v2;
	v2 =	vadd.f32 v6, v1;
	v6 =	vld [tilespmem:s1+$0x1490]  }
.Ltmp1:
0x88: {  	[tilespmem:s1+$0x1430] =	vst v3;
	v8 =	vadd.f32 v9, v0;
	v3 =	vld [tilespmem:s1+$0x14A0];
	(pc) =	sbr.rel @p0 .LBB2_5-.Ltmp1, $4  }
0x89: {  	[tilespmem:s1+$0x1440] =	vst v2;
	v7 =	vadd.f32 v7, v1;
	v2 =	vld [tilespmem:s1+$0x14B0]  }
0x8a: {  	[tilespmem:s1+$0x1450] =	vst v8;
	v9 =	vadd.f32 v4, v0;
	v4 =	vld [tilespmem:s1+$0x14C0]  }
0x8b: {  	[tilespmem:s1+$0x1460] =	vst v7;
	v8 =	vadd.f32 v5, v1;
	v5 =	vld [tilespmem:s1+$0x14D0]  }
0x8c: {  	s9 =	sadd.s32 $0x400, s9;
	[tilespmem:s1+$0x1470] =	vst v9;
	v7 =	vadd.f32 v6, v0;
	v6 =	vld [tilespmem:s1+$0x14E0]  }
0x8d: {  	[tilespmem:s1+$0x1480] =	vst v8;
	v3 =	vadd.f32 v3, v1;
	v8 =	vld [tilespmem:s1+$0x14F0]  }
0x8e: {  	[tilespmem:s1+$0x1490] =	vst v7;
	v2 =	vadd.f32 v2, v0  }
0x8f: {  	[tilespmem:s1+$0x14A0] =	vst v3;
	v3 =	vadd.f32 v4, v1  }
0x90: {  	[tilespmem:s1+$0x14B0] =	vst v2;
	v2 =	vadd.f32 v5, v0  }
0x91: {  	[tilespmem:s1+$0x14C0] =	vst v3;
	v1 =	vadd.f32 v6, v1  }
0x92: {  	[tilespmem:s1+$0x14D0] =	vst v2;
	v0 =	vadd.f32 v8, v0  }
0x93: {  	[tilespmem:s1+$0x14E0] =	vst v1  }
0x94: {  	[tilespmem:s1+$0x14F0] =	vst v0  }
0x95: {  	v1 =	vld [tilespmem:s0+$0x8440]  }
0x96: {  	s1 =	simm.s32 $0x0;
	v0 =	vld [tilespmem:s0+$0x8450]  }
0x97: {  	v2 =	vld [tilespmem:s1+$0x2400]  }
0x98: {  	v3 =	vld [tilespmem:s1+$0x2410]  }
0x99: {  	v4 =	vld [tilespmem:s1+$0x2420]  }
0x9a: {  	v5 =	vld [tilespmem:s1+$0x2430]  }
0x9b: {  	v6 =	vld [tilespmem:s1+$0x2440]  }
0x9c: {  	v7 =	vld [tilespmem:s1+$0x2450];
	v2 =	vadd.f32 v2, v1  }
0x9d: {  	v8 =	vld [tilespmem:s1+$0x2460];
	v3 =	vadd.f32 v3, v0  }
0x9e: {  	v9 =	vld [tilespmem:s1+$0x2470];
	[tilespmem:s1+$0x2400] =	vst v2;
	v2 =	vadd.f32 v4, v1  }
0x9f: {  	v10 =	vld [tilespmem:s1+$0x2480];
	[tilespmem:s1+$0x2410] =	vst v3;
	v3 =	vadd.f32 v5, v0  }
0xa0: {  	v11 =	vld [tilespmem:s1+$0x2490];
	[tilespmem:s1+$0x2420] =	vst v2;
	v2 =	vadd.f32 v6, v1  }
0xa1: {  	v4 =	vadd.f32 v7, v0;
	[tilespmem:s1+$0x2430] =	vst v3;
	v3 =	vld [tilespmem:s1+$0x24A0]  }
0xa2: {  	v5 =	vadd.f32 v8, v1;
	[tilespmem:s1+$0x2440] =	vst v2;
	v2 =	vld [tilespmem:s1+$0x24B0]  }
0xa3: {  	[tilespmem:s1+$0x2450] =	vst v4;
	v4 =	vld [tilespmem:s1+$0x24C0];
	v6 =	vadd.f32 v9, v0  }
0xa4: {  	v8 =	vadd.f32 v10, v1;
	[tilespmem:s1+$0x2460] =	vst v5;
	v5 =	vld [tilespmem:s1+$0x24D0]  }
0xa5: {  	s9 =	simm.s32 $0x400;
	v7 =	vadd.f32 v11, v0;
	[tilespmem:s1+$0x2470] =	vst v6;
	v6 =	vld [tilespmem:s1+$0x24E0]  }
.LBB2_7:
0xa6: {  	s2 =	sshra.s32 s9, $0x2;
	p0 =	sne.s32 s9, $0x3C00;
	[tilespmem:s1+$0x2480] =	vst v8;
	v3 =	vadd.f32 v3, v1;
	v8 =	vld [tilespmem:s1+$0x24F0]  }
0xa7: {  	v9 =	vld [tilespmem:s2+$0x2400];
	[tilespmem:s1+$0x2490] =	vst v7;
	v2 =	vadd.f32 v2, v0  }
0xa8: {  	v7 =	vld [tilespmem:s2+$0x2410];
	[tilespmem:s1+$0x24A0] =	vst v3;
	v3 =	vadd.f32 v4, v1  }
0xa9: {  	v4 =	vld [tilespmem:s2+$0x2420];
	[tilespmem:s1+$0x24B0] =	vst v2;
	v2 =	vadd.f32 v5, v0  }
0xaa: {  	v5 =	vld [tilespmem:s2+$0x2430];
	[tilespmem:s1+$0x24C0] =	vst v3;
	v3 =	vadd.f32 v6, v1  }
0xab: {  	v6 =	vld [tilespmem:s2+$0x2440];
	[tilespmem:s1+$0x24D0] =	vst v2;
	v2 =	vadd.f32 v8, v0  }
0xac: {  	v8 =	vadd.f32 v9, v1;
	v9 =	vld [tilespmem:s2+$0x2450];
	[tilespmem:s1+$0x24E0] =	vst v3  }
0xad: {  	v3 =	vadd.f32 v7, v0;
	v7 =	vld [tilespmem:s2+$0x2460];
	[tilespmem:s1+$0x24F0] =	vst v2;
	s1 =	smov.u32 s2  }
0xae: {  	[tilespmem:s1+$0x2400] =	vst v8;
	v2 =	vadd.f32 v4, v1;
	v4 =	vld [tilespmem:s1+$0x2470]  }
0xaf: {  	[tilespmem:s1+$0x2410] =	vst v3;
	v3 =	vadd.f32 v5, v0;
	v5 =	vld [tilespmem:s1+$0x2480]  }
0xb0: {  	[tilespmem:s1+$0x2420] =	vst v2;
	v2 =	vadd.f32 v6, v1;
	v6 =	vld [tilespmem:s1+$0x2490]  }
.Ltmp2:
0xb1: {  	[tilespmem:s1+$0x2430] =	vst v3;
	v8 =	vadd.f32 v9, v0;
	v3 =	vld [tilespmem:s1+$0x24A0];
	(pc) =	sbr.rel @p0 .LBB2_7-.Ltmp2, $4  }
0xb2: {  	[tilespmem:s1+$0x2440] =	vst v2;
	v7 =	vadd.f32 v7, v1;
	v2 =	vld [tilespmem:s1+$0x24B0]  }
0xb3: {  	[tilespmem:s1+$0x2450] =	vst v8;
	v9 =	vadd.f32 v4, v0;
	v4 =	vld [tilespmem:s1+$0x24C0]  }
0xb4: {  	[tilespmem:s1+$0x2460] =	vst v7;
	v8 =	vadd.f32 v5, v1;
	v5 =	vld [tilespmem:s1+$0x24D0]  }
0xb5: {  	s9 =	sadd.s32 $0x400, s9;
	[tilespmem:s1+$0x2470] =	vst v9;
	v7 =	vadd.f32 v6, v0;
	v6 =	vld [tilespmem:s1+$0x24E0]  }
0xb6: {  	[tilespmem:s1+$0x2480] =	vst v8;
	v3 =	vadd.f32 v3, v1;
	v8 =	vld [tilespmem:s1+$0x24F0]  }
0xb7: {  	[tilespmem:s1+$0x2490] =	vst v7;
	v2 =	vadd.f32 v2, v0  }
0xb8: {  	[tilespmem:s1+$0x24A0] =	vst v3;
	v3 =	vadd.f32 v4, v1  }
0xb9: {  	[tilespmem:s1+$0x24B0] =	vst v2;
	v2 =	vadd.f32 v5, v0  }
0xba: {  	[tilespmem:s1+$0x24C0] =	vst v3;
	v1 =	vadd.f32 v6, v1  }
0xbb: {  	[tilespmem:s1+$0x24D0] =	vst v2;
	v0 =	vadd.f32 v8, v0  }
0xbc: {  	[tilespmem:s1+$0x24E0] =	vst v1  }
0xbd: {  	[tilespmem:s1+$0x24F0] =	vst v0  }
0xbe: {  	v1 =	vld [tilespmem:s0+$0x8460]  }
0xbf: {  	s1 =	simm.s32 $0x0;
	v0 =	vld [tilespmem:s0+$0x8470]  }
0xc0: {  	v2 =	vld [tilespmem:s1+$0x3400]  }
0xc1: {  	v3 =	vld [tilespmem:s1+$0x3410]  }
0xc2: {  	v4 =	vld [tilespmem:s1+$0x3420]  }
0xc3: {  	v5 =	vld [tilespmem:s1+$0x3430]  }
0xc4: {  	v6 =	vld [tilespmem:s1+$0x3440]  }
0xc5: {  	v7 =	vld [tilespmem:s1+$0x3450];
	v2 =	vadd.f32 v2, v1  }
0xc6: {  	v8 =	vld [tilespmem:s1+$0x3460];
	v3 =	vadd.f32 v3, v0  }
0xc7: {  	v9 =	vld [tilespmem:s1+$0x3470];
	[tilespmem:s1+$0x3400] =	vst v2;
	v2 =	vadd.f32 v4, v1  }
0xc8: {  	v10 =	vld [tilespmem:s1+$0x3480];
	[tilespmem:s1+$0x3410] =	vst v3;
	v3 =	vadd.f32 v5, v0  }
0xc9: {  	v11 =	vld [tilespmem:s1+$0x3490];
	[tilespmem:s1+$0x3420] =	vst v2;
	v2 =	vadd.f32 v6, v1  }
0xca: {  	v4 =	vadd.f32 v7, v0;
	[tilespmem:s1+$0x3430] =	vst v3;
	v3 =	vld [tilespmem:s1+$0x34A0]  }
0xcb: {  	v5 =	vadd.f32 v8, v1;
	[tilespmem:s1+$0x3440] =	vst v2;
	v2 =	vld [tilespmem:s1+$0x34B0]  }
0xcc: {  	[tilespmem:s1+$0x3450] =	vst v4;
	v4 =	vld [tilespmem:s1+$0x34C0];
	v6 =	vadd.f32 v9, v0  }
0xcd: {  	v8 =	vadd.f32 v10, v1;
	[tilespmem:s1+$0x3460] =	vst v5;
	v5 =	vld [tilespmem:s1+$0x34D0]  }
0xce: {  	s9 =	simm.s32 $0x400;
	v7 =	vadd.f32 v11, v0;
	[tilespmem:s1+$0x3470] =	vst v6;
	v6 =	vld [tilespmem:s1+$0x34E0]  }
.LBB2_9:
0xcf: {  	s2 =	sshra.s32 s9, $0x2;
	p0 =	sne.s32 s9, $0x3C00;
	[tilespmem:s1+$0x3480] =	vst v8;
	v3 =	vadd.f32 v3, v1;
	v8 =	vld [tilespmem:s1+$0x34F0]  }
0xd0: {  	v9 =	vld [tilespmem:s2+$0x3400];
	[tilespmem:s1+$0x3490] =	vst v7;
	v2 =	vadd.f32 v2, v0  }
0xd1: {  	v7 =	vld [tilespmem:s2+$0x3410];
	[tilespmem:s1+$0x34A0] =	vst v3;
	v3 =	vadd.f32 v4, v1  }
0xd2: {  	v4 =	vld [tilespmem:s2+$0x3420];
	[tilespmem:s1+$0x34B0] =	vst v2;
	v2 =	vadd.f32 v5, v0  }
0xd3: {  	v5 =	vld [tilespmem:s2+$0x3430];
	[tilespmem:s1+$0x34C0] =	vst v3;
	v3 =	vadd.f32 v6, v1  }
0xd4: {  	v6 =	vld [tilespmem:s2+$0x3440];
	[tilespmem:s1+$0x34D0] =	vst v2;
	v2 =	vadd.f32 v8, v0  }
0xd5: {  	v8 =	vadd.f32 v9, v1;
	v9 =	vld [tilespmem:s2+$0x3450];
	[tilespmem:s1+$0x34E0] =	vst v3  }
0xd6: {  	v3 =	vadd.f32 v7, v0;
	v7 =	vld [tilespmem:s2+$0x3460];
	[tilespmem:s1+$0x34F0] =	vst v2;
	s1 =	smov.u32 s2  }
0xd7: {  	[tilespmem:s1+$0x3400] =	vst v8;
	v2 =	vadd.f32 v4, v1;
	v4 =	vld [tilespmem:s1+$0x3470]  }
0xd8: {  	[tilespmem:s1+$0x3410] =	vst v3;
	v3 =	vadd.f32 v5, v0;
	v5 =	vld [tilespmem:s1+$0x3480]  }
0xd9: {  	[tilespmem:s1+$0x3420] =	vst v2;
	v2 =	vadd.f32 v6, v1;
	v6 =	vld [tilespmem:s1+$0x3490]  }
.Ltmp3:
0xda: {  	[tilespmem:s1+$0x3430] =	vst v3;
	v8 =	vadd.f32 v9, v0;
	v3 =	vld [tilespmem:s1+$0x34A0];
	(pc) =	sbr.rel @p0 .LBB2_9-.Ltmp3, $4  }
0xdb: {  	[tilespmem:s1+$0x3440] =	vst v2;
	v7 =	vadd.f32 v7, v1;
	v2 =	vld [tilespmem:s1+$0x34B0]  }
0xdc: {  	[tilespmem:s1+$0x3450] =	vst v8;
	v9 =	vadd.f32 v4, v0;
	v4 =	vld [tilespmem:s1+$0x34C0]  }
0xdd: {  	[tilespmem:s1+$0x3460] =	vst v7;
	v8 =	vadd.f32 v5, v1;
	v5 =	vld [tilespmem:s1+$0x34D0]  }
0xde: {  	s9 =	sadd.s32 $0x400, s9;
	[tilespmem:s1+$0x3470] =	vst v9;
	v7 =	vadd.f32 v6, v0;
	v6 =	vld [tilespmem:s1+$0x34E0]  }
0xdf: {  	[tilespmem:s1+$0x3480] =	vst v8;
	v3 =	vadd.f32 v3, v1;
	v8 =	vld [tilespmem:s1+$0x34F0]  }
0xe0: {  	[tilespmem:s1+$0x3490] =	vst v7;
	v2 =	vadd.f32 v2, v0  }
0xe1: {  	[tilespmem:s1+$0x34A0] =	vst v3;
	v3 =	vadd.f32 v4, v1  }
0xe2: {  	[tilespmem:s1+$0x34B0] =	vst v2;
	v2 =	vadd.f32 v5, v0  }
0xe3: {  	[tilespmem:s1+$0x34C0] =	vst v3;
	v1 =	vadd.f32 v6, v1  }
0xe4: {  	[tilespmem:s1+$0x34D0] =	vst v2;
	v0 =	vadd.f32 v8, v0  }
0xe5: {  	[tilespmem:s1+$0x34E0] =	vst v1  }
0xe6: {  	[tilespmem:s1+$0x34F0] =	vst v0  }
0xe7: {  	v1 =	vld [tilespmem:s0+$0x8480]  }
0xe8: {  	s1 =	simm.s32 $0x0;
	v0 =	vld [tilespmem:s0+$0x8490]  }
0xe9: {  	v2 =	vld [tilespmem:s1+$0x4400]  }
0xea: {  	v3 =	vld [tilespmem:s1+$0x4410]  }
0xeb: {  	v4 =	vld [tilespmem:s1+$0x4420]  }
0xec: {  	v5 =	vld [tilespmem:s1+$0x4430]  }
0xed: {  	v6 =	vld [tilespmem:s1+$0x4440]  }
0xee: {  	v7 =	vld [tilespmem:s1+$0x4450];
	v2 =	vadd.f32 v2, v1  }
0xef: {  	v8 =	vld [tilespmem:s1+$0x4460];
	v3 =	vadd.f32 v3, v0  }
0xf0: {  	v9 =	vld [tilespmem:s1+$0x4470];
	[tilespmem:s1+$0x4400] =	vst v2;
	v2 =	vadd.f32 v4, v1  }
0xf1: {  	v10 =	vld [tilespmem:s1+$0x4480];
	[tilespmem:s1+$0x4410] =	vst v3;
	v3 =	vadd.f32 v5, v0  }
0xf2: {  	v11 =	vld [tilespmem:s1+$0x4490];
	[tilespmem:s1+$0x4420] =	vst v2;
	v2 =	vadd.f32 v6, v1  }
0xf3: {  	v4 =	vadd.f32 v7, v0;
	[tilespmem:s1+$0x4430] =	vst v3;
	v3 =	vld [tilespmem:s1+$0x44A0]  }
0xf4: {  	v5 =	vadd.f32 v8, v1;
	[tilespmem:s1+$0x4440] =	vst v2;
	v2 =	vld [tilespmem:s1+$0x44B0]  }
0xf5: {  	[tilespmem:s1+$0x4450] =	vst v4;
	v4 =	vld [tilespmem:s1+$0x44C0];
	v6 =	vadd.f32 v9, v0  }
0xf6: {  	v8 =	vadd.f32 v10, v1;
	[tilespmem:s1+$0x4460] =	vst v5;
	v5 =	vld [tilespmem:s1+$0x44D0]  }
0xf7: {  	s9 =	simm.s32 $0x400;
	v7 =	vadd.f32 v11, v0;
	[tilespmem:s1+$0x4470] =	vst v6;
	v6 =	vld [tilespmem:s1+$0x44E0]  }
.LBB2_11:
0xf8: {  	s2 =	sshra.s32 s9, $0x2;
	p0 =	sne.s32 s9, $0x3C00;
	[tilespmem:s1+$0x4480] =	vst v8;
	v3 =	vadd.f32 v3, v1;
	v8 =	vld [tilespmem:s1+$0x44F0]  }
0xf9: {  	v9 =	vld [tilespmem:s2+$0x4400];
	[tilespmem:s1+$0x4490] =	vst v7;
	v2 =	vadd.f32 v2, v0  }
0xfa: {  	v7 =	vld [tilespmem:s2+$0x4410];
	[tilespmem:s1+$0x44A0] =	vst v3;
	v3 =	vadd.f32 v4, v1  }
0xfb: {  	v4 =	vld [tilespmem:s2+$0x4420];
	[tilespmem:s1+$0x44B0] =	vst v2;
	v2 =	vadd.f32 v5, v0  }
0xfc: {  	v5 =	vld [tilespmem:s2+$0x4430];
	[tilespmem:s1+$0x44C0] =	vst v3;
	v3 =	vadd.f32 v6, v1  }
0xfd: {  	v6 =	vld [tilespmem:s2+$0x4440];
	[tilespmem:s1+$0x44D0] =	vst v2;
	v2 =	vadd.f32 v8, v0  }
0xfe: {  	v8 =	vadd.f32 v9, v1;
	v9 =	vld [tilespmem:s2+$0x4450];
	[tilespmem:s1+$0x44E0] =	vst v3  }
0xff: {  	v3 =	vadd.f32 v7, v0;
	v7 =	vld [tilespmem:s2+$0x4460];
	[tilespmem:s1+$0x44F0] =	vst v2;
	s1 =	smov.u32 s2  }
0x100: {  	[tilespmem:s1+$0x4400] =	vst v8;
	v2 =	vadd.f32 v4, v1;
	v4 =	vld [tilespmem:s1+$0x4470]  }
0x101: {  	[tilespmem:s1+$0x4410] =	vst v3;
	v3 =	vadd.f32 v5, v0;
	v5 =	vld [tilespmem:s1+$0x4480]  }
0x102: {  	[tilespmem:s1+$0x4420] =	vst v2;
	v2 =	vadd.f32 v6, v1;
	v6 =	vld [tilespmem:s1+$0x4490]  }
.Ltmp4:
0x103: {  	[tilespmem:s1+$0x4430] =	vst v3;
	v8 =	vadd.f32 v9, v0;
	v3 =	vld [tilespmem:s1+$0x44A0];
	(pc) =	sbr.rel @p0 .LBB2_11-.Ltmp4, $4  }
0x104: {  	[tilespmem:s1+$0x4440] =	vst v2;
	v7 =	vadd.f32 v7, v1;
	v2 =	vld [tilespmem:s1+$0x44B0]  }
0x105: {  	[tilespmem:s1+$0x4450] =	vst v8;
	v9 =	vadd.f32 v4, v0;
	v4 =	vld [tilespmem:s1+$0x44C0]  }
0x106: {  	[tilespmem:s1+$0x4460] =	vst v7;
	v8 =	vadd.f32 v5, v1;
	v5 =	vld [tilespmem:s1+$0x44D0]  }
0x107: {  	s9 =	sadd.s32 $0x400, s9;
	[tilespmem:s1+$0x4470] =	vst v9;
	v7 =	vadd.f32 v6, v0;
	v6 =	vld [tilespmem:s1+$0x44E0]  }
0x108: {  	[tilespmem:s1+$0x4480] =	vst v8;
	v3 =	vadd.f32 v3, v1;
	v8 =	vld [tilespmem:s1+$0x44F0]  }
0x109: {  	[tilespmem:s1+$0x4490] =	vst v7;
	v2 =	vadd.f32 v2, v0  }
0x10a: {  	[tilespmem:s1+$0x44A0] =	vst v3;
	v3 =	vadd.f32 v4, v1  }
0x10b: {  	[tilespmem:s1+$0x44B0] =	vst v2;
	v2 =	vadd.f32 v5, v0  }
0x10c: {  	[tilespmem:s1+$0x44C0] =	vst v3;
	v1 =	vadd.f32 v6, v1  }
0x10d: {  	[tilespmem:s1+$0x44D0] =	vst v2;
	v0 =	vadd.f32 v8, v0  }
0x10e: {  	[tilespmem:s1+$0x44E0] =	vst v1  }
0x10f: {  	[tilespmem:s1+$0x44F0] =	vst v0  }
0x110: {  	v1 =	vld [tilespmem:s0+$0x84A0]  }
0x111: {  	s1 =	simm.s32 $0x0;
	v0 =	vld [tilespmem:s0+$0x84B0]  }
0x112: {  	v2 =	vld [tilespmem:s1+$0x5400]  }
0x113: {  	v3 =	vld [tilespmem:s1+$0x5410]  }
0x114: {  	v4 =	vld [tilespmem:s1+$0x5420]  }
0x115: {  	v5 =	vld [tilespmem:s1+$0x5430]  }
0x116: {  	v6 =	vld [tilespmem:s1+$0x5440]  }
0x117: {  	v7 =	vld [tilespmem:s1+$0x5450];
	v2 =	vadd.f32 v2, v1  }
0x118: {  	v8 =	vld [tilespmem:s1+$0x5460];
	v3 =	vadd.f32 v3, v0  }
0x119: {  	v9 =	vld [tilespmem:s1+$0x5470];
	[tilespmem:s1+$0x5400] =	vst v2;
	v2 =	vadd.f32 v4, v1  }
0x11a: {  	v10 =	vld [tilespmem:s1+$0x5480];
	[tilespmem:s1+$0x5410] =	vst v3;
	v3 =	vadd.f32 v5, v0  }
0x11b: {  	v11 =	vld [tilespmem:s1+$0x5490];
	[tilespmem:s1+$0x5420] =	vst v2;
	v2 =	vadd.f32 v6, v1  }
0x11c: {  	v4 =	vadd.f32 v7, v0;
	[tilespmem:s1+$0x5430] =	vst v3;
	v3 =	vld [tilespmem:s1+$0x54A0]  }
0x11d: {  	v5 =	vadd.f32 v8, v1;
	[tilespmem:s1+$0x5440] =	vst v2;
	v2 =	vld [tilespmem:s1+$0x54B0]  }
0x11e: {  	[tilespmem:s1+$0x5450] =	vst v4;
	v4 =	vld [tilespmem:s1+$0x54C0];
	v6 =	vadd.f32 v9, v0  }
0x11f: {  	v8 =	vadd.f32 v10, v1;
	[tilespmem:s1+$0x5460] =	vst v5;
	v5 =	vld [tilespmem:s1+$0x54D0]  }
0x120: {  	s9 =	simm.s32 $0x400;
	v7 =	vadd.f32 v11, v0;
	[tilespmem:s1+$0x5470] =	vst v6;
	v6 =	vld [tilespmem:s1+$0x54E0]  }
.LBB2_13:
0x121: {  	s2 =	sshra.s32 s9, $0x2;
	p0 =	sne.s32 s9, $0x3C00;
	[tilespmem:s1+$0x5480] =	vst v8;
	v3 =	vadd.f32 v3, v1;
	v8 =	vld [tilespmem:s1+$0x54F0]  }
0x122: {  	v9 =	vld [tilespmem:s2+$0x5400];
	[tilespmem:s1+$0x5490] =	vst v7;
	v2 =	vadd.f32 v2, v0  }
0x123: {  	v7 =	vld [tilespmem:s2+$0x5410];
	[tilespmem:s1+$0x54A0] =	vst v3;
	v3 =	vadd.f32 v4, v1  }
0x124: {  	v4 =	vld [tilespmem:s2+$0x5420];
	[tilespmem:s1+$0x54B0] =	vst v2;
	v2 =	vadd.f32 v5, v0  }
0x125: {  	v5 =	vld [tilespmem:s2+$0x5430];
	[tilespmem:s1+$0x54C0] =	vst v3;
	v3 =	vadd.f32 v6, v1  }
0x126: {  	v6 =	vld [tilespmem:s2+$0x5440];
	[tilespmem:s1+$0x54D0] =	vst v2;
	v2 =	vadd.f32 v8, v0  }
0x127: {  	v8 =	vadd.f32 v9, v1;
	v9 =	vld [tilespmem:s2+$0x5450];
	[tilespmem:s1+$0x54E0] =	vst v3  }
0x128: {  	v3 =	vadd.f32 v7, v0;
	v7 =	vld [tilespmem:s2+$0x5460];
	[tilespmem:s1+$0x54F0] =	vst v2;
	s1 =	smov.u32 s2  }
0x129: {  	[tilespmem:s1+$0x5400] =	vst v8;
	v2 =	vadd.f32 v4, v1;
	v4 =	vld [tilespmem:s1+$0x5470]  }
0x12a: {  	[tilespmem:s1+$0x5410] =	vst v3;
	v3 =	vadd.f32 v5, v0;
	v5 =	vld [tilespmem:s1+$0x5480]  }
0x12b: {  	[tilespmem:s1+$0x5420] =	vst v2;
	v2 =	vadd.f32 v6, v1;
	v6 =	vld [tilespmem:s1+$0x5490]  }
.Ltmp5:
0x12c: {  	[tilespmem:s1+$0x5430] =	vst v3;
	v8 =	vadd.f32 v9, v0;
	v3 =	vld [tilespmem:s1+$0x54A0];
	(pc) =	sbr.rel @p0 .LBB2_13-.Ltmp5, $4  }
0x12d: {  	[tilespmem:s1+$0x5440] =	vst v2;
	v7 =	vadd.f32 v7, v1;
	v2 =	vld [tilespmem:s1+$0x54B0]  }
0x12e: {  	[tilespmem:s1+$0x5450] =	vst v8;
	v9 =	vadd.f32 v4, v0;
	v4 =	vld [tilespmem:s1+$0x54C0]  }
0x12f: {  	[tilespmem:s1+$0x5460] =	vst v7;
	v8 =	vadd.f32 v5, v1;
	v5 =	vld [tilespmem:s1+$0x54D0]  }
0x130: {  	s9 =	sadd.s32 $0x400, s9;
	[tilespmem:s1+$0x5470] =	vst v9;
	v7 =	vadd.f32 v6, v0;
	v6 =	vld [tilespmem:s1+$0x54E0]  }
0x131: {  	[tilespmem:s1+$0x5480] =	vst v8;
	v3 =	vadd.f32 v3, v1;
	v8 =	vld [tilespmem:s1+$0x54F0]  }
0x132: {  	[tilespmem:s1+$0x5490] =	vst v7;
	v2 =	vadd.f32 v2, v0  }
0x133: {  	[tilespmem:s1+$0x54A0] =	vst v3;
	v3 =	vadd.f32 v4, v1  }
0x134: {  	[tilespmem:s1+$0x54B0] =	vst v2;
	v2 =	vadd.f32 v5, v0  }
0x135: {  	[tilespmem:s1+$0x54C0] =	vst v3;
	v1 =	vadd.f32 v6, v1  }
0x136: {  	[tilespmem:s1+$0x54D0] =	vst v2;
	v0 =	vadd.f32 v8, v0  }
0x137: {  	[tilespmem:s1+$0x54E0] =	vst v1  }
0x138: {  	[tilespmem:s1+$0x54F0] =	vst v0  }
0x139: {  	v1 =	vld [tilespmem:s0+$0x84C0]  }
0x13a: {  	s1 =	simm.s32 $0x0;
	v0 =	vld [tilespmem:s0+$0x84D0]  }
0x13b: {  	v2 =	vld [tilespmem:s1+$0x6400]  }
0x13c: {  	v3 =	vld [tilespmem:s1+$0x6410]  }
0x13d: {  	v4 =	vld [tilespmem:s1+$0x6420]  }
0x13e: {  	v5 =	vld [tilespmem:s1+$0x6430]  }
0x13f: {  	v6 =	vld [tilespmem:s1+$0x6440]  }
0x140: {  	v7 =	vld [tilespmem:s1+$0x6450];
	v2 =	vadd.f32 v2, v1  }
0x141: {  	v8 =	vld [tilespmem:s1+$0x6460];
	v3 =	vadd.f32 v3, v0  }
0x142: {  	v9 =	vld [tilespmem:s1+$0x6470];
	[tilespmem:s1+$0x6400] =	vst v2;
	v2 =	vadd.f32 v4, v1  }
0x143: {  	v10 =	vld [tilespmem:s1+$0x6480];
	[tilespmem:s1+$0x6410] =	vst v3;
	v3 =	vadd.f32 v5, v0  }
0x144: {  	v11 =	vld [tilespmem:s1+$0x6490];
	[tilespmem:s1+$0x6420] =	vst v2;
	v2 =	vadd.f32 v6, v1  }
0x145: {  	v4 =	vadd.f32 v7, v0;
	[tilespmem:s1+$0x6430] =	vst v3;
	v3 =	vld [tilespmem:s1+$0x64A0]  }
0x146: {  	v5 =	vadd.f32 v8, v1;
	[tilespmem:s1+$0x6440] =	vst v2;
	v2 =	vld [tilespmem:s1+$0x64B0]  }
0x147: {  	[tilespmem:s1+$0x6450] =	vst v4;
	v4 =	vld [tilespmem:s1+$0x64C0];
	v6 =	vadd.f32 v9, v0  }
0x148: {  	v8 =	vadd.f32 v10, v1;
	[tilespmem:s1+$0x6460] =	vst v5;
	v5 =	vld [tilespmem:s1+$0x64D0]  }
0x149: {  	s9 =	simm.s32 $0x400;
	v7 =	vadd.f32 v11, v0;
	[tilespmem:s1+$0x6470] =	vst v6;
	v6 =	vld [tilespmem:s1+$0x64E0]  }
.LBB2_15:
0x14a: {  	s2 =	sshra.s32 s9, $0x2;
	p0 =	sne.s32 s9, $0x3C00;
	[tilespmem:s1+$0x6480] =	vst v8;
	v3 =	vadd.f32 v3, v1;
	v8 =	vld [tilespmem:s1+$0x64F0]  }
0x14b: {  	v9 =	vld [tilespmem:s2+$0x6400];
	[tilespmem:s1+$0x6490] =	vst v7;
	v2 =	vadd.f32 v2, v0  }
0x14c: {  	v7 =	vld [tilespmem:s2+$0x6410];
	[tilespmem:s1+$0x64A0] =	vst v3;
	v3 =	vadd.f32 v4, v1  }
0x14d: {  	v4 =	vld [tilespmem:s2+$0x6420];
	[tilespmem:s1+$0x64B0] =	vst v2;
	v2 =	vadd.f32 v5, v0  }
0x14e: {  	v5 =	vld [tilespmem:s2+$0x6430];
	[tilespmem:s1+$0x64C0] =	vst v3;
	v3 =	vadd.f32 v6, v1  }
0x14f: {  	v6 =	vld [tilespmem:s2+$0x6440];
	[tilespmem:s1+$0x64D0] =	vst v2;
	v2 =	vadd.f32 v8, v0  }
0x150: {  	v8 =	vadd.f32 v9, v1;
	v9 =	vld [tilespmem:s2+$0x6450];
	[tilespmem:s1+$0x64E0] =	vst v3  }
0x151: {  	v3 =	vadd.f32 v7, v0;
	v7 =	vld [tilespmem:s2+$0x6460];
	[tilespmem:s1+$0x64F0] =	vst v2;
	s1 =	smov.u32 s2  }
0x152: {  	[tilespmem:s1+$0x6400] =	vst v8;
	v2 =	vadd.f32 v4, v1;
	v4 =	vld [tilespmem:s1+$0x6470]  }
0x153: {  	[tilespmem:s1+$0x6410] =	vst v3;
	v3 =	vadd.f32 v5, v0;
	v5 =	vld [tilespmem:s1+$0x6480]  }
0x154: {  	[tilespmem:s1+$0x6420] =	vst v2;
	v2 =	vadd.f32 v6, v1;
	v6 =	vld [tilespmem:s1+$0x6490]  }
.Ltmp6:
0x155: {  	[tilespmem:s1+$0x6430] =	vst v3;
	v8 =	vadd.f32 v9, v0;
	v3 =	vld [tilespmem:s1+$0x64A0];
	(pc) =	sbr.rel @p0 .LBB2_15-.Ltmp6, $4  }
0x156: {  	[tilespmem:s1+$0x6440] =	vst v2;
	v7 =	vadd.f32 v7, v1;
	v2 =	vld [tilespmem:s1+$0x64B0]  }
0x157: {  	[tilespmem:s1+$0x6450] =	vst v8;
	v9 =	vadd.f32 v4, v0;
	v4 =	vld [tilespmem:s1+$0x64C0]  }
0x158: {  	[tilespmem:s1+$0x6460] =	vst v7;
	v8 =	vadd.f32 v5, v1;
	v5 =	vld [tilespmem:s1+$0x64D0]  }
0x159: {  	s9 =	sadd.s32 $0x400, s9;
	[tilespmem:s1+$0x6470] =	vst v9;
	v7 =	vadd.f32 v6, v0;
	v6 =	vld [tilespmem:s1+$0x64E0]  }
0x15a: {  	[tilespmem:s1+$0x6480] =	vst v8;
	v3 =	vadd.f32 v3, v1;
	v8 =	vld [tilespmem:s1+$0x64F0]  }
0x15b: {  	[tilespmem:s1+$0x6490] =	vst v7;
	v2 =	vadd.f32 v2, v0  }
0x15c: {  	[tilespmem:s1+$0x64A0] =	vst v3;
	v3 =	vadd.f32 v4, v1  }
0x15d: {  	[tilespmem:s1+$0x64B0] =	vst v2;
	v2 =	vadd.f32 v5, v0  }
0x15e: {  	[tilespmem:s1+$0x64C0] =	vst v3;
	v1 =	vadd.f32 v6, v1  }
0x15f: {  	[tilespmem:s1+$0x64D0] =	vst v2;
	v0 =	vadd.f32 v8, v0  }
0x160: {  	[tilespmem:s1+$0x64E0] =	vst v1  }
0x161: {  	[tilespmem:s1+$0x64F0] =	vst v0  }
0x162: {  	v1 =	vld [tilespmem:s0+$0x84E0]  }
0x163: {  	v0 =	vld [tilespmem:s0+$0x84F0];
	s0 =	simm.s32 $0x0  }
0x164: {  	v2 =	vld [tilespmem:s0+$0x7400]  }
0x165: {  	v3 =	vld [tilespmem:s0+$0x7410]  }
0x166: {  	v4 =	vld [tilespmem:s0+$0x7420]  }
0x167: {  	v5 =	vld [tilespmem:s0+$0x7430]  }
0x168: {  	v6 =	vld [tilespmem:s0+$0x7440]  }
0x169: {  	v7 =	vld [tilespmem:s0+$0x7450];
	v2 =	vadd.f32 v2, v1  }
0x16a: {  	v8 =	vld [tilespmem:s0+$0x7460];
	v3 =	vadd.f32 v3, v0  }
0x16b: {  	v9 =	vld [tilespmem:s0+$0x7470];
	[tilespmem:s0+$0x7400] =	vst v2;
	v2 =	vadd.f32 v4, v1  }
0x16c: {  	v10 =	vld [tilespmem:s0+$0x7480];
	[tilespmem:s0+$0x7410] =	vst v3;
	v3 =	vadd.f32 v5, v0  }
0x16d: {  	v11 =	vld [tilespmem:s0+$0x7490];
	[tilespmem:s0+$0x7420] =	vst v2;
	v2 =	vadd.f32 v6, v1  }
0x16e: {  	v4 =	vadd.f32 v7, v0;
	[tilespmem:s0+$0x7430] =	vst v3;
	v3 =	vld [tilespmem:s0+$0x74A0]  }
0x16f: {  	v5 =	vadd.f32 v8, v1;
	[tilespmem:s0+$0x7440] =	vst v2;
	v2 =	vld [tilespmem:s0+$0x74B0]  }
0x170: {  	[tilespmem:s0+$0x7450] =	vst v4;
	v4 =	vld [tilespmem:s0+$0x74C0];
	v6 =	vadd.f32 v9, v0  }
0x171: {  	v8 =	vadd.f32 v10, v1;
	[tilespmem:s0+$0x7460] =	vst v5;
	v5 =	vld [tilespmem:s0+$0x74D0]  }
0x172: {  	s1 =	simm.s32 $0x400;
	v7 =	vadd.f32 v11, v0;
	[tilespmem:s0+$0x7470] =	vst v6;
	v6 =	vld [tilespmem:s0+$0x74E0]  }
.LBB2_17:
0x173: {  	s2 =	sshra.s32 s1, $0x2;
	p0 =	sne.s32 s1, $0x3C00;
	[tilespmem:s0+$0x7480] =	vst v8;
	v3 =	vadd.f32 v3, v1;
	v8 =	vld [tilespmem:s0+$0x74F0]  }
0x174: {  	v9 =	vld [tilespmem:s2+$0x7400];
	[tilespmem:s0+$0x7490] =	vst v7;
	v2 =	vadd.f32 v2, v0  }
0x175: {  	v7 =	vld [tilespmem:s2+$0x7410];
	[tilespmem:s0+$0x74A0] =	vst v3;
	v3 =	vadd.f32 v4, v1  }
0x176: {  	v4 =	vld [tilespmem:s2+$0x7420];
	[tilespmem:s0+$0x74B0] =	vst v2;
	v2 =	vadd.f32 v5, v0  }
0x177: {  	v5 =	vld [tilespmem:s2+$0x7430];
	[tilespmem:s0+$0x74C0] =	vst v3;
	v3 =	vadd.f32 v6, v1  }
0x178: {  	v6 =	vld [tilespmem:s2+$0x7440];
	[tilespmem:s0+$0x74D0] =	vst v2;
	v2 =	vadd.f32 v8, v0  }
0x179: {  	v8 =	vadd.f32 v9, v1;
	v9 =	vld [tilespmem:s2+$0x7450];
	[tilespmem:s0+$0x74E0] =	vst v3  }
0x17a: {  	v3 =	vadd.f32 v7, v0;
	v7 =	vld [tilespmem:s2+$0x7460];
	[tilespmem:s0+$0x74F0] =	vst v2;
	s0 =	smov.u32 s2  }
0x17b: {  	[tilespmem:s0+$0x7400] =	vst v8;
	v2 =	vadd.f32 v4, v1;
	v4 =	vld [tilespmem:s0+$0x7470]  }
0x17c: {  	[tilespmem:s0+$0x7410] =	vst v3;
	v3 =	vadd.f32 v5, v0;
	v5 =	vld [tilespmem:s0+$0x7480]  }
0x17d: {  	[tilespmem:s0+$0x7420] =	vst v2;
	v2 =	vadd.f32 v6, v1;
	v6 =	vld [tilespmem:s0+$0x7490]  }
.Ltmp7:
0x17e: {  	[tilespmem:s0+$0x7430] =	vst v3;
	v8 =	vadd.f32 v9, v0;
	v3 =	vld [tilespmem:s0+$0x74A0];
	(pc) =	sbr.rel @p0 .LBB2_17-.Ltmp7, $4  }
0x17f: {  	[tilespmem:s0+$0x7440] =	vst v2;
	v7 =	vadd.f32 v7, v1;
	v2 =	vld [tilespmem:s0+$0x74B0]  }
0x180: {  	[tilespmem:s0+$0x7450] =	vst v8;
	v9 =	vadd.f32 v4, v0;
	v4 =	vld [tilespmem:s0+$0x74C0]  }
0x181: {  	[tilespmem:s0+$0x7460] =	vst v7;
	v8 =	vadd.f32 v5, v1;
	v5 =	vld [tilespmem:s0+$0x74D0]  }
0x182: {  	s1 =	sadd.s32 $0x400, s1;
	[tilespmem:s0+$0x7470] =	vst v9;
	v7 =	vadd.f32 v6, v0;
	v6 =	vld [tilespmem:s0+$0x74E0]  }
0x183: {  	[tilespmem:s0+$0x7480] =	vst v8;
	v3 =	vadd.f32 v3, v1;
	v59 =	vld [tilespmem:s0+$0x74F0]  }
0x184: {  	[tilespmem:s0+$0x7490] =	vst v7;
	v2 =	vadd.f32 v2, v0  }
0x185: {  	[tilespmem:s0+$0x74A0] =	vst v3;
	v60 =	vadd.f32 v4, v1  }
0x186: {  	[tilespmem:s0+$0x74B0] =	vst v2;
	v61 =	vadd.f32 v5, v0  }
0x187: {  	[tilespmem:s0+$0x74C0] =	vst v60;
	v62 =	vadd.f32 v6, v1  }
0x188: {  	s1 =	sshll.u32 s31, $0x11;
	s31 =	sadd.s32 $0x1, s31;
	[tilespmem:s0+$0x74D0] =	vst v61;
	v63 =	vadd.f32 v59, v0  }
0x189: {  	p0 =	sne.s32 s31, $0x19;
	[tilespmem:s0+$0x74E0] =	vst v62  }
.Ltmp8:
0x18a: {  	s9 =	sadd.s32 s1, s7;
	[tilespmem:s0+$0x74F0] =	vst v63;
	(pc) =	sbr.rel @p0 .LBB2_2-.Ltmp8, $4  }
0x18b: {  	[hbm4b:s9+s12] =	stream.strided.scatter [tilespmem:s13], [sflag:$0x2], $0x8000, s29, s12, $0x38;
	[tilespmem:$0x9D00] =	vst v63  }
0x18c: {  	_ =	swait.ge [sflag:s10], $0x8000  }
0x18d: {  	[sflag:s10] =	ssyncset.done $0x0  }
0x18e: {  	[sflag:s10] =	ssyncadd.s32 $0xFFFF8000  }
0x18f: {  	s30 =	sadd.s32 $0x1, s30  }
0x190: {  	p0 =	sne.s32 s30, s8  }
.Ltmp9:
0x191: {  	_ = 	snop;
	(pc) =	sbr.rel @p0 .LBB2_1-.Ltmp9, $1  }
0x192: {  	_ =	sdelay $0x3  }
0x193: {  	_ =	sfence.sel $0x180000  }
0x194: {  	[bflag:$0x0] =	sbarrier.arrive $0xFFFF  }
0x195: {  	_ =	strace $0x90000047  }
0x196: {  	s0 =	stileid.u32;
	[bflag:$0x2] =	sbarrier.arrive $0xFFFF  }
0x197: {  	p0 =	sne.s32 s0, $0x0;
	s0 =	rddreg [dreg:$0x2]  }
0x198: {  	s0 =	sadd.s32 @!p0 $0x100000, s0  }
0x199: {  	[sflag:s0] =	ssyncadd.tile.s32 @!p0 $0x1;
	_ =	shalt  }
.Lfunc_end2:
_tile_overlayer_lowered:
.L_overlay_start_2:
0x19a: {  	(tag) =	ssettag $0x2  }
0x19b: {  	s0 =	rddreg [dreg:$0x0];
	s2 =	stileid.u32  }
0x19c: {  	s1 =	rddreg [dreg:$0x1];
	p0 =	sne.s32 s2, $0x0  }
0x19d: {  	s3 =	rddreg [dreg:$0x2];
	[bflag:$0x3] =	sbarrier.arrive $0xFFFF;
	s2 =	simm.s32 @!p0 $0x1C02  }
0x19e: {  	[timem:s3], [sflag:s2] =	dma.local @!p0 [hbm:s0], s1  }
0x19f: {  	s0 =	simm.s32 @!p0 $0x2  }
0x1a0: {  	_ =	swait.ge @!p0 [sflag:s0], s1  }
0x1a1: {  	s1 =	ssub.s32 @!p0 $0x0, s1;
	[sflag:s0] =	ssyncset.done @!p0 $0x0  }
0x1a2: {  	[sflag:s0] =	ssyncadd.s32 @!p0 s1  }
0x1a3: {  	[bflag:$0x3] =	sbarrier.arrive $0xFFFF  }
0x1a4: {  	_ =	shalt  }

// kernel: sparse-core-data-format-call.cloned.1.call-start
scs
called_computation_lowered:
.L_overlay_start_0:
0x0: {  	s2 =	sld [smem:$0x3FD9]  }
0x1: {  	s3 =	sld [smem:$0x3FFE];
	_ =	sdelay $0x1  }
0x2: {  	s1 =	srdreg.scid  }
0x3: {  	s0 =	sand.u32 $0x1, s1  }
0x4: {  	s18 =	sshll.u32 s0, $0xA;
	s2 =	sadd.s32 s3, s2  }
0x5: {  	s2 =	sadd.s32 s2, s18  }
0x6: {  	[smem:$0x3FC5] =	sst s2  }
0x7: {  	_ = 	snop  }
0x8: {  	s2 =	sld [smem:$0x3FD0];
	(tm) =	ssettm $0x1  }
0x9: {  	s19 =	sld [smem:$0x3FFB];
	_ =	sdelay $0x3  }
0xa: {  	_ =	strace s19  }
0xb: {  	s3 =	sld [smem:$0x3FFC];
	_ =	sdelay $0x3  }
0xc: {  	_ =	strace s3  }
0xd: {  	s3 =	sld [smem:$0x3FFD];
	_ =	sdelay $0x3  }
0xe: {  	_ =	strace s3  }
0xf: {  	_ =	strace $0x8FFFFFFF  }
0x10: {  	s20 =	sld [smem:$0x3FDB];
	_ =	sdelay $0x1  }
0x11: {  	s4 =	simm.s32 $_scs_section_size  }
0x12: {  	s5 =	simm.s32 $_size__tile_overlayer_lowered;
	s6 =	simm.s32 $_tile_overlayer_lowered  }
0x13: {  	s23 =	simm.s32 $0x1BFF;
	s22 =	sshll.u32 s6, $0x1;
	s3 =	sadd.s32 s4, s20  }
0x14: {  	s7 =	simm.s32 $0x0;
	s21 =	sshll.u32 s5, $0x1;
	s5 =	sadd.s32 s22, s3  }
0x15: {  	[timem:s7], [sflag:s23] =	dma.local [hbm:s5], s21  }
0x16: {  	_ =	swait.ge [sflag:s23], s21  }
0x17: {  	s4 =	ssub.s32 $0x0, s21;
	[sflag:s23] =	ssyncset.done $0x0  }
0x18: {  	[sflag:s23] =	ssyncadd.s32 s4;
	_ =	sdelay $0x1  }
0x19: {  	s24 =	simm.s32 $0x1B8B  }
0x1a: {  	_ =	swait.ge [sflag:s24], $0x1  }
0x1b: {  	[sflag:s24] =	ssyncset.done $0x0  }
0x1c: {  	s26 =	simm.s32 $0x1B8E;
	s25 =	sld [smem:$0x3FFE];
	[sflag:s24] =	ssyncadd.s32 $0xFFFFFFFF  }
0x1d: {  	s27 =	simm.s32 $execute0_lowered;
	[smem:$0x3FD2] =	sst s26  }
0x1e: {  	s5 =	sshll.u32 s27, $0x1;
	_ =	strace $0x80000049;
	[dreg:$0x1] =	wrdreg $0xFFFFFFFF  }
0x1f: {  	s28 =	simm.s32 $_size_execute0_lowered;
	s3 =	sadd.s32 s3, s5;
	[dreg:$0x0] =	wrdreg $0x0  }
0x20: {  	s5 =	sshll.u32 s28, $0x1;
	[dreg:$0x2] =	wrdreg s3  }
0x21: {  	[dreg:$0x3] =	wrdreg s5  }
0x22: {  	[dreg:$0x4] =	wrdreg $0xC0  }
0x23: {  	_ =	task [dreg:s7], $0x5FFFF  }
0x24: {  	[dreg:$0x1] =	wrdreg $0xFFFFFFFF  }
0x25: {  	[dreg:$0x0] =	wrdreg $0x60  }
0x26: {  	[dreg:$0x2] =	wrdreg s25  }
0x27: {  	[dreg:$0x3] =	wrdreg s2  }
0x28: {  	[dreg:$0x4] =	wrdreg $0x9  }
0x29: {  	_ =	task.clear_ibuf [dreg:s7], $0x5FFFF;
	_ =	strace $0x90000049  }
0x2a: {  	s29 =	simm.s32 $0x9;
	_ =	strace $0x8000004B  }
0x2b: {  	_ =	swait.ge [sflag:s29], $0x1  }
0x2c: {  	[sflag:s29] =	ssyncadd.s32 $0xFFFFFFFF  }
0x2d: {  	_ =	strace $0x9000004B  }
0x2e: {  	_ =	sfence  }
0x2f: {  	s30 =	sld [smem:$0x0];
	_ =	sdelay $0x2  }
0x30: {  	s31 =	sshll.u32 s1, $0xD;
	s1 =	sshrl.u32 s1, $0x2  }
0x31: {  	s3 =	sand.u32 $0x4000, s31;
	s1 =	sadd.s32 s1, s30  }
0x32: {  	s0 =	sor.u32 s3, s0;
	s1 =	sshll.u32 s1, $0x11  }
0x33: {  	s0 =	sor.u32 s1, s0  }
0x34: {  	s0 =	sadd.s32 $0x8F2B, s0  }
0x35: {  	[sflag:s0] =	ssyncadd.remote.s32 $0x1  }
0x36: {  	_ =	sfence.sel $0xFFFF  }
0x37: {  	[dreg:$0x0] =	wrdreg $0xFFFFFFFF;
	(pc) =	sbr.abs _section_cstart, $3  }
0x38: {  	[dreg:$0x1] =	wrdreg $0xFFFFFFFF  }
0x39: {  	_ =	task.clear_ibuf [dreg:s7], $0x2FFFF;
	_ =	strace $0x9FFFFFFF  }
0x3a: {  	(tm) =	ssettm $0x7FFFFFFF  }
0x3b: {  	_ =	shalt  }
tec
execute0_lowered:
.L_overlay_start_1:
0x0: {  	(tag) =	ssettag $0x1  }
0x1: {  	s0 =	srdreg.scid;
	s5 =	rddreg [dreg:$0x0]  }
0x2: {  	s2 =	rddreg [dreg:$0x1];
	s1 =	sshll.u32 s0, $0x4  }
0x3: {  	s9 =	simm.s32 $0x2;
	s0 =	stileid.u32;
	s1 =	sand.u32 $0x10, s1  }
0x4: {  	s15 =	simm.s32 $0x0;
	s11 =	simm.s32 $0x400;
	s4 =	sor.u32 s0, s1  }
0x5: {  	s12 =	simm.s32 $0x8000;
	s16 =	simm.s32 $0x0;
	s3 =	sshll.u32 s4, $0x7  }
0x6: {  	s13 =	simm.s32 $0x0;
	s1 =	rddreg [dreg:$0x2];
	s6 =	ssub.s32 $0x1000, s3  }
0x7: {  	_ =	strace $0x8000004A;
	s8 =	sshll.u32 s4, $0xB;
	s7 =	sand.u32 $0xF80, s6  }
0x8: {  	s4 =	simm.s32 $0x1;
	p0 =	sne.s32 s7, $0x0;
	s7 =	simm.s32 $0x1  }
.Ltmp0:
0x9: {  	s6 =	sshrl.u32 s6, $0xC;
	s7 =	simm.s32 @!p0 $0x0;
	(pc) =	sbr.rel .LBB1_1-.Ltmp0, $4  }
0xa: {  	s14 =	simm.s32 $0x0;
	[sflag:s4] =	ssyncpa.u1 $0x0;
	s6 =	sadd.s32 s7, s6  }
0xb: {  	s10 =	sadd.s32 s8, s5;
	[sflag:s9] =	ssyncpa.u1 $0x0;
	s5 =	smul.u32 $0x32, s6  }
0xc: {  	s8 =	sadd.s32 $0x20800, s10;
	s9 =	sadd.s32 $0x30800, s10;
	p0 =	por $0x0, $0x0  }
0xd: {  	s7 =	sadd.s32 $0x10800, s10;
	s6 =	sadd.s32 $0x800, s10;
	s10 =	sor.u32 $0x1, s5  }
.LBB1_7:
0xe: {  	s17 =	sadd.s32 $0x4, s13  }
0xf: {  	p2 =	sgt.s32 s17, $0xC7  }
0x10: {  	s17 =	simm.s32 @p2 $0x0;
	p2 =	sne.s32 s14, s10  }
.Ltmp1:
0x11: {  	p1 =	slt.u32 s14, $0x2;
	(pc) =	sbr.rel @!p2 .LBB1_8-.Ltmp1, $4  }
0x12: {  	s15 =	simm.s32 @!p1 $0x2  }
0x13: {  	s18 =	sadd.s32 $0x1, s14;
	s16 =	smov.u32 s13;
	_ =	swait.ge @!p1 [sflag:s15], $0x4000  }
0x14: {  	p0 =	por !p0, !p0;
	s14 =	smov.u32 s18;
	[sflag:s15] =	ssyncset.done @!p1 $0x0  }
0x15: {  	s13 =	smov.u32 s17;
	[sflag:s15] =	ssyncadd.s32 @!p1 $0xFFFFC000;
	s15 =	smov.u32 s3  }
.LBB1_1:
0x16: {  	p1 =	sge.u32 s14, s5  }
0x17: {  	s17 =	sxor.u32 @!p1 $0xFFFFFFFF, s14  }
0x18: {  	s18 =	sshll.u32 @!p1 s13, $0x10;
	s20 =	simm.s32 @!p1 $0x20;
	s17 =	sshll.u32 @!p1 s17, $0xE  }
0x19: {  	s21 =	simm.s32 @!p1 $0x80;
	s19 =	sadd.s32 @!p1 s18, s6;
	s17 =	sand.u32 @!p1 $0x4000, s17  }
0x1a: {  	[tilespmem:s17], [sflag:$0x1] =	stream.strided.gather @!p1 [hbm4b:s19+s20], $0x1000, s21, s20, $0x38;
	[tilespmem:$0x10100] =	vst v63  }
0x1b: {  	s19 =	sadd.s32 @!p1 s18, s7;
	s22 =	sor.u32 @!p1 $0x1000, s17  }
0x1c: {  	[tilespmem:s22], [sflag:$0x1] =	stream.strided.gather @!p1 [hbm4b:s19+s20], $0x1000, s21, s20, $0x38;
	[tilespmem:$0x10100] =	vst v63  }
0x1d: {  	s19 =	sadd.s32 @!p1 s18, s8;
	s22 =	sor.u32 @!p1 $0x2000, s17  }
0x1e: {  	[tilespmem:s22], [sflag:$0x1] =	stream.strided.gather @!p1 [hbm4b:s19+s20], $0x1000, s21, s20, $0x38;
	[tilespmem:$0x10100] =	vst v63  }
0x1f: {  	s31 =	sadd.s32 $0xFFFFFFFF, s14;
	s18 =	sadd.s32 @!p1 s18, s9;
	s17 =	sor.u32 @!p1 $0x3000, s17  }
0x20: {  	[tilespmem:s17], [sflag:$0x1] =	stream.strided.gather @!p1 [hbm4b:s18+s20], $0x1000, s21, s20, $0x38;
	[tilespmem:$0x10100] =	vst v63  }
0x21: {  	p1 =	sge.u32 s31, s5  }
.Ltmp2:
0x22: {  	_ = 	snop;
	(pc) =	sbr.rel @p1 .LBB1_7-.Ltmp2, $1  }
0x23: {  	_ =	sdelay $0x3  }
0x24: {  	s18 =	simm.s32 $0x1;
	s19 =	sand.u32 $0x1, s14  }
0x25: {  	_ =	swait.ge [sflag:s4], $0x4000;
	s18 =	simm.s32 @!p0 $0x0;
	s20 =	smul.u32 $0x10200, s19  }
0x26: {  	[sflag:s4] =	ssyncset.done $0x0;
	s17 =	smul.u32 $0x10200, s18  }
0x27: {  	s18 =	sshll.u32 s18, $0xE;
	[sflag:s4] =	ssyncadd.s32 $0xFFFFC000  }
0x28: {  	s19 =	sor.u32 $0x10, s18;
	s31 =	sshrl.u32 s20, $0x2;
	s17 =	sshrl.u32 s17, $0x2  }
0x29: {  	s20 =	simm.s32 $0x0;
	s18 =	sor.u32 $0x8000, s31;
	s17 =	sor.u32 $0x8000, s17  }
.LBB1_3:
0x2a: {  	v1 =	vld [tilespmem:s19+$0x0]  }
0x2b: {  	v0 =	vld [tilespmem:s19+$0xFFFFFFF0];
	_ =	sdelay $0x2  }
0x2c: {  	s23 =	sadd.s32 $0x0, s17  }
0x2d: {  	s21 =	simm.s32 $0x4;
	s22 =	sadd.s32 $0x20, s19;
	[tilespmem:s23+$0x810 ss:$0x81] =	vst.msk $0xffff, v1  }
.LBB1_4:
0x2e: {  	v1 =	vld [tilespmem:s22+$0x0];
	p1 =	sne.s32 s21, $0x1FC;
	[tilespmem:s23+$0x0 ss:$0x81] =	vst.msk $0xffff, v0;
	s23 =	smov.u32 s21;
	s21 =	sadd.s32 $0x4, s21  }
.Ltmp3:
0x2f: {  	v0 =	vld [tilespmem:s22+$0xFFFFFFF0];
	(pc) =	sbr.rel @p1 .LBB1_4-.Ltmp3, $4  }
0x30: {  	_ = 	snop  }
0x31: {  	s23 =	sshra.s32 s23, $0x2  }
0x32: {  	s23 =	sadd.s32 s23, s17  }
0x33: {  	s22 =	sadd.s32 $0x20, s22;
	[tilespmem:s23+$0x810 ss:$0x81] =	vst.msk $0xffff, v1  }
0x34: {  	s20 =	sadd.s32 $0x1, s20  }
0x35: {  	p1 =	sne.s32 s20, $0x4  }
.Ltmp4:
0x36: {  	_ = 	snop;
	(pc) =	sbr.rel @p1 .LBB1_3-.Ltmp4, $2  }
0x37: {  	_ =	sdelay $0x2  }
0x38: {  	[tilespmem:s23+$0x0 ss:$0x81] =	vst.msk $0xffff, v0;
	s17 =	sadd.s32 $0x1020, s17;
	s19 =	sadd.s32 $0x1000, s19  }
.Ltmp5:
0x39: {  	(pc) =	sbr.rel .LBB1_7-.Ltmp5, $4  }
0x3a: {  	s16 =	sshll.u32 s16, $0xE  }
0x3b: {  	s16 =	sadd.s32 s2, s16  }
0x3c: {  	s15 =	sadd.s32 s15, s16  }
0x3d: {  	[hbm4b:s15+s11] =	stream.strided.scatter [tilespmem:s18], [sflag:$0x2], $0x4000, s12, s11, $0x20;
	[tilespmem:$0x10100] =	vst v63  }
.LBB1_8:
0x3e: {  	_ =	sfence.sel $0x180000  }
0x3f: {  	s2 =	simm.s32 $0x1;
	[bflag:$0x0] =	sbarrier.arrive $0xFFFF  }
0x40: {  	s31 =	simm.s32 $0x2;
	[sflag:s2] =	ssyncpa.u1 $0x1  }
0x41: {  	[sflag:s31] =	ssyncpa.u1 $0x1  }
0x42: {  	p0 =	sne.s32 s0, $0x0;
	_ =	strace $0x9000004A  }
0x43: {  	s0 =	sadd.s32 @!p0 $0x100000, s1;
	[bflag:$0x2] =	sbarrier.arrive $0xFFFF  }
0x44: {  	[sflag:s0] =	ssyncadd.tile.s32 @!p0 $0x1;
	_ =	shalt  }
.Lfunc_end1:
_tile_overlayer_lowered:
.L_overlay_start_2:
0x45: {  	(tag) =	ssettag $0x2  }
0x46: {  	s0 =	rddreg [dreg:$0x0];
	s2 =	stileid.u32  }
0x47: {  	s1 =	rddreg [dreg:$0x1];
	p0 =	sne.s32 s2, $0x0  }
0x48: {  	s3 =	rddreg [dreg:$0x2];
	[bflag:$0x3] =	sbarrier.arrive $0xFFFF;
	s2 =	simm.s32 @!p0 $0x1C01  }
0x49: {  	[timem:s3], [sflag:s2] =	dma.local @!p0 [hbm:s0], s1  }
0x4a: {  	s0 =	simm.s32 @!p0 $0x1  }
0x4b: {  	_ =	swait.ge @!p0 [sflag:s0], s1  }
0x4c: {  	s1 =	ssub.s32 @!p0 $0x0, s1;
	[sflag:s0] =	ssyncset.done @!p0 $0x0  }
0x4d: {  	[sflag:s0] =	ssyncadd.s32 @!p0 s1  }
0x4e: {  	[bflag:$0x3] =	sbarrier.arrive $0xFFFF  }
0x4f: {  	_ =	shalt  }

</sc_bundles>
